<compile_context>
chip_gen: v7x
topology: tpu7x:2x2x1
jax: 0.10.2.dev20260603
libtpu: 0.0.44.dev20260713+nightly
codegen_flags: <defaults>
</compile_context>

<pallas_src>
import functools

import jax
import jax.numpy as jnp
from jax import lax
from jax.experimental import pallas as pl
from jax.experimental.pallas import tpu as pltpu
from jax.experimental.pallas import tpu_sc as plsc

N = 10000
H = 128
NG = 64
NODE_VOCAB = 28
NLAYER = 3

NC = 2
NS = 16
NW = NC * NS
CH = 128
CPW = 80
EPW = CPW * CH
EPAD = NW * EPW
ACC_ROWS = 10112
ZRPT = ACC_ROWS // NS
GCH = 40

@functools.lru_cache(maxsize=None)
def _get_msg_kernel():
    mesh = plsc.VectorSubcoreMesh(core_axis_name="c", subcore_axis_name="s")

    @functools.partial(
        pl.kernel,
        mesh=mesh,
        out_type=jax.ShapeDtypeStruct((NC * ACC_ROWS, H), jnp.float32),
        scratch_types=[
            pltpu.VMEM((GCH, CH), jnp.int32),
            pltpu.VMEM((GCH, CH), jnp.int32),
            pltpu.VMEM((2, CH, H), jnp.float32),
            pltpu.VMEM_SHARED((ACC_ROWS, H), jnp.float32),
            pltpu.SemaphoreType.DMA,
            pltpu.SemaphoreType.DMA,
        ],
    )
    def _msg_kernel(src_hbm, dst_hbm, zero_hbm, h_hbm, out_hbm,
                    sidx, didx, rows, acc, sem0, sem1):
        c = lax.axis_index("c")
        s = lax.axis_index("s")
        pltpu.sync_copy(zero_hbm, acc.at[pl.ds(s * ZRPT, ZRPT)])
        plsc.subcore_barrier()

        wid = s * NC + c
        sems = (sem0, sem1)
        for gb in range(0, CPW, GCH):
            pltpu.sync_copy(src_hbm.at[pl.ds(wid * CPW + gb, GCH)], sidx)
            pltpu.sync_copy(dst_hbm.at[pl.ds(wid * CPW + gb, GCH)], didx)
            pltpu.async_copy(h_hbm.at[sidx.at[0]], rows.at[0], sem0)
            pltpu.async_copy(h_hbm.at[sidx.at[1]], rows.at[1], sem1)

            @pl.loop(0, GCH, step=2)
            def _(g):
                for b in range(2):
                    j = g + b
                    rb = rows.at[b]
                    pltpu.make_async_copy(h_hbm.at[sidx.at[j]], rb, sems[b]).wait()
                    pltpu.sync_copy(rb, acc.at[didx.at[j]], add=True)

                    @pl.when(j + 2 < GCH)
                    def _():
                        pltpu.async_copy(h_hbm.at[sidx.at[j + 2]], rb, sems[b])
        plsc.subcore_barrier()
        base = c * ACC_ROWS + s * ZRPT
        pltpu.sync_copy(acc.at[pl.ds(s * ZRPT, ZRPT)],
                        out_hbm.at[pl.ds(base, ZRPT)])

    return _msg_kernel


VPAD = 32


@functools.lru_cache(maxsize=None)
def _get_cnt_kernel():
    mesh = plsc.VectorSubcoreMesh(core_axis_name="c", subcore_axis_name="s")

    ZV = ZRPT * VPAD

    @functools.partial(
        pl.kernel,
        mesh=mesh,
        out_type=jax.ShapeDtypeStruct((NC * ACC_ROWS * VPAD,), jnp.float32),
        scratch_types=[
            pltpu.VMEM((GCH, CH), jnp.int32),
            pltpu.VMEM((GCH, CH), jnp.int32),
            pltpu.VMEM((2, CH), jnp.int32),
            pltpu.VMEM((CH,), jnp.int32),
            pltpu.VMEM((CH,), jnp.float32),
            pltpu.VMEM_SHARED((ACC_ROWS * VPAD,), jnp.float32),
            pltpu.SemaphoreType.DMA,
            pltpu.SemaphoreType.DMA,
        ],
    )
    def _cnt_kernel(src_hbm, dst_hbm, zero_hbm, x_hbm, out_hbm,
                    sidx, didx, xs, idxb, ones, acc, xg0, xg1):
        c = lax.axis_index("c")
        s = lax.axis_index("s")
        for k in range(CH // 16):
            ones[pl.ds(k * 16, 16)] = jnp.full((16,), 1.0, jnp.float32)
        pltpu.sync_copy(zero_hbm, acc.at[pl.ds(s * ZV, ZV)])
        plsc.subcore_barrier()
        wid = s * NC + c
        xgs = (xg0, xg1)
        for gb in range(0, CPW, GCH):
            pltpu.sync_copy(src_hbm.at[pl.ds(wid * CPW + gb, GCH)], sidx)
            pltpu.sync_copy(dst_hbm.at[pl.ds(wid * CPW + gb, GCH)], didx)
            pltpu.async_copy(x_hbm.at[sidx.at[0]], xs.at[0], xg0)
            pltpu.async_copy(x_hbm.at[sidx.at[1]], xs.at[1], xg1)

            @pl.loop(0, GCH, step=2)
            def _(g):
                for b in range(2):
                    j = g + b
                    pltpu.make_async_copy(
                        x_hbm.at[sidx.at[j]], xs.at[b], xgs[b]).wait()
                    for k in range(CH // 16):
                        sl = pl.ds(k * 16, 16)
                        idxb[sl] = didx[j, sl] * VPAD + xs[b, sl]

                    @pl.when(j + 2 < GCH)
                    def _():
                        pltpu.async_copy(x_hbm.at[sidx.at[j + 2]], xs.at[b],
                                         xgs[b])
                    pltpu.sync_copy(ones, acc.at[idxb], add=True)

        plsc.subcore_barrier()
        base = c * ACC_ROWS * VPAD + s * ZV
        pltpu.sync_copy(acc.at[pl.ds(s * ZV, ZV)],
                        out_hbm.at[pl.ds(base, ZV)])

    return _cnt_kernel


def _embed_body(x_ref, emb_ref, o_ref):
    xv = x_ref[...]
    vid = lax.broadcasted_iota(jnp.int32, (NODE_VOCAB, N), 0)
    onehot = (vid == xv).astype(jnp.float32)
    o_ref[...] = lax.dot_general(
        onehot, emb_ref[...], (((0,), (0,)), ((), ())),
        precision=lax.Precision.HIGHEST,
        preferred_element_type=jnp.float32)


def _embed(x, node_emb):
    return pl.pallas_call(
        _embed_body,
        out_shape=jax.ShapeDtypeStruct((N, H), jnp.float32),
    )(x.reshape(1, N), node_emb)


def _dense_body(h_ref, m0_ref, m1_ref, w1_ref, b1_ref, w2_ref, b2_ref, o_ref):
    xv = h_ref[...] + m0_ref[...] + m1_ref[...]
    z = jnp.dot(xv, w1_ref[...], preferred_element_type=jnp.float32) + b1_ref[...]
    z = jnp.maximum(z, 0.0)
    o_ref[...] = jnp.dot(z, w2_ref[...], preferred_element_type=jnp.float32) + b2_ref[...]


def _dense(h, m0, m1, w1, b1, w2, b2):
    blk = 2000
    grid = N // blk
    row = lambda i: (i, 0)
    full = lambda i: (0, 0)
    return pl.pallas_call(
        _dense_body,
        grid=(grid,),
        in_specs=[
            pl.BlockSpec((blk, H), row),
            pl.BlockSpec((blk, H), row),
            pl.BlockSpec((blk, H), row),
            pl.BlockSpec((H, H), full),
            pl.BlockSpec((1, H), full),
            pl.BlockSpec((H, H), full),
            pl.BlockSpec((1, H), full),
        ],
        out_specs=pl.BlockSpec((blk, H), row),
        out_shape=jax.ShapeDtypeStruct((N, H), jnp.float32),
    )(h, m0, m1, w1, b1.reshape(1, H), w2, b2.reshape(1, H))


def _dense1_body(h_ref, c0_ref, c1_ref, emb_ref, w1_ref, b1_ref, w2_ref,
                 b2_ref, o_ref):
    cnt = c0_ref[...] + c1_ref[...]
    m = jnp.dot(cnt, emb_ref[...], precision=lax.Precision.HIGHEST,
                preferred_element_type=jnp.float32)
    xv = h_ref[...] + m
    z = jnp.dot(xv, w1_ref[...], preferred_element_type=jnp.float32) + b1_ref[...]
    z = jnp.maximum(z, 0.0)
    o_ref[...] = jnp.dot(z, w2_ref[...], preferred_element_type=jnp.float32) + b2_ref[...]


def _dense1(h, c0, c1, emb32, w1, b1, w2, b2):
    blk = 2000
    grid = N // blk
    row = lambda i: (i, 0)
    full = lambda i: (0, 0)
    return pl.pallas_call(
        _dense1_body,
        grid=(grid,),
        in_specs=[
            pl.BlockSpec((blk, H), row),
            pl.BlockSpec((blk, VPAD), row),
            pl.BlockSpec((blk, VPAD), row),
            pl.BlockSpec((VPAD, H), full),
            pl.BlockSpec((H, H), full),
            pl.BlockSpec((1, H), full),
            pl.BlockSpec((H, H), full),
            pl.BlockSpec((1, H), full),
        ],
        out_specs=pl.BlockSpec((blk, H), row),
        out_shape=jax.ShapeDtypeStruct((N, H), jnp.float32),
    )(h, c0, c1, emb32, w1, b1.reshape(1, H), w2, b2.reshape(1, H))


def _pool_body(h_ref, bat_ref, w1_ref, b1_ref, w2_ref, b2_ref, w3_ref, b3_ref,
               o_ref):
    bat = bat_ref[...]
    gid = lax.broadcasted_iota(jnp.int32, (NG, N), 0)
    onehot = (gid == bat).astype(jnp.float32)
    pooled = jnp.dot(onehot, h_ref[...], precision=lax.Precision.HIGHEST,
                     preferred_element_type=jnp.float32)
    a = jnp.maximum(jnp.dot(pooled, w1_ref[...], preferred_element_type=jnp.float32)
                    + b1_ref[...], 0.0)
    a = jnp.maximum(jnp.dot(a, w2_ref[...], preferred_element_type=jnp.float32)
                    + b2_ref[...], 0.0)
    o_ref[...] = jnp.dot(a, w3_ref[...], preferred_element_type=jnp.float32) + b3_ref[...]


def _pool_mlp(h, batch, w1, b1, w2, b2, w3, b3):
    return pl.pallas_call(
        _pool_body,
        out_shape=jax.ShapeDtypeStruct((NG, 1), jnp.float32),
    )(h, batch.reshape(1, N), w1, b1.reshape(1, H // 2), w2,
      b2.reshape(1, H // 4), w3, b3.reshape(1, 1))


def kernel(x, edge_index, edge_attr, batch, node_emb, edge_emb,
           conv_W1, conv_b1, conv_W2, conv_b2,
           mlp_W1, mlp_b1, mlp_W2, mlp_b2, mlp_W3, mlp_b3):
    src = edge_index[0]
    dst = edge_index[1]
    e = src.shape[0]
    pad = EPAD - e
    src_p = jnp.concatenate(
        [src.astype(jnp.int32), jnp.zeros((pad,), jnp.int32)]).reshape(NW * CPW, CH)
    dst_pad = N + jnp.arange(pad, dtype=jnp.int32) % (ACC_ROWS - N)
    dst_p = jnp.concatenate(
        [dst.astype(jnp.int32), dst_pad]).reshape(NW * CPW, CH)
    zeros = jnp.zeros((ZRPT, H), jnp.float32)
    zeros_v = jnp.zeros((ZRPT * VPAD,), jnp.float32)
    emb32 = jnp.pad(node_emb, ((0, VPAD - NODE_VOCAB), (0, 0)))
    x1 = x.reshape(N).astype(jnp.int32)

    h = _embed(x.astype(jnp.int32), node_emb)
    cm = _get_cnt_kernel()(src_p, dst_p, zeros_v, x1)
    cm2 = cm.reshape(NC, ACC_ROWS, VPAD)[:, :N]
    h = _dense1(h, cm2[0], cm2[1], emb32,
                conv_W1[0], conv_b1[0], conv_W2[0], conv_b2[0])
    for i in range(1, NLAYER):
        m = _get_msg_kernel()(src_p, dst_p, zeros, h)
        m2 = m.reshape(NC, ACC_ROWS, H)[:, :N]
        h = _dense(h, m2[0], m2[1], conv_W1[i], conv_b1[i], conv_W2[i], conv_b2[i])
    return _pool_mlp(h, batch.astype(jnp.int32), mlp_W1, mlp_b1, mlp_W2, mlp_b2,
                     mlp_W3, mlp_b3)

# --- scband reference (transcript-rebuilt; emitter-appended) ---
"""Pipeline reference for scband-gine-85856396247548 (READ-ONLY COPY).

The authoritative reference and input builder live on the scoring server;
editing this copy changes nothing except your own understanding.
"""

import jax, jax.numpy as jnp
import numpy as np

N = 10000
E = 320000
H = 128
L = 3
NG = 64
NODE_VOCAB = 28
EDGE_VOCAB = 4


def setup_inputs(seed: int = 0) -> dict:
    key = jax.random.key(seed)
    ks = jax.random.split(key, 20)
    x = jax.random.randint(ks[0], (N, 1), 0, NODE_VOCAB)
    edge_index = jax.random.randint(ks[1], (2, E), 0, N)
    edge_attr = jax.random.randint(ks[2], (E,), 0, EDGE_VOCAB)
    batch = jnp.sort(jax.random.randint(ks[3], (N,), 0, NG))
    s = 0.05
    node_emb = jax.random.normal(ks[4], (NODE_VOCAB, H), dtype=jnp.float32) * s
    edge_emb = jax.random.normal(ks[5], (EDGE_VOCAB, H), dtype=jnp.float32) * s
    conv_W1 = jax.random.normal(ks[6], (L, H, H), dtype=jnp.float32) * s
    conv_b1 = jnp.zeros((L, H), dtype=jnp.float32)
    conv_W2 = jax.random.normal(ks[7], (L, H, H), dtype=jnp.float32) * s
    conv_b2 = jnp.zeros((L, H), dtype=jnp.float32)
    mlp_W1 = jax.random.normal(ks[8], (H, H // 2), dtype=jnp.float32) * s
    mlp_b1 = jnp.zeros((H // 2,), dtype=jnp.float32)
    mlp_W2 = jax.random.normal(ks[9], (H // 2, H // 4), dtype=jnp.float32) * s
    mlp_b2 = jnp.zeros((H // 4,), dtype=jnp.float32)
    mlp_W3 = jax.random.normal(ks[10], (H // 4, 1), dtype=jnp.float32) * s
    mlp_b3 = jnp.zeros((1,), dtype=jnp.float32)
    return {
        'x': x, 'edge_index': edge_index, 'edge_attr': edge_attr, 'batch': batch,
        'node_emb': node_emb, 'edge_emb': edge_emb,
        'conv_W1': conv_W1, 'conv_b1': conv_b1, 'conv_W2': conv_W2, 'conv_b2': conv_b2,
        'mlp_W1': mlp_W1, 'mlp_b1': mlp_b1, 'mlp_W2': mlp_W2, 'mlp_b2': mlp_b2,
        'mlp_W3': mlp_W3, 'mlp_b3': mlp_b3,
    }


def reference(x, edge_index, edge_attr, batch, node_emb, edge_emb,
              conv_W1, conv_b1, conv_W2, conv_b2,
              mlp_W1, mlp_b1, mlp_W2, mlp_b2, mlp_W3, mlp_b3):
    # node/edge embedding lookups (gather)
    h = jnp.take(node_emb, x[:, 0], axis=0)           # [N, H]
    attr = jnp.take(edge_emb, edge_attr, axis=0)      # [E, H] (embedded but unused by convs, faithful to original)
    src = edge_index[0]
    dst = edge_index[1]
    # GINConv layers: out = nn((1 + eps) * x + sum_{j in N(i)} x_j), eps = 0
    for i in range(L):
        msg = jax.ops.segment_sum(jnp.take(h, src, axis=0), dst, num_segments=N)  # scatter-add
        z = h + msg
        z = jnp.maximum(z @ conv_W1[i] + conv_b1[i], 0.0)
        h = z @ conv_W2[i] + conv_b2[i]
    # global_add_pool over graphs
    pooled = jax.ops.segment_sum(h, batch, num_segments=NG)  # [NG, H]
    # readout MLP
    o = jnp.maximum(pooled @ mlp_W1 + mlp_b1, 0.0)
    o = jnp.maximum(o @ mlp_W2 + mlp_b2, 0.0)
    o = o @ mlp_W3 + mlp_b3
    return o

if __name__ == "__main__":
    import jax
    _d = setup_inputs()
    print(jax.jit(kernel)(*tuple(_d.values())))

</pallas_src>

<mosaic_0001>
#map = affine_map<(d0, d1) -> (0, 0)>
module attributes {stable_mosaic.version = 14 : i64} {
  func.func @_msg_kernel(%arg0: i32, %arg1: i32, %arg2: memref<2560x128xi32, #tpu.memory_space<hbm>>, %arg3: memref<2560x128xi32, #tpu.memory_space<hbm>>, %arg4: memref<632x128xf32, #tpu.memory_space<hbm>>, %arg5: memref<10000x128xf32, #tpu.memory_space<hbm>>, %arg6: memref<20224x128xf32, #tpu.memory_space<hbm>>, %arg7: memref<40x128xi32, #tpu.memory_space<vmem>>, %arg8: memref<40x128xi32, #tpu.memory_space<vmem>>, %arg9: memref<2x128x128xf32, #tpu.memory_space<vmem>>, %arg10: memref<10112x128xf32, #tpu.memory_space<vmem_shared>>, %arg11: memref<!tpu.dma_semaphore, #tpu.memory_space<semaphore_mem>>, %arg12: memref<!tpu.dma_semaphore, #tpu.memory_space<semaphore_mem>>) attributes {dimension_semantics = [#tpu.dimension_semantics<core_parallel>, #tpu.dimension_semantics<subcore_parallel>], iteration_bounds = array<i64: 2, 16>, scalar_prefetch = 0 : i64, scratch_operands = 6 : i64, tpu.core_type = #tpu.core_type<sc_vector_subcore>, window_params = [{transform_indices = #map}, {transform_indices = #map}, {transform_indices = #map}, {transform_indices = #map}, {transform_indices = #map}]} {
    %mul3A = arith.constant 632 : i32
    %mul3A_0 = arith.muli %arg1, %mul3A : i32
    "tpu.region"() ({
      %run_scoped3A = tpu.sem_alloc : memref<!tpu.dma_semaphore, #tpu.memory_space<semaphore_mem>>
      %dma_start3A_83 = arith.constant 0 : i32
      %dma_start3A_84 = tpu.memref_slice %arg10[%mul3A_0, %dma_start3A_83] : memref<10112x128xf32, #tpu.memory_space<vmem_shared>> -> memref<632x128xf32, #tpu.memory_space<vmem_shared>>
      tpu.enqueue_dma source(%arg4 : memref<632x128xf32, #tpu.memory_space<hbm>>) target(%dma_start3A_84 : memref<632x128xf32, #tpu.memory_space<vmem_shared>>) target_semaphore(%run_scoped3A : memref<!tpu.dma_semaphore, #tpu.memory_space<semaphore_mem>>)
      %dma_wait3A = arith.constant 0 : i32
      %dma_wait3A_85 = tpu.memref_slice %arg10[%mul3A_0, %dma_wait3A] : memref<10112x128xf32, #tpu.memory_space<vmem_shared>> -> memref<632x128xf32, #tpu.memory_space<vmem_shared>>
      tpu.wait_dma2 semaphore(%run_scoped3A : memref<!tpu.dma_semaphore, #tpu.memory_space<semaphore_mem>>) src(%arg4 : memref<632x128xf32, #tpu.memory_space<hbm>>) dst(%dma_wait3A_85 : memref<632x128xf32, #tpu.memory_space<vmem_shared>>)
      tpu.yield
    }) : () -> ()
    %barrier3A = arith.constant 0 : index
    tpu.barrier barrier_id(%barrier3A)
    %mul3A_1 = arith.constant 2 : i32
    %mul3A_2 = arith.muli %arg1, %mul3A_1 : i32
    %add3A = arith.addi %mul3A_2, %arg0 : i32
    %mul3A_3 = arith.constant 80 : i32
    %mul3A_4 = arith.muli %add3A, %mul3A_3 : i32
    %add3A_5 = arith.constant 0 : i32
    %add3A_6 = arith.addi %mul3A_4, %add3A_5 : i32
    "tpu.region"() ({
      %run_scoped3A = tpu.sem_alloc : memref<!tpu.dma_semaphore, #tpu.memory_space<semaphore_mem>>
      %dma_start3A_83 = arith.constant 0 : i32
      %dma_start3A_84 = tpu.memref_slice %arg2[%add3A_6, %dma_start3A_83] : memref<2560x128xi32, #tpu.memory_space<hbm>> -> memref<40x128xi32, #tpu.memory_space<hbm>>
      %dma_start3A_85 = arith.constant 0 : i32
      %dma_start3A_86 = tpu.memref_slice %arg2[%add3A_6, %dma_start3A_85] : memref<2560x128xi32, #tpu.memory_space<hbm>> -> memref<40x128xi32, #tpu.memory_space<hbm>>
      tpu.enqueue_dma source(%dma_start3A_86 : memref<40x128xi32, #tpu.memory_space<hbm>>) target(%arg7 : memref<40x128xi32, #tpu.memory_space<vmem>>) target_semaphore(%run_scoped3A : memref<!tpu.dma_semaphore, #tpu.memory_space<semaphore_mem>>)
      %dma_wait3A = arith.constant 0 : i32
      %dma_wait3A_87 = tpu.memref_slice %arg2[%add3A_6, %dma_wait3A] : memref<2560x128xi32, #tpu.memory_space<hbm>> -> memref<40x128xi32, #tpu.memory_space<hbm>>
      %dma_wait3A_88 = arith.constant 0 : i32
      %dma_wait3A_89 = tpu.memref_slice %arg2[%add3A_6, %dma_wait3A_88] : memref<2560x128xi32, #tpu.memory_space<hbm>> -> memref<40x128xi32, #tpu.memory_space<hbm>>
      tpu.wait_dma2 semaphore(%run_scoped3A : memref<!tpu.dma_semaphore, #tpu.memory_space<semaphore_mem>>) src(%dma_wait3A_89 : memref<40x128xi32, #tpu.memory_space<hbm>>) dst(%arg7 : memref<40x128xi32, #tpu.memory_space<vmem>>)
      tpu.yield
    }) : () -> ()
    %mul3A_7 = arith.constant 80 : i32
    %mul3A_8 = arith.muli %add3A, %mul3A_7 : i32
    %add3A_9 = arith.constant 0 : i32
    %add3A_10 = arith.addi %mul3A_8, %add3A_9 : i32
    "tpu.region"() ({
      %run_scoped3A = tpu.sem_alloc : memref<!tpu.dma_semaphore, #tpu.memory_space<semaphore_mem>>
      %dma_start3A_83 = arith.constant 0 : i32
      %dma_start3A_84 = tpu.memref_slice %arg3[%add3A_10, %dma_start3A_83] : memref<2560x128xi32, #tpu.memory_space<hbm>> -> memref<40x128xi32, #tpu.memory_space<hbm>>
      %dma_start3A_85 = arith.constant 0 : i32
      %dma_start3A_86 = tpu.memref_slice %arg3[%add3A_10, %dma_start3A_85] : memref<2560x128xi32, #tpu.memory_space<hbm>> -> memref<40x128xi32, #tpu.memory_space<hbm>>
      tpu.enqueue_dma source(%dma_start3A_86 : memref<40x128xi32, #tpu.memory_space<hbm>>) target(%arg8 : memref<40x128xi32, #tpu.memory_space<vmem>>) target_semaphore(%run_scoped3A : memref<!tpu.dma_semaphore, #tpu.memory_space<semaphore_mem>>)
      %dma_wait3A = arith.constant 0 : i32
      %dma_wait3A_87 = tpu.memref_slice %arg3[%add3A_10, %dma_wait3A] : memref<2560x128xi32, #tpu.memory_space<hbm>> -> memref<40x128xi32, #tpu.memory_space<hbm>>
      %dma_wait3A_88 = arith.constant 0 : i32
      %dma_wait3A_89 = tpu.memref_slice %arg3[%add3A_10, %dma_wait3A_88] : memref<2560x128xi32, #tpu.memory_space<hbm>> -> memref<40x128xi32, #tpu.memory_space<hbm>>
      tpu.wait_dma2 semaphore(%run_scoped3A : memref<!tpu.dma_semaphore, #tpu.memory_space<semaphore_mem>>) src(%dma_wait3A_89 : memref<40x128xi32, #tpu.memory_space<hbm>>) dst(%arg8 : memref<40x128xi32, #tpu.memory_space<vmem>>)
      tpu.yield
    }) : () -> ()
    %dma_start3A = arith.constant 0 : i32
    %dma_start3A_11 = arith.constant 0 : i32
    %dma_start3A_12 = arith.constant 0 : i32
    %dma_start3A_13 = arith.constant 0 : i32
    %dma_start3A_14 = tpu.memref_slice %arg9[%dma_start3A_11, %dma_start3A_12, %dma_start3A_13] : memref<2x128x128xf32, #tpu.memory_space<vmem>> -> memref<1x128x128xf32, #tpu.memory_space<vmem>>
    %dma_start3A_15 = tpu.memref_squeeze %dma_start3A_14 : memref<1x128x128xf32, #tpu.memory_space<vmem>> -> memref<128x128xf32, #tpu.memory_space<vmem>>
    %dma_start3A_16 = arith.constant 0 : i32
    %dma_start3A_17 = tpu.memref_slice %arg7[%dma_start3A, %dma_start3A_16] : memref<40x128xi32, #tpu.memory_space<vmem>> -> memref<1x128xi32, #tpu.memory_space<vmem>>
    %dma_start3A_18 = tpu.memref_squeeze %dma_start3A_17 : memref<1x128xi32, #tpu.memory_space<vmem>> -> memref<128xi32, #tpu.memory_space<vmem>>
    %dma_start3A_19 = arith.constant 0 : i32
    %dma_start3A_20 = arith.constant 0 : i32
    %dma_start3A_21 = tpu.memref_slice %arg5[%dma_start3A_19, %dma_start3A_20] : memref<10000x128xf32, #tpu.memory_space<hbm>> -> memref<10000x128xf32, #tpu.memory_space<hbm>>
    tpu.enqueue_indirect_dma source(%dma_start3A_21 : memref<10000x128xf32, #tpu.memory_space<hbm>>) target(%dma_start3A_15 : memref<128x128xf32, #tpu.memory_space<vmem>>) offsets(%dma_start3A_18 : memref<128xi32, #tpu.memory_space<vmem>>) semaphore(%arg11 : memref<!tpu.dma_semaphore, #tpu.memory_space<semaphore_mem>>)
    %dma_start3A_22 = arith.constant 1 : i32
    %dma_start3A_23 = arith.constant 1 : i32
    %dma_start3A_24 = arith.constant 0 : i32
    %dma_start3A_25 = arith.constant 0 : i32
    %dma_start3A_26 = tpu.memref_slice %arg9[%dma_start3A_23, %dma_start3A_24, %dma_start3A_25] : memref<2x128x128xf32, #tpu.memory_space<vmem>> -> memref<1x128x128xf32, #tpu.memory_space<vmem>>
    %dma_start3A_27 = tpu.memref_squeeze %dma_start3A_26 : memref<1x128x128xf32, #tpu.memory_space<vmem>> -> memref<128x128xf32, #tpu.memory_space<vmem>>
    %dma_start3A_28 = arith.constant 0 : i32
    %dma_start3A_29 = tpu.memref_slice %arg7[%dma_start3A_22, %dma_start3A_28] : memref<40x128xi32, #tpu.memory_space<vmem>> -> memref<1x128xi32, #tpu.memory_space<vmem>>
    %dma_start3A_30 = tpu.memref_squeeze %dma_start3A_29 : memref<1x128xi32, #tpu.memory_space<vmem>> -> memref<128xi32, #tpu.memory_space<vmem>>
    %dma_start3A_31 = arith.constant 0 : i32
    %dma_start3A_32 = arith.constant 0 : i32
    %dma_start3A_33 = tpu.memref_slice %arg5[%dma_start3A_31, %dma_start3A_32] : memref<10000x128xf32, #tpu.memory_space<hbm>> -> memref<10000x128xf32, #tpu.memory_space<hbm>>
    tpu.enqueue_indirect_dma source(%dma_start3A_33 : memref<10000x128xf32, #tpu.memory_space<hbm>>) target(%dma_start3A_27 : memref<128x128xf32, #tpu.memory_space<vmem>>) offsets(%dma_start3A_30 : memref<128xi32, #tpu.memory_space<vmem>>) semaphore(%arg12 : memref<!tpu.dma_semaphore, #tpu.memory_space<semaphore_mem>>)
    %scan3A = arith.constant 0 : i32
    %scan3A_34 = arith.constant 20 : i32
    %scan3A_35 = arith.addi %scan3A, %scan3A_34 : i32
    %scan3A_36 = arith.constant 1 : i32
    scf.for %scan3A_83 = %scan3A to %scan3A_35 step %scan3A_36  : i32 {
      %mul3A_84 = arith.constant 2 : i32
      %mul3A_85 = arith.muli %scan3A_83, %mul3A_84 : i32
      %add3A_86 = arith.constant 0 : i32
      %add3A_87 = arith.addi %add3A_86, %mul3A_85 : i32
      %add3A_88 = arith.constant 0 : i32
      %add3A_89 = arith.addi %add3A_87, %add3A_88 : i32
      %dma_wait3A = arith.constant 0 : i32
      %dma_wait3A_90 = arith.constant 0 : i32
      %dma_wait3A_91 = arith.constant 0 : i32
      %dma_wait3A_92 = tpu.memref_slice %arg9[%dma_wait3A, %dma_wait3A_90, %dma_wait3A_91] : memref<2x128x128xf32, #tpu.memory_space<vmem>> -> memref<1x128x128xf32, #tpu.memory_space<vmem>>
      %dma_wait3A_93 = tpu.memref_squeeze %dma_wait3A_92 : memref<1x128x128xf32, #tpu.memory_space<vmem>> -> memref<128x128xf32, #tpu.memory_space<vmem>>
      %dma_wait3A_94 = arith.constant 0 : i32
      %dma_wait3A_95 = tpu.memref_slice %arg7[%add3A_89, %dma_wait3A_94] : memref<40x128xi32, #tpu.memory_space<vmem>> -> memref<1x128xi32, #tpu.memory_space<vmem>>
      %dma_wait3A_96 = tpu.memref_squeeze %dma_wait3A_95 : memref<1x128xi32, #tpu.memory_space<vmem>> -> memref<128xi32, #tpu.memory_space<vmem>>
      %dma_wait3A_97 = arith.constant 0 : i32
      %dma_wait3A_98 = arith.constant 0 : i32
      %dma_wait3A_99 = tpu.memref_slice %arg5[%dma_wait3A_97, %dma_wait3A_98] : memref<10000x128xf32, #tpu.memory_space<hbm>> -> memref<10000x128xf32, #tpu.memory_space<hbm>>
      tpu.wait_indirect_dma semaphore(%arg11 : memref<!tpu.dma_semaphore, #tpu.memory_space<semaphore_mem>>) src(%dma_wait3A_99 : memref<10000x128xf32, #tpu.memory_space<hbm>>) dst(%dma_wait3A_93 : memref<128x128xf32, #tpu.memory_space<vmem>>)
      %run_scoped3A = arith.constant 0 : i32
      "tpu.region"() ({
        %run_scoped3A_127 = tpu.sem_alloc : memref<!tpu.dma_semaphore, #tpu.memory_space<semaphore_mem>>
        %dma_start3A_128 = arith.constant 0 : i32
        %dma_start3A_129 = arith.constant 0 : i32
        %dma_start3A_130 = tpu.memref_slice %arg9[%run_scoped3A, %dma_start3A_128, %dma_start3A_129] : memref<2x128x128xf32, #tpu.memory_space<vmem>> -> memref<1x128x128xf32, #tpu.memory_space<vmem>>
        %dma_start3A_131 = tpu.memref_squeeze %dma_start3A_130 : memref<1x128x128xf32, #tpu.memory_space<vmem>> -> memref<128x128xf32, #tpu.memory_space<vmem>>
        %dma_start3A_132 = arith.constant 0 : i32
        %dma_start3A_133 = tpu.memref_slice %arg8[%add3A_89, %dma_start3A_132] : memref<40x128xi32, #tpu.memory_space<vmem>> -> memref<1x128xi32, #tpu.memory_space<vmem>>
        %dma_start3A_134 = tpu.memref_squeeze %dma_start3A_133 : memref<1x128xi32, #tpu.memory_space<vmem>> -> memref<128xi32, #tpu.memory_space<vmem>>
        %dma_start3A_135 = arith.constant 0 : i32
        %dma_start3A_136 = arith.constant 0 : i32
        %dma_start3A_137 = tpu.memref_slice %arg10[%dma_start3A_135, %dma_start3A_136] : memref<10112x128xf32, #tpu.memory_space<vmem_shared>> -> memref<10112x128xf32, #tpu.memory_space<vmem_shared>>
        tpu.enqueue_indirect_dma source(%dma_start3A_131 : memref<128x128xf32, #tpu.memory_space<vmem>>) target(%dma_start3A_137 : memref<10112x128xf32, #tpu.memory_space<vmem_shared>>) offsets(%dma_start3A_134 : memref<128xi32, #tpu.memory_space<vmem>>) semaphore(%run_scoped3A_127 : memref<!tpu.dma_semaphore, #tpu.memory_space<semaphore_mem>>) {add = true}
        %dma_wait3A_138 = arith.constant 0 : i32
        %dma_wait3A_139 = arith.constant 0 : i32
        %dma_wait3A_140 = tpu.memref_slice %arg9[%run_scoped3A, %dma_wait3A_138, %dma_wait3A_139] : memref<2x128x128xf32, #tpu.memory_space<vmem>> -> memref<1x128x128xf32, #tpu.memory_space<vmem>>
        %dma_wait3A_141 = tpu.memref_squeeze %dma_wait3A_140 : memref<1x128x128xf32, #tpu.memory_space<vmem>> -> memref<128x128xf32, #tpu.memory_space<vmem>>
        %dma_wait3A_142 = arith.constant 0 : i32
        %dma_wait3A_143 = tpu.memref_slice %arg8[%add3A_89, %dma_wait3A_142] : memref<40x128xi32, #tpu.memory_space<vmem>> -> memref<1x128xi32, #tpu.memory_space<vmem>>
        %dma_wait3A_144 = tpu.memref_squeeze %dma_wait3A_143 : memref<1x128xi32, #tpu.memory_space<vmem>> -> memref<128xi32, #tpu.memory_space<vmem>>
        %dma_wait3A_145 = arith.constant 0 : i32
        %dma_wait3A_146 = arith.constant 0 : i32
        %dma_wait3A_147 = tpu.memref_slice %arg10[%dma_wait3A_145, %dma_wait3A_146] : memref<10112x128xf32, #tpu.memory_space<vmem_shared>> -> memref<10112x128xf32, #tpu.memory_space<vmem_shared>>
        tpu.wait_indirect_dma semaphore(%run_scoped3A_127 : memref<!tpu.dma_semaphore, #tpu.memory_space<semaphore_mem>>) src(%dma_wait3A_141 : memref<128x128xf32, #tpu.memory_space<vmem>>) dst(%dma_wait3A_147 : memref<10112x128xf32, #tpu.memory_space<vmem_shared>>)
        tpu.yield
      }) : () -> ()
      %add3A_100 = arith.constant 2 : i32
      %add3A_101 = arith.addi %add3A_89, %add3A_100 : i32
      %lt3A = arith.constant 40 : i32
      %lt3A_102 = arith.cmpi slt, %add3A_101, %lt3A : i32
      %convert_element_type3A = arith.extui %lt3A_102 : i1 to i32
      %cond3A = arith.constant 0 : i32
      %cond3A_103 = arith.constant 0 : i32
      %cond3A_104 = arith.cmpi ne, %convert_element_type3A, %cond3A_103 : i32
      scf.if %cond3A_104 {
        %add3A_127 = arith.constant 2 : i32
        %add3A_128 = arith.addi %add3A_89, %add3A_127 : i32
        %dma_start3A_129 = arith.constant 0 : i32
        %dma_start3A_130 = arith.constant 0 : i32
        %dma_start3A_131 = tpu.memref_slice %arg9[%cond3A, %dma_start3A_129, %dma_start3A_130] : memref<2x128x128xf32, #tpu.memory_space<vmem>> -> memref<1x128x128xf32, #tpu.memory_space<vmem>>
        %dma_start3A_132 = tpu.memref_squeeze %dma_start3A_131 : memref<1x128x128xf32, #tpu.memory_space<vmem>> -> memref<128x128xf32, #tpu.memory_space<vmem>>
        %dma_start3A_133 = arith.constant 0 : i32
        %dma_start3A_134 = tpu.memref_slice %arg7[%add3A_128, %dma_start3A_133] : memref<40x128xi32, #tpu.memory_space<vmem>> -> memref<1x128xi32, #tpu.memory_space<vmem>>
        %dma_start3A_135 = tpu.memref_squeeze %dma_start3A_134 : memref<1x128xi32, #tpu.memory_space<vmem>> -> memref<128xi32, #tpu.memory_space<vmem>>
        %dma_start3A_136 = arith.constant 0 : i32
        %dma_start3A_137 = arith.constant 0 : i32
        %dma_start3A_138 = tpu.memref_slice %arg5[%dma_start3A_136, %dma_start3A_137] : memref<10000x128xf32, #tpu.memory_space<hbm>> -> memref<10000x128xf32, #tpu.memory_space<hbm>>
        tpu.enqueue_indirect_dma source(%dma_start3A_138 : memref<10000x128xf32, #tpu.memory_space<hbm>>) target(%dma_start3A_132 : memref<128x128xf32, #tpu.memory_space<vmem>>) offsets(%dma_start3A_135 : memref<128xi32, #tpu.memory_space<vmem>>) semaphore(%arg11 : memref<!tpu.dma_semaphore, #tpu.memory_space<semaphore_mem>>)
      } else {
      }
      %add3A_105 = arith.constant 1 : i32
      %add3A_106 = arith.addi %add3A_87, %add3A_105 : i32
      %dma_wait3A_107 = arith.constant 1 : i32
      %dma_wait3A_108 = arith.constant 0 : i32
      %dma_wait3A_109 = arith.constant 0 : i32
      %dma_wait3A_110 = tpu.memref_slice %arg9[%dma_wait3A_107, %dma_wait3A_108, %dma_wait3A_109] : memref<2x128x128xf32, #tpu.memory_space<vmem>> -> memref<1x128x128xf32, #tpu.memory_space<vmem>>
      %dma_wait3A_111 = tpu.memref_squeeze %dma_wait3A_110 : memref<1x128x128xf32, #tpu.memory_space<vmem>> -> memref<128x128xf32, #tpu.memory_space<vmem>>
      %dma_wait3A_112 = arith.constant 0 : i32
      %dma_wait3A_113 = tpu.memref_slice %arg7[%add3A_106, %dma_wait3A_112] : memref<40x128xi32, #tpu.memory_space<vmem>> -> memref<1x128xi32, #tpu.memory_space<vmem>>
      %dma_wait3A_114 = tpu.memref_squeeze %dma_wait3A_113 : memref<1x128xi32, #tpu.memory_space<vmem>> -> memref<128xi32, #tpu.memory_space<vmem>>
      %dma_wait3A_115 = arith.constant 0 : i32
      %dma_wait3A_116 = arith.constant 0 : i32
      %dma_wait3A_117 = tpu.memref_slice %arg5[%dma_wait3A_115, %dma_wait3A_116] : memref<10000x128xf32, #tpu.memory_space<hbm>> -> memref<10000x128xf32, #tpu.memory_space<hbm>>
      tpu.wait_indirect_dma semaphore(%arg12 : memref<!tpu.dma_semaphore, #tpu.memory_space<semaphore_mem>>) src(%dma_wait3A_117 : memref<10000x128xf32, #tpu.memory_space<hbm>>) dst(%dma_wait3A_111 : memref<128x128xf32, #tpu.memory_space<vmem>>)
      %run_scoped3A_118 = arith.constant 1 : i32
      "tpu.region"() ({
        %run_scoped3A_127 = tpu.sem_alloc : memref<!tpu.dma_semaphore, #tpu.memory_space<semaphore_mem>>
        %dma_start3A_128 = arith.constant 0 : i32
        %dma_start3A_129 = arith.constant 0 : i32
        %dma_start3A_130 = tpu.memref_slice %arg9[%run_scoped3A_118, %dma_start3A_128, %dma_start3A_129] : memref<2x128x128xf32, #tpu.memory_space<vmem>> -> memref<1x128x128xf32, #tpu.memory_space<vmem>>
        %dma_start3A_131 = tpu.memref_squeeze %dma_start3A_130 : memref<1x128x128xf32, #tpu.memory_space<vmem>> -> memref<128x128xf32, #tpu.memory_space<vmem>>
        %dma_start3A_132 = arith.constant 0 : i32
        %dma_start3A_133 = tpu.memref_slice %arg8[%add3A_106, %dma_start3A_132] : memref<40x128xi32, #tpu.memory_space<vmem>> -> memref<1x128xi32, #tpu.memory_space<vmem>>
        %dma_start3A_134 = tpu.memref_squeeze %dma_start3A_133 : memref<1x128xi32, #tpu.memory_space<vmem>> -> memref<128xi32, #tpu.memory_space<vmem>>
        %dma_start3A_135 = arith.constant 0 : i32
        %dma_start3A_136 = arith.constant 0 : i32
        %dma_start3A_137 = tpu.memref_slice %arg10[%dma_start3A_135, %dma_start3A_136] : memref<10112x128xf32, #tpu.memory_space<vmem_shared>> -> memref<10112x128xf32, #tpu.memory_space<vmem_shared>>
        tpu.enqueue_indirect_dma source(%dma_start3A_131 : memref<128x128xf32, #tpu.memory_space<vmem>>) target(%dma_start3A_137 : memref<10112x128xf32, #tpu.memory_space<vmem_shared>>) offsets(%dma_start3A_134 : memref<128xi32, #tpu.memory_space<vmem>>) semaphore(%run_scoped3A_127 : memref<!tpu.dma_semaphore, #tpu.memory_space<semaphore_mem>>) {add = true}
        %dma_wait3A_138 = arith.constant 0 : i32
        %dma_wait3A_139 = arith.constant 0 : i32
        %dma_wait3A_140 = tpu.memref_slice %arg9[%run_scoped3A_118, %dma_wait3A_138, %dma_wait3A_139] : memref<2x128x128xf32, #tpu.memory_space<vmem>> -> memref<1x128x128xf32, #tpu.memory_space<vmem>>
        %dma_wait3A_141 = tpu.memref_squeeze %dma_wait3A_140 : memref<1x128x128xf32, #tpu.memory_space<vmem>> -> memref<128x128xf32, #tpu.memory_space<vmem>>
        %dma_wait3A_142 = arith.constant 0 : i32
        %dma_wait3A_143 = tpu.memref_slice %arg8[%add3A_106, %dma_wait3A_142] : memref<40x128xi32, #tpu.memory_space<vmem>> -> memref<1x128xi32, #tpu.memory_space<vmem>>
        %dma_wait3A_144 = tpu.memref_squeeze %dma_wait3A_143 : memref<1x128xi32, #tpu.memory_space<vmem>> -> memref<128xi32, #tpu.memory_space<vmem>>
        %dma_wait3A_145 = arith.constant 0 : i32
        %dma_wait3A_146 = arith.constant 0 : i32
        %dma_wait3A_147 = tpu.memref_slice %arg10[%dma_wait3A_145, %dma_wait3A_146] : memref<10112x128xf32, #tpu.memory_space<vmem_shared>> -> memref<10112x128xf32, #tpu.memory_space<vmem_shared>>
        tpu.wait_indirect_dma semaphore(%run_scoped3A_127 : memref<!tpu.dma_semaphore, #tpu.memory_space<semaphore_mem>>) src(%dma_wait3A_141 : memref<128x128xf32, #tpu.memory_space<vmem>>) dst(%dma_wait3A_147 : memref<10112x128xf32, #tpu.memory_space<vmem_shared>>)
        tpu.yield
      }) : () -> ()
      %add3A_119 = arith.constant 2 : i32
      %add3A_120 = arith.addi %add3A_106, %add3A_119 : i32
      %lt3A_121 = arith.constant 40 : i32
      %lt3A_122 = arith.cmpi slt, %add3A_120, %lt3A_121 : i32
      %convert_element_type3A_123 = arith.extui %lt3A_122 : i1 to i32
      %cond3A_124 = arith.constant 1 : i32
      %cond3A_125 = arith.constant 0 : i32
      %cond3A_126 = arith.cmpi ne, %convert_element_type3A_123, %cond3A_125 : i32
      scf.if %cond3A_126 {
        %add3A_127 = arith.constant 2 : i32
        %add3A_128 = arith.addi %add3A_106, %add3A_127 : i32
        %dma_start3A_129 = arith.constant 0 : i32
        %dma_start3A_130 = arith.constant 0 : i32
        %dma_start3A_131 = tpu.memref_slice %arg9[%cond3A_124, %dma_start3A_129, %dma_start3A_130] : memref<2x128x128xf32, #tpu.memory_space<vmem>> -> memref<1x128x128xf32, #tpu.memory_space<vmem>>
        %dma_start3A_132 = tpu.memref_squeeze %dma_start3A_131 : memref<1x128x128xf32, #tpu.memory_space<vmem>> -> memref<128x128xf32, #tpu.memory_space<vmem>>
        %dma_start3A_133 = arith.constant 0 : i32
        %dma_start3A_134 = tpu.memref_slice %arg7[%add3A_128, %dma_start3A_133] : memref<40x128xi32, #tpu.memory_space<vmem>> -> memref<1x128xi32, #tpu.memory_space<vmem>>
        %dma_start3A_135 = tpu.memref_squeeze %dma_start3A_134 : memref<1x128xi32, #tpu.memory_space<vmem>> -> memref<128xi32, #tpu.memory_space<vmem>>
        %dma_start3A_136 = arith.constant 0 : i32
        %dma_start3A_137 = arith.constant 0 : i32
        %dma_start3A_138 = tpu.memref_slice %arg5[%dma_start3A_136, %dma_start3A_137] : memref<10000x128xf32, #tpu.memory_space<hbm>> -> memref<10000x128xf32, #tpu.memory_space<hbm>>
        tpu.enqueue_indirect_dma source(%dma_start3A_138 : memref<10000x128xf32, #tpu.memory_space<hbm>>) target(%dma_start3A_132 : memref<128x128xf32, #tpu.memory_space<vmem>>) offsets(%dma_start3A_135 : memref<128xi32, #tpu.memory_space<vmem>>) semaphore(%arg12 : memref<!tpu.dma_semaphore, #tpu.memory_space<semaphore_mem>>)
      } else {
      }
    }
    %scan3A_37 = arith.constant 20 : i32
    %mul3A_38 = arith.constant 80 : i32
    %mul3A_39 = arith.muli %add3A, %mul3A_38 : i32
    %add3A_40 = arith.constant 40 : i32
    %add3A_41 = arith.addi %mul3A_39, %add3A_40 : i32
    "tpu.region"() ({
      %run_scoped3A = tpu.sem_alloc : memref<!tpu.dma_semaphore, #tpu.memory_space<semaphore_mem>>
      %dma_start3A_83 = arith.constant 0 : i32
      %dma_start3A_84 = tpu.memref_slice %arg2[%add3A_41, %dma_start3A_83] : memref<2560x128xi32, #tpu.memory_space<hbm>> -> memref<40x128xi32, #tpu.memory_space<hbm>>
      %dma_start3A_85 = arith.constant 0 : i32
      %dma_start3A_86 = tpu.memref_slice %arg2[%add3A_41, %dma_start3A_85] : memref<2560x128xi32, #tpu.memory_space<hbm>> -> memref<40x128xi32, #tpu.memory_space<hbm>>
      tpu.enqueue_dma source(%dma_start3A_86 : memref<40x128xi32, #tpu.memory_space<hbm>>) target(%arg7 : memref<40x128xi32, #tpu.memory_space<vmem>>) target_semaphore(%run_scoped3A : memref<!tpu.dma_semaphore, #tpu.memory_space<semaphore_mem>>)
      %dma_wait3A = arith.constant 0 : i32
      %dma_wait3A_87 = tpu.memref_slice %arg2[%add3A_41, %dma_wait3A] : memref<2560x128xi32, #tpu.memory_space<hbm>> -> memref<40x128xi32, #tpu.memory_space<hbm>>
      %dma_wait3A_88 = arith.constant 0 : i32
      %dma_wait3A_89 = tpu.memref_slice %arg2[%add3A_41, %dma_wait3A_88] : memref<2560x128xi32, #tpu.memory_space<hbm>> -> memref<40x128xi32, #tpu.memory_space<hbm>>
      tpu.wait_dma2 semaphore(%run_scoped3A : memref<!tpu.dma_semaphore, #tpu.memory_space<semaphore_mem>>) src(%dma_wait3A_89 : memref<40x128xi32, #tpu.memory_space<hbm>>) dst(%arg7 : memref<40x128xi32, #tpu.memory_space<vmem>>)
      tpu.yield
    }) : () -> ()
    %mul3A_42 = arith.constant 80 : i32
    %mul3A_43 = arith.muli %add3A, %mul3A_42 : i32
    %add3A_44 = arith.constant 40 : i32
    %add3A_45 = arith.addi %mul3A_43, %add3A_44 : i32
    "tpu.region"() ({
      %run_scoped3A = tpu.sem_alloc : memref<!tpu.dma_semaphore, #tpu.memory_space<semaphore_mem>>
      %dma_start3A_83 = arith.constant 0 : i32
      %dma_start3A_84 = tpu.memref_slice %arg3[%add3A_45, %dma_start3A_83] : memref<2560x128xi32, #tpu.memory_space<hbm>> -> memref<40x128xi32, #tpu.memory_space<hbm>>
      %dma_start3A_85 = arith.constant 0 : i32
      %dma_start3A_86 = tpu.memref_slice %arg3[%add3A_45, %dma_start3A_85] : memref<2560x128xi32, #tpu.memory_space<hbm>> -> memref<40x128xi32, #tpu.memory_space<hbm>>
      tpu.enqueue_dma source(%dma_start3A_86 : memref<40x128xi32, #tpu.memory_space<hbm>>) target(%arg8 : memref<40x128xi32, #tpu.memory_space<vmem>>) target_semaphore(%run_scoped3A : memref<!tpu.dma_semaphore, #tpu.memory_space<semaphore_mem>>)
      %dma_wait3A = arith.constant 0 : i32
      %dma_wait3A_87 = tpu.memref_slice %arg3[%add3A_45, %dma_wait3A] : memref<2560x128xi32, #tpu.memory_space<hbm>> -> memref<40x128xi32, #tpu.memory_space<hbm>>
      %dma_wait3A_88 = arith.constant 0 : i32
      %dma_wait3A_89 = tpu.memref_slice %arg3[%add3A_45, %dma_wait3A_88] : memref<2560x128xi32, #tpu.memory_space<hbm>> -> memref<40x128xi32, #tpu.memory_space<hbm>>
      tpu.wait_dma2 semaphore(%run_scoped3A : memref<!tpu.dma_semaphore, #tpu.memory_space<semaphore_mem>>) src(%dma_wait3A_89 : memref<40x128xi32, #tpu.memory_space<hbm>>) dst(%arg8 : memref<40x128xi32, #tpu.memory_space<vmem>>)
      tpu.yield
    }) : () -> ()
    %dma_start3A_46 = arith.constant 0 : i32
    %dma_start3A_47 = arith.constant 0 : i32
    %dma_start3A_48 = arith.constant 0 : i32
    %dma_start3A_49 = arith.constant 0 : i32
    %dma_start3A_50 = tpu.memref_slice %arg9[%dma_start3A_47, %dma_start3A_48, %dma_start3A_49] : memref<2x128x128xf32, #tpu.memory_space<vmem>> -> memref<1x128x128xf32, #tpu.memory_space<vmem>>
    %dma_start3A_51 = tpu.memref_squeeze %dma_start3A_50 : memref<1x128x128xf32, #tpu.memory_space<vmem>> -> memref<128x128xf32, #tpu.memory_space<vmem>>
    %dma_start3A_52 = arith.constant 0 : i32
    %dma_start3A_53 = tpu.memref_slice %arg7[%dma_start3A_46, %dma_start3A_52] : memref<40x128xi32, #tpu.memory_space<vmem>> -> memref<1x128xi32, #tpu.memory_space<vmem>>
    %dma_start3A_54 = tpu.memref_squeeze %dma_start3A_53 : memref<1x128xi32, #tpu.memory_space<vmem>> -> memref<128xi32, #tpu.memory_space<vmem>>
    %dma_start3A_55 = arith.constant 0 : i32
    %dma_start3A_56 = arith.constant 0 : i32
    %dma_start3A_57 = tpu.memref_slice %arg5[%dma_start3A_55, %dma_start3A_56] : memref<10000x128xf32, #tpu.memory_space<hbm>> -> memref<10000x128xf32, #tpu.memory_space<hbm>>
    tpu.enqueue_indirect_dma source(%dma_start3A_57 : memref<10000x128xf32, #tpu.memory_space<hbm>>) target(%dma_start3A_51 : memref<128x128xf32, #tpu.memory_space<vmem>>) offsets(%dma_start3A_54 : memref<128xi32, #tpu.memory_space<vmem>>) semaphore(%arg11 : memref<!tpu.dma_semaphore, #tpu.memory_space<semaphore_mem>>)
    %dma_start3A_58 = arith.constant 1 : i32
    %dma_start3A_59 = arith.constant 1 : i32
    %dma_start3A_60 = arith.constant 0 : i32
    %dma_start3A_61 = arith.constant 0 : i32
    %dma_start3A_62 = tpu.memref_slice %arg9[%dma_start3A_59, %dma_start3A_60, %dma_start3A_61] : memref<2x128x128xf32, #tpu.memory_space<vmem>> -> memref<1x128x128xf32, #tpu.memory_space<vmem>>
    %dma_start3A_63 = tpu.memref_squeeze %dma_start3A_62 : memref<1x128x128xf32, #tpu.memory_space<vmem>> -> memref<128x128xf32, #tpu.memory_space<vmem>>
    %dma_start3A_64 = arith.constant 0 : i32
    %dma_start3A_65 = tpu.memref_slice %arg7[%dma_start3A_58, %dma_start3A_64] : memref<40x128xi32, #tpu.memory_space<vmem>> -> memref<1x128xi32, #tpu.memory_space<vmem>>
    %dma_start3A_66 = tpu.memref_squeeze %dma_start3A_65 : memref<1x128xi32, #tpu.memory_space<vmem>> -> memref<128xi32, #tpu.memory_space<vmem>>
    %dma_start3A_67 = arith.constant 0 : i32
    %dma_start3A_68 = arith.constant 0 : i32
    %dma_start3A_69 = tpu.memref_slice %arg5[%dma_start3A_67, %dma_start3A_68] : memref<10000x128xf32, #tpu.memory_space<hbm>> -> memref<10000x128xf32, #tpu.memory_space<hbm>>
    tpu.enqueue_indirect_dma source(%dma_start3A_69 : memref<10000x128xf32, #tpu.memory_space<hbm>>) target(%dma_start3A_63 : memref<128x128xf32, #tpu.memory_space<vmem>>) offsets(%dma_start3A_66 : memref<128xi32, #tpu.memory_space<vmem>>) semaphore(%arg12 : memref<!tpu.dma_semaphore, #tpu.memory_space<semaphore_mem>>)
    %scan3A_70 = arith.constant 0 : i32
    %scan3A_71 = arith.constant 20 : i32
    %scan3A_72 = arith.addi %scan3A_70, %scan3A_71 : i32
    %scan3A_73 = arith.constant 1 : i32
    scf.for %scan3A_83 = %scan3A_70 to %scan3A_72 step %scan3A_73  : i32 {
      %mul3A_84 = arith.constant 2 : i32
      %mul3A_85 = arith.muli %scan3A_83, %mul3A_84 : i32
      %add3A_86 = arith.constant 0 : i32
      %add3A_87 = arith.addi %add3A_86, %mul3A_85 : i32
      %add3A_88 = arith.constant 0 : i32
      %add3A_89 = arith.addi %add3A_87, %add3A_88 : i32
      %dma_wait3A = arith.constant 0 : i32
      %dma_wait3A_90 = arith.constant 0 : i32
      %dma_wait3A_91 = arith.constant 0 : i32
      %dma_wait3A_92 = tpu.memref_slice %arg9[%dma_wait3A, %dma_wait3A_90, %dma_wait3A_91] : memref<2x128x128xf32, #tpu.memory_space<vmem>> -> memref<1x128x128xf32, #tpu.memory_space<vmem>>
      %dma_wait3A_93 = tpu.memref_squeeze %dma_wait3A_92 : memref<1x128x128xf32, #tpu.memory_space<vmem>> -> memref<128x128xf32, #tpu.memory_space<vmem>>
      %dma_wait3A_94 = arith.constant 0 : i32
      %dma_wait3A_95 = tpu.memref_slice %arg7[%add3A_89, %dma_wait3A_94] : memref<40x128xi32, #tpu.memory_space<vmem>> -> memref<1x128xi32, #tpu.memory_space<vmem>>
      %dma_wait3A_96 = tpu.memref_squeeze %dma_wait3A_95 : memref<1x128xi32, #tpu.memory_space<vmem>> -> memref<128xi32, #tpu.memory_space<vmem>>
      %dma_wait3A_97 = arith.constant 0 : i32
      %dma_wait3A_98 = arith.constant 0 : i32
      %dma_wait3A_99 = tpu.memref_slice %arg5[%dma_wait3A_97, %dma_wait3A_98] : memref<10000x128xf32, #tpu.memory_space<hbm>> -> memref<10000x128xf32, #tpu.memory_space<hbm>>
      tpu.wait_indirect_dma semaphore(%arg11 : memref<!tpu.dma_semaphore, #tpu.memory_space<semaphore_mem>>) src(%dma_wait3A_99 : memref<10000x128xf32, #tpu.memory_space<hbm>>) dst(%dma_wait3A_93 : memref<128x128xf32, #tpu.memory_space<vmem>>)
      %run_scoped3A = arith.constant 0 : i32
      "tpu.region"() ({
        %run_scoped3A_127 = tpu.sem_alloc : memref<!tpu.dma_semaphore, #tpu.memory_space<semaphore_mem>>
        %dma_start3A_128 = arith.constant 0 : i32
        %dma_start3A_129 = arith.constant 0 : i32
        %dma_start3A_130 = tpu.memref_slice %arg9[%run_scoped3A, %dma_start3A_128, %dma_start3A_129] : memref<2x128x128xf32, #tpu.memory_space<vmem>> -> memref<1x128x128xf32, #tpu.memory_space<vmem>>
        %dma_start3A_131 = tpu.memref_squeeze %dma_start3A_130 : memref<1x128x128xf32, #tpu.memory_space<vmem>> -> memref<128x128xf32, #tpu.memory_space<vmem>>
        %dma_start3A_132 = arith.constant 0 : i32
        %dma_start3A_133 = tpu.memref_slice %arg8[%add3A_89, %dma_start3A_132] : memref<40x128xi32, #tpu.memory_space<vmem>> -> memref<1x128xi32, #tpu.memory_space<vmem>>
        %dma_start3A_134 = tpu.memref_squeeze %dma_start3A_133 : memref<1x128xi32, #tpu.memory_space<vmem>> -> memref<128xi32, #tpu.memory_space<vmem>>
        %dma_start3A_135 = arith.constant 0 : i32
        %dma_start3A_136 = arith.constant 0 : i32
        %dma_start3A_137 = tpu.memref_slice %arg10[%dma_start3A_135, %dma_start3A_136] : memref<10112x128xf32, #tpu.memory_space<vmem_shared>> -> memref<10112x128xf32, #tpu.memory_space<vmem_shared>>
        tpu.enqueue_indirect_dma source(%dma_start3A_131 : memref<128x128xf32, #tpu.memory_space<vmem>>) target(%dma_start3A_137 : memref<10112x128xf32, #tpu.memory_space<vmem_shared>>) offsets(%dma_start3A_134 : memref<128xi32, #tpu.memory_space<vmem>>) semaphore(%run_scoped3A_127 : memref<!tpu.dma_semaphore, #tpu.memory_space<semaphore_mem>>) {add = true}
        %dma_wait3A_138 = arith.constant 0 : i32
        %dma_wait3A_139 = arith.constant 0 : i32
        %dma_wait3A_140 = tpu.memref_slice %arg9[%run_scoped3A, %dma_wait3A_138, %dma_wait3A_139] : memref<2x128x128xf32, #tpu.memory_space<vmem>> -> memref<1x128x128xf32, #tpu.memory_space<vmem>>
        %dma_wait3A_141 = tpu.memref_squeeze %dma_wait3A_140 : memref<1x128x128xf32, #tpu.memory_space<vmem>> -> memref<128x128xf32, #tpu.memory_space<vmem>>
        %dma_wait3A_142 = arith.constant 0 : i32
        %dma_wait3A_143 = tpu.memref_slice %arg8[%add3A_89, %dma_wait3A_142] : memref<40x128xi32, #tpu.memory_space<vmem>> -> memref<1x128xi32, #tpu.memory_space<vmem>>
        %dma_wait3A_144 = tpu.memref_squeeze %dma_wait3A_143 : memref<1x128xi32, #tpu.memory_space<vmem>> -> memref<128xi32, #tpu.memory_space<vmem>>
        %dma_wait3A_145 = arith.constant 0 : i32
        %dma_wait3A_146 = arith.constant 0 : i32
        %dma_wait3A_147 = tpu.memref_slice %arg10[%dma_wait3A_145, %dma_wait3A_146] : memref<10112x128xf32, #tpu.memory_space<vmem_shared>> -> memref<10112x128xf32, #tpu.memory_space<vmem_shared>>
        tpu.wait_indirect_dma semaphore(%run_scoped3A_127 : memref<!tpu.dma_semaphore, #tpu.memory_space<semaphore_mem>>) src(%dma_wait3A_141 : memref<128x128xf32, #tpu.memory_space<vmem>>) dst(%dma_wait3A_147 : memref<10112x128xf32, #tpu.memory_space<vmem_shared>>)
        tpu.yield
      }) : () -> ()
      %add3A_100 = arith.constant 2 : i32
      %add3A_101 = arith.addi %add3A_89, %add3A_100 : i32
      %lt3A = arith.constant 40 : i32
      %lt3A_102 = arith.cmpi slt, %add3A_101, %lt3A : i32
      %convert_element_type3A = arith.extui %lt3A_102 : i1 to i32
      %cond3A = arith.constant 0 : i32
      %cond3A_103 = arith.constant 0 : i32
      %cond3A_104 = arith.cmpi ne, %convert_element_type3A, %cond3A_103 : i32
      scf.if %cond3A_104 {
        %add3A_127 = arith.constant 2 : i32
        %add3A_128 = arith.addi %add3A_89, %add3A_127 : i32
        %dma_start3A_129 = arith.constant 0 : i32
        %dma_start3A_130 = arith.constant 0 : i32
        %dma_start3A_131 = tpu.memref_slice %arg9[%cond3A, %dma_start3A_129, %dma_start3A_130] : memref<2x128x128xf32, #tpu.memory_space<vmem>> -> memref<1x128x128xf32, #tpu.memory_space<vmem>>
        %dma_start3A_132 = tpu.memref_squeeze %dma_start3A_131 : memref<1x128x128xf32, #tpu.memory_space<vmem>> -> memref<128x128xf32, #tpu.memory_space<vmem>>
        %dma_start3A_133 = arith.constant 0 : i32
        %dma_start3A_134 = tpu.memref_slice %arg7[%add3A_128, %dma_start3A_133] : memref<40x128xi32, #tpu.memory_space<vmem>> -> memref<1x128xi32, #tpu.memory_space<vmem>>
        %dma_start3A_135 = tpu.memref_squeeze %dma_start3A_134 : memref<1x128xi32, #tpu.memory_space<vmem>> -> memref<128xi32, #tpu.memory_space<vmem>>
        %dma_start3A_136 = arith.constant 0 : i32
        %dma_start3A_137 = arith.constant 0 : i32
        %dma_start3A_138 = tpu.memref_slice %arg5[%dma_start3A_136, %dma_start3A_137] : memref<10000x128xf32, #tpu.memory_space<hbm>> -> memref<10000x128xf32, #tpu.memory_space<hbm>>
        tpu.enqueue_indirect_dma source(%dma_start3A_138 : memref<10000x128xf32, #tpu.memory_space<hbm>>) target(%dma_start3A_132 : memref<128x128xf32, #tpu.memory_space<vmem>>) offsets(%dma_start3A_135 : memref<128xi32, #tpu.memory_space<vmem>>) semaphore(%arg11 : memref<!tpu.dma_semaphore, #tpu.memory_space<semaphore_mem>>)
      } else {
      }
      %add3A_105 = arith.constant 1 : i32
      %add3A_106 = arith.addi %add3A_87, %add3A_105 : i32
      %dma_wait3A_107 = arith.constant 1 : i32
      %dma_wait3A_108 = arith.constant 0 : i32
      %dma_wait3A_109 = arith.constant 0 : i32
      %dma_wait3A_110 = tpu.memref_slice %arg9[%dma_wait3A_107, %dma_wait3A_108, %dma_wait3A_109] : memref<2x128x128xf32, #tpu.memory_space<vmem>> -> memref<1x128x128xf32, #tpu.memory_space<vmem>>
      %dma_wait3A_111 = tpu.memref_squeeze %dma_wait3A_110 : memref<1x128x128xf32, #tpu.memory_space<vmem>> -> memref<128x128xf32, #tpu.memory_space<vmem>>
      %dma_wait3A_112 = arith.constant 0 : i32
      %dma_wait3A_113 = tpu.memref_slice %arg7[%add3A_106, %dma_wait3A_112] : memref<40x128xi32, #tpu.memory_space<vmem>> -> memref<1x128xi32, #tpu.memory_space<vmem>>
      %dma_wait3A_114 = tpu.memref_squeeze %dma_wait3A_113 : memref<1x128xi32, #tpu.memory_space<vmem>> -> memref<128xi32, #tpu.memory_space<vmem>>
      %dma_wait3A_115 = arith.constant 0 : i32
      %dma_wait3A_116 = arith.constant 0 : i32
      %dma_wait3A_117 = tpu.memref_slice %arg5[%dma_wait3A_115, %dma_wait3A_116] : memref<10000x128xf32, #tpu.memory_space<hbm>> -> memref<10000x128xf32, #tpu.memory_space<hbm>>
      tpu.wait_indirect_dma semaphore(%arg12 : memref<!tpu.dma_semaphore, #tpu.memory_space<semaphore_mem>>) src(%dma_wait3A_117 : memref<10000x128xf32, #tpu.memory_space<hbm>>) dst(%dma_wait3A_111 : memref<128x128xf32, #tpu.memory_space<vmem>>)
      %run_scoped3A_118 = arith.constant 1 : i32
      "tpu.region"() ({
        %run_scoped3A_127 = tpu.sem_alloc : memref<!tpu.dma_semaphore, #tpu.memory_space<semaphore_mem>>
        %dma_start3A_128 = arith.constant 0 : i32
        %dma_start3A_129 = arith.constant 0 : i32
        %dma_start3A_130 = tpu.memref_slice %arg9[%run_scoped3A_118, %dma_start3A_128, %dma_start3A_129] : memref<2x128x128xf32, #tpu.memory_space<vmem>> -> memref<1x128x128xf32, #tpu.memory_space<vmem>>
        %dma_start3A_131 = tpu.memref_squeeze %dma_start3A_130 : memref<1x128x128xf32, #tpu.memory_space<vmem>> -> memref<128x128xf32, #tpu.memory_space<vmem>>
        %dma_start3A_132 = arith.constant 0 : i32
        %dma_start3A_133 = tpu.memref_slice %arg8[%add3A_106, %dma_start3A_132] : memref<40x128xi32, #tpu.memory_space<vmem>> -> memref<1x128xi32, #tpu.memory_space<vmem>>
        %dma_start3A_134 = tpu.memref_squeeze %dma_start3A_133 : memref<1x128xi32, #tpu.memory_space<vmem>> -> memref<128xi32, #tpu.memory_space<vmem>>
        %dma_start3A_135 = arith.constant 0 : i32
        %dma_start3A_136 = arith.constant 0 : i32
        %dma_start3A_137 = tpu.memref_slice %arg10[%dma_start3A_135, %dma_start3A_136] : memref<10112x128xf32, #tpu.memory_space<vmem_shared>> -> memref<10112x128xf32, #tpu.memory_space<vmem_shared>>
        tpu.enqueue_indirect_dma source(%dma_start3A_131 : memref<128x128xf32, #tpu.memory_space<vmem>>) target(%dma_start3A_137 : memref<10112x128xf32, #tpu.memory_space<vmem_shared>>) offsets(%dma_start3A_134 : memref<128xi32, #tpu.memory_space<vmem>>) semaphore(%run_scoped3A_127 : memref<!tpu.dma_semaphore, #tpu.memory_space<semaphore_mem>>) {add = true}
        %dma_wait3A_138 = arith.constant 0 : i32
        %dma_wait3A_139 = arith.constant 0 : i32
        %dma_wait3A_140 = tpu.memref_slice %arg9[%run_scoped3A_118, %dma_wait3A_138, %dma_wait3A_139] : memref<2x128x128xf32, #tpu.memory_space<vmem>> -> memref<1x128x128xf32, #tpu.memory_space<vmem>>
        %dma_wait3A_141 = tpu.memref_squeeze %dma_wait3A_140 : memref<1x128x128xf32, #tpu.memory_space<vmem>> -> memref<128x128xf32, #tpu.memory_space<vmem>>
        %dma_wait3A_142 = arith.constant 0 : i32
        %dma_wait3A_143 = tpu.memref_slice %arg8[%add3A_106, %dma_wait3A_142] : memref<40x128xi32, #tpu.memory_space<vmem>> -> memref<1x128xi32, #tpu.memory_space<vmem>>
        %dma_wait3A_144 = tpu.memref_squeeze %dma_wait3A_143 : memref<1x128xi32, #tpu.memory_space<vmem>> -> memref<128xi32, #tpu.memory_space<vmem>>
        %dma_wait3A_145 = arith.constant 0 : i32
        %dma_wait3A_146 = arith.constant 0 : i32
        %dma_wait3A_147 = tpu.memref_slice %arg10[%dma_wait3A_145, %dma_wait3A_146] : memref<10112x128xf32, #tpu.memory_space<vmem_shared>> -> memref<10112x128xf32, #tpu.memory_space<vmem_shared>>
        tpu.wait_indirect_dma semaphore(%run_scoped3A_127 : memref<!tpu.dma_semaphore, #tpu.memory_space<semaphore_mem>>) src(%dma_wait3A_141 : memref<128x128xf32, #tpu.memory_space<vmem>>) dst(%dma_wait3A_147 : memref<10112x128xf32, #tpu.memory_space<vmem_shared>>)
        tpu.yield
      }) : () -> ()
      %add3A_119 = arith.constant 2 : i32
      %add3A_120 = arith.addi %add3A_106, %add3A_119 : i32
      %lt3A_121 = arith.constant 40 : i32
      %lt3A_122 = arith.cmpi slt, %add3A_120, %lt3A_121 : i32
      %convert_element_type3A_123 = arith.extui %lt3A_122 : i1 to i32
      %cond3A_124 = arith.constant 1 : i32
      %cond3A_125 = arith.constant 0 : i32
      %cond3A_126 = arith.cmpi ne, %convert_element_type3A_123, %cond3A_125 : i32
      scf.if %cond3A_126 {
        %add3A_127 = arith.constant 2 : i32
        %add3A_128 = arith.addi %add3A_106, %add3A_127 : i32
        %dma_start3A_129 = arith.constant 0 : i32
        %dma_start3A_130 = arith.constant 0 : i32
        %dma_start3A_131 = tpu.memref_slice %arg9[%cond3A_124, %dma_start3A_129, %dma_start3A_130] : memref<2x128x128xf32, #tpu.memory_space<vmem>> -> memref<1x128x128xf32, #tpu.memory_space<vmem>>
        %dma_start3A_132 = tpu.memref_squeeze %dma_start3A_131 : memref<1x128x128xf32, #tpu.memory_space<vmem>> -> memref<128x128xf32, #tpu.memory_space<vmem>>
        %dma_start3A_133 = arith.constant 0 : i32
        %dma_start3A_134 = tpu.memref_slice %arg7[%add3A_128, %dma_start3A_133] : memref<40x128xi32, #tpu.memory_space<vmem>> -> memref<1x128xi32, #tpu.memory_space<vmem>>
        %dma_start3A_135 = tpu.memref_squeeze %dma_start3A_134 : memref<1x128xi32, #tpu.memory_space<vmem>> -> memref<128xi32, #tpu.memory_space<vmem>>
        %dma_start3A_136 = arith.constant 0 : i32
        %dma_start3A_137 = arith.constant 0 : i32
        %dma_start3A_138 = tpu.memref_slice %arg5[%dma_start3A_136, %dma_start3A_137] : memref<10000x128xf32, #tpu.memory_space<hbm>> -> memref<10000x128xf32, #tpu.memory_space<hbm>>
        tpu.enqueue_indirect_dma source(%dma_start3A_138 : memref<10000x128xf32, #tpu.memory_space<hbm>>) target(%dma_start3A_132 : memref<128x128xf32, #tpu.memory_space<vmem>>) offsets(%dma_start3A_135 : memref<128xi32, #tpu.memory_space<vmem>>) semaphore(%arg12 : memref<!tpu.dma_semaphore, #tpu.memory_space<semaphore_mem>>)
      } else {
      }
    }
    %scan3A_74 = arith.constant 20 : i32
    %barrier3A_75 = arith.constant 0 : index
    tpu.barrier barrier_id(%barrier3A_75)
    %mul3A_76 = arith.constant 10112 : i32
    %mul3A_77 = arith.muli %arg0, %mul3A_76 : i32
    %mul3A_78 = arith.constant 632 : i32
    %mul3A_79 = arith.muli %arg1, %mul3A_78 : i32
    %add3A_80 = arith.addi %mul3A_77, %mul3A_79 : i32
    %mul3A_81 = arith.constant 632 : i32
    %mul3A_82 = arith.muli %arg1, %mul3A_81 : i32
    "tpu.region"() ({
      %run_scoped3A = tpu.sem_alloc : memref<!tpu.dma_semaphore, #tpu.memory_space<semaphore_mem>>
      %dma_start3A_83 = arith.constant 0 : i32
      %dma_start3A_84 = tpu.memref_slice %arg6[%add3A_80, %dma_start3A_83] : memref<20224x128xf32, #tpu.memory_space<hbm>> -> memref<632x128xf32, #tpu.memory_space<hbm>>
      %dma_start3A_85 = arith.constant 0 : i32
      %dma_start3A_86 = tpu.memref_slice %arg10[%mul3A_82, %dma_start3A_85] : memref<10112x128xf32, #tpu.memory_space<vmem_shared>> -> memref<632x128xf32, #tpu.memory_space<vmem_shared>>
      tpu.enqueue_dma source(%dma_start3A_86 : memref<632x128xf32, #tpu.memory_space<vmem_shared>>) target(%dma_start3A_84 : memref<632x128xf32, #tpu.memory_space<hbm>>) target_semaphore(%run_scoped3A : memref<!tpu.dma_semaphore, #tpu.memory_space<semaphore_mem>>)
      %dma_wait3A = arith.constant 0 : i32
      %dma_wait3A_87 = tpu.memref_slice %arg6[%add3A_80, %dma_wait3A] : memref<20224x128xf32, #tpu.memory_space<hbm>> -> memref<632x128xf32, #tpu.memory_space<hbm>>
      %dma_wait3A_88 = arith.constant 0 : i32
      %dma_wait3A_89 = tpu.memref_slice %arg10[%mul3A_82, %dma_wait3A_88] : memref<10112x128xf32, #tpu.memory_space<vmem_shared>> -> memref<632x128xf32, #tpu.memory_space<vmem_shared>>
      tpu.wait_dma2 semaphore(%run_scoped3A : memref<!tpu.dma_semaphore, #tpu.memory_space<semaphore_mem>>) src(%dma_wait3A_89 : memref<632x128xf32, #tpu.memory_space<vmem_shared>>) dst(%dma_wait3A_87 : memref<632x128xf32, #tpu.memory_space<hbm>>)
      tpu.yield
    }) : () -> ()
    return
  }
}

#map = affine_map<(d0, d1) -> (0, 0)>
#map1 = affine_map<(d0, d1) -> (0)>
module attributes {stable_mosaic.version = 14 : i64} {
  func.func @_cnt_kernel(%arg0: i32, %arg1: i32, %arg2: memref<2560x128xi32, #tpu.memory_space<hbm>>, %arg3: memref<2560x128xi32, #tpu.memory_space<hbm>>, %arg4: memref<20224xf32, #tpu.memory_space<hbm>>, %arg5: memref<10000xi32, #tpu.memory_space<hbm>>, %arg6: memref<647168xf32, #tpu.memory_space<hbm>>, %arg7: memref<40x128xi32, #tpu.memory_space<vmem>>, %arg8: memref<40x128xi32, #tpu.memory_space<vmem>>, %arg9: memref<2x128xi32, #tpu.memory_space<vmem>>, %arg10: memref<128xi32, #tpu.memory_space<vmem>>, %arg11: memref<128xf32, #tpu.memory_space<vmem>>, %arg12: memref<323584xf32, #tpu.memory_space<vmem_shared>>, %arg13: memref<!tpu.dma_semaphore, #tpu.memory_space<semaphore_mem>>, %arg14: memref<!tpu.dma_semaphore, #tpu.memory_space<semaphore_mem>>) attributes {dimension_semantics = [#tpu.dimension_semantics<core_parallel>, #tpu.dimension_semantics<subcore_parallel>], iteration_bounds = array<i64: 2, 16>, scalar_prefetch = 0 : i64, scratch_operands = 8 : i64, tpu.core_type = #tpu.core_type<sc_vector_subcore>, window_params = [{transform_indices = #map}, {transform_indices = #map}, {transform_indices = #map1}, {transform_indices = #map1}, {transform_indices = #map1}]} {
    %broadcast_in_dim3A = arith.constant 1.000000e+00 : f32
    %broadcast_in_dim3A_0 = vector.broadcast %broadcast_in_dim3A : f32 to vector<16xf32>
    %swap3A = arith.constant 0 : index
    %swap3A_1 = tpu.vector_load %arg11[%swap3A] {strides = array<i32>} : memref<128xf32, #tpu.memory_space<vmem>>, vector<16xf32>,
    %swap3A_2 = vector.shape_cast %swap3A_1 : vector<16xf32> to vector<16xf32>
    %swap3A_3 = vector.shape_cast %broadcast_in_dim3A_0 : vector<16xf32> to vector<16xf32>
    tpu.vector_store %arg11[%swap3A], %swap3A_3 {strides = array<i32>} : memref<128xf32, #tpu.memory_space<vmem>>, vector<16xf32>,
    %broadcast_in_dim3A_4 = arith.constant 1.000000e+00 : f32
    %broadcast_in_dim3A_5 = vector.broadcast %broadcast_in_dim3A_4 : f32 to vector<16xf32>
    %swap3A_6 = arith.constant 16 : index
    %swap3A_7 = tpu.vector_load %arg11[%swap3A_6] {strides = array<i32>} : memref<128xf32, #tpu.memory_space<vmem>>, vector<16xf32>,
    %swap3A_8 = vector.shape_cast %swap3A_7 : vector<16xf32> to vector<16xf32>
    %swap3A_9 = vector.shape_cast %broadcast_in_dim3A_5 : vector<16xf32> to vector<16xf32>
    tpu.vector_store %arg11[%swap3A_6], %swap3A_9 {strides = array<i32>} : memref<128xf32, #tpu.memory_space<vmem>>, vector<16xf32>,
    %broadcast_in_dim3A_10 = arith.constant 1.000000e+00 : f32
    %broadcast_in_dim3A_11 = vector.broadcast %broadcast_in_dim3A_10 : f32 to vector<16xf32>
    %swap3A_12 = arith.constant 32 : index
    %swap3A_13 = tpu.vector_load %arg11[%swap3A_12] {strides = array<i32>} : memref<128xf32, #tpu.memory_space<vmem>>, vector<16xf32>,
    %swap3A_14 = vector.shape_cast %swap3A_13 : vector<16xf32> to vector<16xf32>
    %swap3A_15 = vector.shape_cast %broadcast_in_dim3A_11 : vector<16xf32> to vector<16xf32>
    tpu.vector_store %arg11[%swap3A_12], %swap3A_15 {strides = array<i32>} : memref<128xf32, #tpu.memory_space<vmem>>, vector<16xf32>,
    %broadcast_in_dim3A_16 = arith.constant 1.000000e+00 : f32
    %broadcast_in_dim3A_17 = vector.broadcast %broadcast_in_dim3A_16 : f32 to vector<16xf32>
    %swap3A_18 = arith.constant 48 : index
    %swap3A_19 = tpu.vector_load %arg11[%swap3A_18] {strides = array<i32>} : memref<128xf32, #tpu.memory_space<vmem>>, vector<16xf32>,
    %swap3A_20 = vector.shape_cast %swap3A_19 : vector<16xf32> to vector<16xf32>
    %swap3A_21 = vector.shape_cast %broadcast_in_dim3A_17 : vector<16xf32> to vector<16xf32>
    tpu.vector_store %arg11[%swap3A_18], %swap3A_21 {strides = array<i32>} : memref<128xf32, #tpu.memory_space<vmem>>, vector<16xf32>,
    %broadcast_in_dim3A_22 = arith.constant 1.000000e+00 : f32
    %broadcast_in_dim3A_23 = vector.broadcast %broadcast_in_dim3A_22 : f32 to vector<16xf32>
    %swap3A_24 = arith.constant 64 : index
    %swap3A_25 = tpu.vector_load %arg11[%swap3A_24] {strides = array<i32>} : memref<128xf32, #tpu.memory_space<vmem>>, vector<16xf32>,
    %swap3A_26 = vector.shape_cast %swap3A_25 : vector<16xf32> to vector<16xf32>
    %swap3A_27 = vector.shape_cast %broadcast_in_dim3A_23 : vector<16xf32> to vector<16xf32>
    tpu.vector_store %arg11[%swap3A_24], %swap3A_27 {strides = array<i32>} : memref<128xf32, #tpu.memory_space<vmem>>, vector<16xf32>,
    %broadcast_in_dim3A_28 = arith.constant 1.000000e+00 : f32
    %broadcast_in_dim3A_29 = vector.broadcast %broadcast_in_dim3A_28 : f32 to vector<16xf32>
    %swap3A_30 = arith.constant 80 : index
    %swap3A_31 = tpu.vector_load %arg11[%swap3A_30] {strides = array<i32>} : memref<128xf32, #tpu.memory_space<vmem>>, vector<16xf32>,
    %swap3A_32 = vector.shape_cast %swap3A_31 : vector<16xf32> to vector<16xf32>
    %swap3A_33 = vector.shape_cast %broadcast_in_dim3A_29 : vector<16xf32> to vector<16xf32>
    tpu.vector_store %arg11[%swap3A_30], %swap3A_33 {strides = array<i32>} : memref<128xf32, #tpu.memory_space<vmem>>, vector<16xf32>,
    %broadcast_in_dim3A_34 = arith.constant 1.000000e+00 : f32
    %broadcast_in_dim3A_35 = vector.broadcast %broadcast_in_dim3A_34 : f32 to vector<16xf32>
    %swap3A_36 = arith.constant 96 : index
    %swap3A_37 = tpu.vector_load %arg11[%swap3A_36] {strides = array<i32>} : memref<128xf32, #tpu.memory_space<vmem>>, vector<16xf32>,
    %swap3A_38 = vector.shape_cast %swap3A_37 : vector<16xf32> to vector<16xf32>
    %swap3A_39 = vector.shape_cast %broadcast_in_dim3A_35 : vector<16xf32> to vector<16xf32>
    tpu.vector_store %arg11[%swap3A_36], %swap3A_39 {strides = array<i32>} : memref<128xf32, #tpu.memory_space<vmem>>, vector<16xf32>,
    %broadcast_in_dim3A_40 = arith.constant 1.000000e+00 : f32
    %broadcast_in_dim3A_41 = vector.broadcast %broadcast_in_dim3A_40 : f32 to vector<16xf32>
    %swap3A_42 = arith.constant 112 : index
    %swap3A_43 = tpu.vector_load %arg11[%swap3A_42] {strides = array<i32>} : memref<128xf32, #tpu.memory_space<vmem>>, vector<16xf32>,
    %swap3A_44 = vector.shape_cast %swap3A_43 : vector<16xf32> to vector<16xf32>
    %swap3A_45 = vector.shape_cast %broadcast_in_dim3A_41 : vector<16xf32> to vector<16xf32>
    tpu.vector_store %arg11[%swap3A_42], %swap3A_45 {strides = array<i32>} : memref<128xf32, #tpu.memory_space<vmem>>, vector<16xf32>,
    %mul3A = arith.constant 20224 : i32
    %mul3A_46 = arith.muli %arg1, %mul3A : i32
    "tpu.region"() ({
      %run_scoped3A = tpu.sem_alloc : memref<!tpu.dma_semaphore, #tpu.memory_space<semaphore_mem>>
      %dma_start3A_123 = tpu.memref_slice %arg12[%mul3A_46] : memref<323584xf32, #tpu.memory_space<vmem_shared>> -> memref<20224xf32, #tpu.memory_space<vmem_shared>>
      tpu.enqueue_dma source(%arg4 : memref<20224xf32, #tpu.memory_space<hbm>>) target(%dma_start3A_123 : memref<20224xf32, #tpu.memory_space<vmem_shared>>) target_semaphore(%run_scoped3A : memref<!tpu.dma_semaphore, #tpu.memory_space<semaphore_mem>>)
      %dma_wait3A = tpu.memref_slice %arg12[%mul3A_46] : memref<323584xf32, #tpu.memory_space<vmem_shared>> -> memref<20224xf32, #tpu.memory_space<vmem_shared>>
      tpu.wait_dma2 semaphore(%run_scoped3A : memref<!tpu.dma_semaphore, #tpu.memory_space<semaphore_mem>>) src(%arg4 : memref<20224xf32, #tpu.memory_space<hbm>>) dst(%dma_wait3A : memref<20224xf32, #tpu.memory_space<vmem_shared>>)
      tpu.yield
    }) : () -> ()
    %barrier3A = arith.constant 0 : index
    tpu.barrier barrier_id(%barrier3A)
    %mul3A_47 = arith.constant 2 : i32
    %mul3A_48 = arith.muli %arg1, %mul3A_47 : i32
    %add3A = arith.addi %mul3A_48, %arg0 : i32
    %mul3A_49 = arith.constant 80 : i32
    %mul3A_50 = arith.muli %add3A, %mul3A_49 : i32
    %add3A_51 = arith.constant 0 : i32
    %add3A_52 = arith.addi %mul3A_50, %add3A_51 : i32
    "tpu.region"() ({
      %run_scoped3A = tpu.sem_alloc : memref<!tpu.dma_semaphore, #tpu.memory_space<semaphore_mem>>
      %dma_start3A_123 = arith.constant 0 : i32
      %dma_start3A_124 = tpu.memref_slice %arg2[%add3A_52, %dma_start3A_123] : memref<2560x128xi32, #tpu.memory_space<hbm>> -> memref<40x128xi32, #tpu.memory_space<hbm>>
      %dma_start3A_125 = arith.constant 0 : i32
      %dma_start3A_126 = tpu.memref_slice %arg2[%add3A_52, %dma_start3A_125] : memref<2560x128xi32, #tpu.memory_space<hbm>> -> memref<40x128xi32, #tpu.memory_space<hbm>>
      tpu.enqueue_dma source(%dma_start3A_126 : memref<40x128xi32, #tpu.memory_space<hbm>>) target(%arg7 : memref<40x128xi32, #tpu.memory_space<vmem>>) target_semaphore(%run_scoped3A : memref<!tpu.dma_semaphore, #tpu.memory_space<semaphore_mem>>)
      %dma_wait3A = arith.constant 0 : i32
      %dma_wait3A_127 = tpu.memref_slice %arg2[%add3A_52, %dma_wait3A] : memref<2560x128xi32, #tpu.memory_space<hbm>> -> memref<40x128xi32, #tpu.memory_space<hbm>>
      %dma_wait3A_128 = arith.constant 0 : i32
      %dma_wait3A_129 = tpu.memref_slice %arg2[%add3A_52, %dma_wait3A_128] : memref<2560x128xi32, #tpu.memory_space<hbm>> -> memref<40x128xi32, #tpu.memory_space<hbm>>
      tpu.wait_dma2 semaphore(%run_scoped3A : memref<!tpu.dma_semaphore, #tpu.memory_space<semaphore_mem>>) src(%dma_wait3A_129 : memref<40x128xi32, #tpu.memory_space<hbm>>) dst(%arg7 : memref<40x128xi32, #tpu.memory_space<vmem>>)
      tpu.yield
    }) : () -> ()
    %mul3A_53 = arith.constant 80 : i32
    %mul3A_54 = arith.muli %add3A, %mul3A_53 : i32
    %add3A_55 = arith.constant 0 : i32
    %add3A_56 = arith.addi %mul3A_54, %add3A_55 : i32
    "tpu.region"() ({
      %run_scoped3A = tpu.sem_alloc : memref<!tpu.dma_semaphore, #tpu.memory_space<semaphore_mem>>
      %dma_start3A_123 = arith.constant 0 : i32
      %dma_start3A_124 = tpu.memref_slice %arg3[%add3A_56, %dma_start3A_123] : memref<2560x128xi32, #tpu.memory_space<hbm>> -> memref<40x128xi32, #tpu.memory_space<hbm>>
      %dma_start3A_125 = arith.constant 0 : i32
      %dma_start3A_126 = tpu.memref_slice %arg3[%add3A_56, %dma_start3A_125] : memref<2560x128xi32, #tpu.memory_space<hbm>> -> memref<40x128xi32, #tpu.memory_space<hbm>>
      tpu.enqueue_dma source(%dma_start3A_126 : memref<40x128xi32, #tpu.memory_space<hbm>>) target(%arg8 : memref<40x128xi32, #tpu.memory_space<vmem>>) target_semaphore(%run_scoped3A : memref<!tpu.dma_semaphore, #tpu.memory_space<semaphore_mem>>)
      %dma_wait3A = arith.constant 0 : i32
      %dma_wait3A_127 = tpu.memref_slice %arg3[%add3A_56, %dma_wait3A] : memref<2560x128xi32, #tpu.memory_space<hbm>> -> memref<40x128xi32, #tpu.memory_space<hbm>>
      %dma_wait3A_128 = arith.constant 0 : i32
      %dma_wait3A_129 = tpu.memref_slice %arg3[%add3A_56, %dma_wait3A_128] : memref<2560x128xi32, #tpu.memory_space<hbm>> -> memref<40x128xi32, #tpu.memory_space<hbm>>
      tpu.wait_dma2 semaphore(%run_scoped3A : memref<!tpu.dma_semaphore, #tpu.memory_space<semaphore_mem>>) src(%dma_wait3A_129 : memref<40x128xi32, #tpu.memory_space<hbm>>) dst(%arg8 : memref<40x128xi32, #tpu.memory_space<vmem>>)
      tpu.yield
    }) : () -> ()
    %dma_start3A = arith.constant 0 : i32
    %dma_start3A_57 = arith.constant 0 : i32
    %dma_start3A_58 = arith.constant 0 : i32
    %dma_start3A_59 = tpu.memref_slice %arg9[%dma_start3A_57, %dma_start3A_58] : memref<2x128xi32, #tpu.memory_space<vmem>> -> memref<1x128xi32, #tpu.memory_space<vmem>>
    %dma_start3A_60 = tpu.memref_squeeze %dma_start3A_59 : memref<1x128xi32, #tpu.memory_space<vmem>> -> memref<128xi32, #tpu.memory_space<vmem>>
    %dma_start3A_61 = arith.constant 0 : i32
    %dma_start3A_62 = tpu.memref_slice %arg7[%dma_start3A, %dma_start3A_61] : memref<40x128xi32, #tpu.memory_space<vmem>> -> memref<1x128xi32, #tpu.memory_space<vmem>>
    %dma_start3A_63 = tpu.memref_squeeze %dma_start3A_62 : memref<1x128xi32, #tpu.memory_space<vmem>> -> memref<128xi32, #tpu.memory_space<vmem>>
    %dma_start3A_64 = arith.constant 0 : i32
    %dma_start3A_65 = tpu.memref_slice %arg5[%dma_start3A_64] : memref<10000xi32, #tpu.memory_space<hbm>> -> memref<10000xi32, #tpu.memory_space<hbm>>
    tpu.enqueue_indirect_dma source(%dma_start3A_65 : memref<10000xi32, #tpu.memory_space<hbm>>) target(%dma_start3A_60 : memref<128xi32, #tpu.memory_space<vmem>>) offsets(%dma_start3A_63 : memref<128xi32, #tpu.memory_space<vmem>>) semaphore(%arg13 : memref<!tpu.dma_semaphore, #tpu.memory_space<semaphore_mem>>)
    %dma_start3A_66 = arith.constant 1 : i32
    %dma_start3A_67 = arith.constant 1 : i32
    %dma_start3A_68 = arith.constant 0 : i32
    %dma_start3A_69 = tpu.memref_slice %arg9[%dma_start3A_67, %dma_start3A_68] : memref<2x128xi32, #tpu.memory_space<vmem>> -> memref<1x128xi32, #tpu.memory_space<vmem>>
    %dma_start3A_70 = tpu.memref_squeeze %dma_start3A_69 : memref<1x128xi32, #tpu.memory_space<vmem>> -> memref<128xi32, #tpu.memory_space<vmem>>
    %dma_start3A_71 = arith.constant 0 : i32
    %dma_start3A_72 = tpu.memref_slice %arg7[%dma_start3A_66, %dma_start3A_71] : memref<40x128xi32, #tpu.memory_space<vmem>> -> memref<1x128xi32, #tpu.memory_space<vmem>>
    %dma_start3A_73 = tpu.memref_squeeze %dma_start3A_72 : memref<1x128xi32, #tpu.memory_space<vmem>> -> memref<128xi32, #tpu.memory_space<vmem>>
    %dma_start3A_74 = arith.constant 0 : i32
    %dma_start3A_75 = tpu.memref_slice %arg5[%dma_start3A_74] : memref<10000xi32, #tpu.memory_space<hbm>> -> memref<10000xi32, #tpu.memory_space<hbm>>
    tpu.enqueue_indirect_dma source(%dma_start3A_75 : memref<10000xi32, #tpu.memory_space<hbm>>) target(%dma_start3A_70 : memref<128xi32, #tpu.memory_space<vmem>>) offsets(%dma_start3A_73 : memref<128xi32, #tpu.memory_space<vmem>>) semaphore(%arg14 : memref<!tpu.dma_semaphore, #tpu.memory_space<semaphore_mem>>)
    %scan3A = arith.constant 0 : i32
    %scan3A_76 = arith.constant 20 : i32
    %scan3A_77 = arith.addi %scan3A, %scan3A_76 : i32
    %scan3A_78 = arith.constant 1 : i32
    scf.for %scan3A_123 = %scan3A to %scan3A_77 step %scan3A_78  : i32 {
      %mul3A_124 = arith.constant 2 : i32
      %mul3A_125 = arith.muli %scan3A_123, %mul3A_124 : i32
      %add3A_126 = arith.constant 0 : i32
      %add3A_127 = arith.addi %add3A_126, %mul3A_125 : i32
      %add3A_128 = arith.constant 0 : i32
      %add3A_129 = arith.addi %add3A_127, %add3A_128 : i32
      %dma_wait3A = arith.constant 0 : i32
      %dma_wait3A_130 = arith.constant 0 : i32
      %dma_wait3A_131 = tpu.memref_slice %arg9[%dma_wait3A, %dma_wait3A_130] : memref<2x128xi32, #tpu.memory_space<vmem>> -> memref<1x128xi32, #tpu.memory_space<vmem>>
      %dma_wait3A_132 = tpu.memref_squeeze %dma_wait3A_131 : memref<1x128xi32, #tpu.memory_space<vmem>> -> memref<128xi32, #tpu.memory_space<vmem>>
      %dma_wait3A_133 = arith.constant 0 : i32
      %dma_wait3A_134 = tpu.memref_slice %arg7[%add3A_129, %dma_wait3A_133] : memref<40x128xi32, #tpu.memory_space<vmem>> -> memref<1x128xi32, #tpu.memory_space<vmem>>
      %dma_wait3A_135 = tpu.memref_squeeze %dma_wait3A_134 : memref<1x128xi32, #tpu.memory_space<vmem>> -> memref<128xi32, #tpu.memory_space<vmem>>
      %dma_wait3A_136 = arith.constant 0 : i32
      %dma_wait3A_137 = tpu.memref_slice %arg5[%dma_wait3A_136] : memref<10000xi32, #tpu.memory_space<hbm>> -> memref<10000xi32, #tpu.memory_space<hbm>>
      tpu.wait_indirect_dma semaphore(%arg13 : memref<!tpu.dma_semaphore, #tpu.memory_space<semaphore_mem>>) src(%dma_wait3A_137 : memref<10000xi32, #tpu.memory_space<hbm>>) dst(%dma_wait3A_132 : memref<128xi32, #tpu.memory_space<vmem>>)
      %get3A = arith.index_cast %add3A_129 : i32 to index
      %get3A_138 = arith.constant 0 : index
      %get3A_139 = tpu.vector_load %arg8[%get3A, %get3A_138] {strides = array<i32>} : memref<40x128xi32, #tpu.memory_space<vmem>>, vector<1x16xi32>,
      %get3A_140 = vector.shape_cast %get3A_139 : vector<1x16xi32> to vector<16xi32>
      %mul3A_141 = arith.constant 32 : i32
      %mul3A_142 = vector.broadcast %mul3A_141 : i32 to vector<16xi32>
      %mul3A_143 = arith.muli %get3A_140, %mul3A_142 : vector<16xi32>
      %get3A_144 = arith.constant 0 : i32
      %get3A_145 = arith.index_cast %get3A_144 : i32 to index
      %get3A_146 = arith.constant 0 : index
      %get3A_147 = tpu.vector_load %arg9[%get3A_145, %get3A_146] {strides = array<i32>} : memref<2x128xi32, #tpu.memory_space<vmem>>, vector<1x16xi32>,
      %get3A_148 = vector.shape_cast %get3A_147 : vector<1x16xi32> to vector<16xi32>
      %add3A_149 = arith.addi %mul3A_143, %get3A_148 : vector<16xi32>
      %swap3A_150 = arith.constant 0 : index
      %swap3A_151 = tpu.vector_load %arg10[%swap3A_150] {strides = array<i32>} : memref<128xi32, #tpu.memory_space<vmem>>, vector<16xi32>,
      %swap3A_152 = vector.shape_cast %swap3A_151 : vector<16xi32> to vector<16xi32>
      %swap3A_153 = vector.shape_cast %add3A_149 : vector<16xi32> to vector<16xi32>
      tpu.vector_store %arg10[%swap3A_150], %swap3A_153 {strides = array<i32>} : memref<128xi32, #tpu.memory_space<vmem>>, vector<16xi32>,
      %get3A_154 = arith.index_cast %add3A_129 : i32 to index
      %get3A_155 = arith.constant 16 : index
      %get3A_156 = tpu.vector_load %arg8[%get3A_154, %get3A_155] {strides = array<i32>} : memref<40x128xi32, #tpu.memory_space<vmem>>, vector<1x16xi32>,
      %get3A_157 = vector.shape_cast %get3A_156 : vector<1x16xi32> to vector<16xi32>
      %mul3A_158 = arith.constant 32 : i32
      %mul3A_159 = vector.broadcast %mul3A_158 : i32 to vector<16xi32>
      %mul3A_160 = arith.muli %get3A_157, %mul3A_159 : vector<16xi32>
      %get3A_161 = arith.constant 0 : i32
      %get3A_162 = arith.index_cast %get3A_161 : i32 to index
      %get3A_163 = arith.constant 16 : index
      %get3A_164 = tpu.vector_load %arg9[%get3A_162, %get3A_163] {strides = array<i32>} : memref<2x128xi32, #tpu.memory_space<vmem>>, vector<1x16xi32>,
      %get3A_165 = vector.shape_cast %get3A_164 : vector<1x16xi32> to vector<16xi32>
      %add3A_166 = arith.addi %mul3A_160, %get3A_165 : vector<16xi32>
      %swap3A_167 = arith.constant 16 : index
      %swap3A_168 = tpu.vector_load %arg10[%swap3A_167] {strides = array<i32>} : memref<128xi32, #tpu.memory_space<vmem>>, vector<16xi32>,
      %swap3A_169 = vector.shape_cast %swap3A_168 : vector<16xi32> to vector<16xi32>
      %swap3A_170 = vector.shape_cast %add3A_166 : vector<16xi32> to vector<16xi32>
      tpu.vector_store %arg10[%swap3A_167], %swap3A_170 {strides = array<i32>} : memref<128xi32, #tpu.memory_space<vmem>>, vector<16xi32>,
      %get3A_171 = arith.index_cast %add3A_129 : i32 to index
      %get3A_172 = arith.constant 32 : index
      %get3A_173 = tpu.vector_load %arg8[%get3A_171, %get3A_172] {strides = array<i32>} : memref<40x128xi32, #tpu.memory_space<vmem>>, vector<1x16xi32>,
      %get3A_174 = vector.shape_cast %get3A_173 : vector<1x16xi32> to vector<16xi32>
      %mul3A_175 = arith.constant 32 : i32
      %mul3A_176 = vector.broadcast %mul3A_175 : i32 to vector<16xi32>
      %mul3A_177 = arith.muli %get3A_174, %mul3A_176 : vector<16xi32>
      %get3A_178 = arith.constant 0 : i32
      %get3A_179 = arith.index_cast %get3A_178 : i32 to index
      %get3A_180 = arith.constant 32 : index
      %get3A_181 = tpu.vector_load %arg9[%get3A_179, %get3A_180] {strides = array<i32>} : memref<2x128xi32, #tpu.memory_space<vmem>>, vector<1x16xi32>,
      %get3A_182 = vector.shape_cast %get3A_181 : vector<1x16xi32> to vector<16xi32>
      %add3A_183 = arith.addi %mul3A_177, %get3A_182 : vector<16xi32>
      %swap3A_184 = arith.constant 32 : index
      %swap3A_185 = tpu.vector_load %arg10[%swap3A_184] {strides = array<i32>} : memref<128xi32, #tpu.memory_space<vmem>>, vector<16xi32>,
      %swap3A_186 = vector.shape_cast %swap3A_185 : vector<16xi32> to vector<16xi32>
      %swap3A_187 = vector.shape_cast %add3A_183 : vector<16xi32> to vector<16xi32>
      tpu.vector_store %arg10[%swap3A_184], %swap3A_187 {strides = array<i32>} : memref<128xi32, #tpu.memory_space<vmem>>, vector<16xi32>,
      %get3A_188 = arith.index_cast %add3A_129 : i32 to index
      %get3A_189 = arith.constant 48 : index
      %get3A_190 = tpu.vector_load %arg8[%get3A_188, %get3A_189] {strides = array<i32>} : memref<40x128xi32, #tpu.memory_space<vmem>>, vector<1x16xi32>,
      %get3A_191 = vector.shape_cast %get3A_190 : vector<1x16xi32> to vector<16xi32>
      %mul3A_192 = arith.constant 32 : i32
      %mul3A_193 = vector.broadcast %mul3A_192 : i32 to vector<16xi32>
      %mul3A_194 = arith.muli %get3A_191, %mul3A_193 : vector<16xi32>
      %get3A_195 = arith.constant 0 : i32
      %get3A_196 = arith.index_cast %get3A_195 : i32 to index
      %get3A_197 = arith.constant 48 : index
      %get3A_198 = tpu.vector_load %arg9[%get3A_196, %get3A_197] {strides = array<i32>} : memref<2x128xi32, #tpu.memory_space<vmem>>, vector<1x16xi32>,
      %get3A_199 = vector.shape_cast %get3A_198 : vector<1x16xi32> to vector<16xi32>
      %add3A_200 = arith.addi %mul3A_194, %get3A_199 : vector<16xi32>
      %swap3A_201 = arith.constant 48 : index
      %swap3A_202 = tpu.vector_load %arg10[%swap3A_201] {strides = array<i32>} : memref<128xi32, #tpu.memory_space<vmem>>, vector<16xi32>,
      %swap3A_203 = vector.shape_cast %swap3A_202 : vector<16xi32> to vector<16xi32>
      %swap3A_204 = vector.shape_cast %add3A_200 : vector<16xi32> to vector<16xi32>
      tpu.vector_store %arg10[%swap3A_201], %swap3A_204 {strides = array<i32>} : memref<128xi32, #tpu.memory_space<vmem>>, vector<16xi32>,
      %get3A_205 = arith.index_cast %add3A_129 : i32 to index
      %get3A_206 = arith.constant 64 : index
      %get3A_207 = tpu.vector_load %arg8[%get3A_205, %get3A_206] {strides = array<i32>} : memref<40x128xi32, #tpu.memory_space<vmem>>, vector<1x16xi32>,
      %get3A_208 = vector.shape_cast %get3A_207 : vector<1x16xi32> to vector<16xi32>
      %mul3A_209 = arith.constant 32 : i32
      %mul3A_210 = vector.broadcast %mul3A_209 : i32 to vector<16xi32>
      %mul3A_211 = arith.muli %get3A_208, %mul3A_210 : vector<16xi32>
      %get3A_212 = arith.constant 0 : i32
      %get3A_213 = arith.index_cast %get3A_212 : i32 to index
      %get3A_214 = arith.constant 64 : index
      %get3A_215 = tpu.vector_load %arg9[%get3A_213, %get3A_214] {strides = array<i32>} : memref<2x128xi32, #tpu.memory_space<vmem>>, vector<1x16xi32>,
      %get3A_216 = vector.shape_cast %get3A_215 : vector<1x16xi32> to vector<16xi32>
      %add3A_217 = arith.addi %mul3A_211, %get3A_216 : vector<16xi32>
      %swap3A_218 = arith.constant 64 : index
      %swap3A_219 = tpu.vector_load %arg10[%swap3A_218] {strides = array<i32>} : memref<128xi32, #tpu.memory_space<vmem>>, vector<16xi32>,
      %swap3A_220 = vector.shape_cast %swap3A_219 : vector<16xi32> to vector<16xi32>
      %swap3A_221 = vector.shape_cast %add3A_217 : vector<16xi32> to vector<16xi32>
      tpu.vector_store %arg10[%swap3A_218], %swap3A_221 {strides = array<i32>} : memref<128xi32, #tpu.memory_space<vmem>>, vector<16xi32>,
      %get3A_222 = arith.index_cast %add3A_129 : i32 to index
      %get3A_223 = arith.constant 80 : index
      %get3A_224 = tpu.vector_load %arg8[%get3A_222, %get3A_223] {strides = array<i32>} : memref<40x128xi32, #tpu.memory_space<vmem>>, vector<1x16xi32>,
      %get3A_225 = vector.shape_cast %get3A_224 : vector<1x16xi32> to vector<16xi32>
      %mul3A_226 = arith.constant 32 : i32
      %mul3A_227 = vector.broadcast %mul3A_226 : i32 to vector<16xi32>
      %mul3A_228 = arith.muli %get3A_225, %mul3A_227 : vector<16xi32>
      %get3A_229 = arith.constant 0 : i32
      %get3A_230 = arith.index_cast %get3A_229 : i32 to index
      %get3A_231 = arith.constant 80 : index
      %get3A_232 = tpu.vector_load %arg9[%get3A_230, %get3A_231] {strides = array<i32>} : memref<2x128xi32, #tpu.memory_space<vmem>>, vector<1x16xi32>,
      %get3A_233 = vector.shape_cast %get3A_232 : vector<1x16xi32> to vector<16xi32>
      %add3A_234 = arith.addi %mul3A_228, %get3A_233 : vector<16xi32>
      %swap3A_235 = arith.constant 80 : index
      %swap3A_236 = tpu.vector_load %arg10[%swap3A_235] {strides = array<i32>} : memref<128xi32, #tpu.memory_space<vmem>>, vector<16xi32>,
      %swap3A_237 = vector.shape_cast %swap3A_236 : vector<16xi32> to vector<16xi32>
      %swap3A_238 = vector.shape_cast %add3A_234 : vector<16xi32> to vector<16xi32>
      tpu.vector_store %arg10[%swap3A_235], %swap3A_238 {strides = array<i32>} : memref<128xi32, #tpu.memory_space<vmem>>, vector<16xi32>,
      %get3A_239 = arith.index_cast %add3A_129 : i32 to index
      %get3A_240 = arith.constant 96 : index
      %get3A_241 = tpu.vector_load %arg8[%get3A_239, %get3A_240] {strides = array<i32>} : memref<40x128xi32, #tpu.memory_space<vmem>>, vector<1x16xi32>,
      %get3A_242 = vector.shape_cast %get3A_241 : vector<1x16xi32> to vector<16xi32>
      %mul3A_243 = arith.constant 32 : i32
      %mul3A_244 = vector.broadcast %mul3A_243 : i32 to vector<16xi32>
      %mul3A_245 = arith.muli %get3A_242, %mul3A_244 : vector<16xi32>
      %get3A_246 = arith.constant 0 : i32
      %get3A_247 = arith.index_cast %get3A_246 : i32 to index
      %get3A_248 = arith.constant 96 : index
      %get3A_249 = tpu.vector_load %arg9[%get3A_247, %get3A_248] {strides = array<i32>} : memref<2x128xi32, #tpu.memory_space<vmem>>, vector<1x16xi32>,
      %get3A_250 = vector.shape_cast %get3A_249 : vector<1x16xi32> to vector<16xi32>
      %add3A_251 = arith.addi %mul3A_245, %get3A_250 : vector<16xi32>
      %swap3A_252 = arith.constant 96 : index
      %swap3A_253 = tpu.vector_load %arg10[%swap3A_252] {strides = array<i32>} : memref<128xi32, #tpu.memory_space<vmem>>, vector<16xi32>,
      %swap3A_254 = vector.shape_cast %swap3A_253 : vector<16xi32> to vector<16xi32>
      %swap3A_255 = vector.shape_cast %add3A_251 : vector<16xi32> to vector<16xi32>
      tpu.vector_store %arg10[%swap3A_252], %swap3A_255 {strides = array<i32>} : memref<128xi32, #tpu.memory_space<vmem>>, vector<16xi32>,
      %get3A_256 = arith.index_cast %add3A_129 : i32 to index
      %get3A_257 = arith.constant 112 : index
      %get3A_258 = tpu.vector_load %arg8[%get3A_256, %get3A_257] {strides = array<i32>} : memref<40x128xi32, #tpu.memory_space<vmem>>, vector<1x16xi32>,
      %get3A_259 = vector.shape_cast %get3A_258 : vector<1x16xi32> to vector<16xi32>
      %mul3A_260 = arith.constant 32 : i32
      %mul3A_261 = vector.broadcast %mul3A_260 : i32 to vector<16xi32>
      %mul3A_262 = arith.muli %get3A_259, %mul3A_261 : vector<16xi32>
      %get3A_263 = arith.constant 0 : i32
      %get3A_264 = arith.index_cast %get3A_263 : i32 to index
      %get3A_265 = arith.constant 112 : index
      %get3A_266 = tpu.vector_load %arg9[%get3A_264, %get3A_265] {strides = array<i32>} : memref<2x128xi32, #tpu.memory_space<vmem>>, vector<1x16xi32>,
      %get3A_267 = vector.shape_cast %get3A_266 : vector<1x16xi32> to vector<16xi32>
      %add3A_268 = arith.addi %mul3A_262, %get3A_267 : vector<16xi32>
      %swap3A_269 = arith.constant 112 : index
      %swap3A_270 = tpu.vector_load %arg10[%swap3A_269] {strides = array<i32>} : memref<128xi32, #tpu.memory_space<vmem>>, vector<16xi32>,
      %swap3A_271 = vector.shape_cast %swap3A_270 : vector<16xi32> to vector<16xi32>
      %swap3A_272 = vector.shape_cast %add3A_268 : vector<16xi32> to vector<16xi32>
      tpu.vector_store %arg10[%swap3A_269], %swap3A_272 {strides = array<i32>} : memref<128xi32, #tpu.memory_space<vmem>>, vector<16xi32>,
      %add3A_273 = arith.constant 2 : i32
      %add3A_274 = arith.addi %add3A_129, %add3A_273 : i32
      %lt3A = arith.constant 40 : i32
      %lt3A_275 = arith.cmpi slt, %add3A_274, %lt3A : i32
      %convert_element_type3A = arith.extui %lt3A_275 : i1 to i32
      %cond3A = arith.constant 0 : i32
      %cond3A_276 = arith.cmpi ne, %convert_element_type3A, %cond3A : i32
      scf.if %cond3A_276 {
        %add3A_431 = arith.constant 2 : i32
        %add3A_432 = arith.addi %add3A_129, %add3A_431 : i32
        %dma_start3A_433 = arith.constant 0 : i32
        %dma_start3A_434 = arith.constant 0 : i32
        %dma_start3A_435 = tpu.memref_slice %arg9[%dma_start3A_433, %dma_start3A_434] : memref<2x128xi32, #tpu.memory_space<vmem>> -> memref<1x128xi32, #tpu.memory_space<vmem>>
        %dma_start3A_436 = tpu.memref_squeeze %dma_start3A_435 : memref<1x128xi32, #tpu.memory_space<vmem>> -> memref<128xi32, #tpu.memory_space<vmem>>
        %dma_start3A_437 = arith.constant 0 : i32
        %dma_start3A_438 = tpu.memref_slice %arg7[%add3A_432, %dma_start3A_437] : memref<40x128xi32, #tpu.memory_space<vmem>> -> memref<1x128xi32, #tpu.memory_space<vmem>>
        %dma_start3A_439 = tpu.memref_squeeze %dma_start3A_438 : memref<1x128xi32, #tpu.memory_space<vmem>> -> memref<128xi32, #tpu.memory_space<vmem>>
        %dma_start3A_440 = arith.constant 0 : i32
        %dma_start3A_441 = tpu.memref_slice %arg5[%dma_start3A_440] : memref<10000xi32, #tpu.memory_space<hbm>> -> memref<10000xi32, #tpu.memory_space<hbm>>
        tpu.enqueue_indirect_dma source(%dma_start3A_441 : memref<10000xi32, #tpu.memory_space<hbm>>) target(%dma_start3A_436 : memref<128xi32, #tpu.memory_space<vmem>>) offsets(%dma_start3A_439 : memref<128xi32, #tpu.memory_space<vmem>>) semaphore(%arg13 : memref<!tpu.dma_semaphore, #tpu.memory_space<semaphore_mem>>)
      } else {
      }
      "tpu.region"() ({
        %run_scoped3A = tpu.sem_alloc : memref<!tpu.dma_semaphore, #tpu.memory_space<semaphore_mem>>
        %dma_start3A_431 = arith.constant 0 : i32
        %dma_start3A_432 = tpu.memref_slice %arg12[%dma_start3A_431] : memref<323584xf32, #tpu.memory_space<vmem_shared>> -> memref<323584xf32, #tpu.memory_space<vmem_shared>>
        tpu.enqueue_indirect_dma source(%arg11 : memref<128xf32, #tpu.memory_space<vmem>>) target(%dma_start3A_432 : memref<323584xf32, #tpu.memory_space<vmem_shared>>) offsets(%arg10 : memref<128xi32, #tpu.memory_space<vmem>>) semaphore(%run_scoped3A : memref<!tpu.dma_semaphore, #tpu.memory_space<semaphore_mem>>) {add = true}
        %dma_wait3A_433 = arith.constant 0 : i32
        %dma_wait3A_434 = tpu.memref_slice %arg12[%dma_wait3A_433] : memref<323584xf32, #tpu.memory_space<vmem_shared>> -> memref<323584xf32, #tpu.memory_space<vmem_shared>>
        tpu.wait_indirect_dma semaphore(%run_scoped3A : memref<!tpu.dma_semaphore, #tpu.memory_space<semaphore_mem>>) src(%arg11 : memref<128xf32, #tpu.memory_space<vmem>>) dst(%dma_wait3A_434 : memref<323584xf32, #tpu.memory_space<vmem_shared>>)
        tpu.yield
      }) : () -> ()
      %add3A_277 = arith.constant 1 : i32
      %add3A_278 = arith.addi %add3A_127, %add3A_277 : i32
      %dma_wait3A_279 = arith.constant 1 : i32
      %dma_wait3A_280 = arith.constant 0 : i32
      %dma_wait3A_281 = tpu.memref_slice %arg9[%dma_wait3A_279, %dma_wait3A_280] : memref<2x128xi32, #tpu.memory_space<vmem>> -> memref<1x128xi32, #tpu.memory_space<vmem>>
      %dma_wait3A_282 = tpu.memref_squeeze %dma_wait3A_281 : memref<1x128xi32, #tpu.memory_space<vmem>> -> memref<128xi32, #tpu.memory_space<vmem>>
      %dma_wait3A_283 = arith.constant 0 : i32
      %dma_wait3A_284 = tpu.memref_slice %arg7[%add3A_278, %dma_wait3A_283] : memref<40x128xi32, #tpu.memory_space<vmem>> -> memref<1x128xi32, #tpu.memory_space<vmem>>
      %dma_wait3A_285 = tpu.memref_squeeze %dma_wait3A_284 : memref<1x128xi32, #tpu.memory_space<vmem>> -> memref<128xi32, #tpu.memory_space<vmem>>
      %dma_wait3A_286 = arith.constant 0 : i32
      %dma_wait3A_287 = tpu.memref_slice %arg5[%dma_wait3A_286] : memref<10000xi32, #tpu.memory_space<hbm>> -> memref<10000xi32, #tpu.memory_space<hbm>>
      tpu.wait_indirect_dma semaphore(%arg14 : memref<!tpu.dma_semaphore, #tpu.memory_space<semaphore_mem>>) src(%dma_wait3A_287 : memref<10000xi32, #tpu.memory_space<hbm>>) dst(%dma_wait3A_282 : memref<128xi32, #tpu.memory_space<vmem>>)
      %get3A_288 = arith.index_cast %add3A_278 : i32 to index
      %get3A_289 = arith.constant 0 : index
      %get3A_290 = tpu.vector_load %arg8[%get3A_288, %get3A_289] {strides = array<i32>} : memref<40x128xi32, #tpu.memory_space<vmem>>, vector<1x16xi32>,
      %get3A_291 = vector.shape_cast %get3A_290 : vector<1x16xi32> to vector<16xi32>
      %mul3A_292 = arith.constant 32 : i32
      %mul3A_293 = vector.broadcast %mul3A_292 : i32 to vector<16xi32>
      %mul3A_294 = arith.muli %get3A_291, %mul3A_293 : vector<16xi32>
      %get3A_295 = arith.constant 1 : i32
      %get3A_296 = arith.index_cast %get3A_295 : i32 to index
      %get3A_297 = arith.constant 0 : index
      %get3A_298 = tpu.vector_load %arg9[%get3A_296, %get3A_297] {strides = array<i32>} : memref<2x128xi32, #tpu.memory_space<vmem>>, vector<1x16xi32>,
      %get3A_299 = vector.shape_cast %get3A_298 : vector<1x16xi32> to vector<16xi32>
      %add3A_300 = arith.addi %mul3A_294, %get3A_299 : vector<16xi32>
      %swap3A_301 = arith.constant 0 : index
      %swap3A_302 = tpu.vector_load %arg10[%swap3A_301] {strides = array<i32>} : memref<128xi32, #tpu.memory_space<vmem>>, vector<16xi32>,
      %swap3A_303 = vector.shape_cast %swap3A_302 : vector<16xi32> to vector<16xi32>
      %swap3A_304 = vector.shape_cast %add3A_300 : vector<16xi32> to vector<16xi32>
      tpu.vector_store %arg10[%swap3A_301], %swap3A_304 {strides = array<i32>} : memref<128xi32, #tpu.memory_space<vmem>>, vector<16xi32>,
      %get3A_305 = arith.index_cast %add3A_278 : i32 to index
      %get3A_306 = arith.constant 16 : index
      %get3A_307 = tpu.vector_load %arg8[%get3A_305, %get3A_306] {strides = array<i32>} : memref<40x128xi32, #tpu.memory_space<vmem>>, vector<1x16xi32>,
      %get3A_308 = vector.shape_cast %get3A_307 : vector<1x16xi32> to vector<16xi32>
      %mul3A_309 = arith.constant 32 : i32
      %mul3A_310 = vector.broadcast %mul3A_309 : i32 to vector<16xi32>
      %mul3A_311 = arith.muli %get3A_308, %mul3A_310 : vector<16xi32>
      %get3A_312 = arith.constant 1 : i32
      %get3A_313 = arith.index_cast %get3A_312 : i32 to index
      %get3A_314 = arith.constant 16 : index
      %get3A_315 = tpu.vector_load %arg9[%get3A_313, %get3A_314] {strides = array<i32>} : memref<2x128xi32, #tpu.memory_space<vmem>>, vector<1x16xi32>,
      %get3A_316 = vector.shape_cast %get3A_315 : vector<1x16xi32> to vector<16xi32>
      %add3A_317 = arith.addi %mul3A_311, %get3A_316 : vector<16xi32>
      %swap3A_318 = arith.constant 16 : index
      %swap3A_319 = tpu.vector_load %arg10[%swap3A_318] {strides = array<i32>} : memref<128xi32, #tpu.memory_space<vmem>>, vector<16xi32>,
      %swap3A_320 = vector.shape_cast %swap3A_319 : vector<16xi32> to vector<16xi32>
      %swap3A_321 = vector.shape_cast %add3A_317 : vector<16xi32> to vector<16xi32>
      tpu.vector_store %arg10[%swap3A_318], %swap3A_321 {strides = array<i32>} : memref<128xi32, #tpu.memory_space<vmem>>, vector<16xi32>,
      %get3A_322 = arith.index_cast %add3A_278 : i32 to index
      %get3A_323 = arith.constant 32 : index
      %get3A_324 = tpu.vector_load %arg8[%get3A_322, %get3A_323] {strides = array<i32>} : memref<40x128xi32, #tpu.memory_space<vmem>>, vector<1x16xi32>,
      %get3A_325 = vector.shape_cast %get3A_324 : vector<1x16xi32> to vector<16xi32>
      %mul3A_326 = arith.constant 32 : i32
      %mul3A_327 = vector.broadcast %mul3A_326 : i32 to vector<16xi32>
      %mul3A_328 = arith.muli %get3A_325, %mul3A_327 : vector<16xi32>
      %get3A_329 = arith.constant 1 : i32
      %get3A_330 = arith.index_cast %get3A_329 : i32 to index
      %get3A_331 = arith.constant 32 : index
      %get3A_332 = tpu.vector_load %arg9[%get3A_330, %get3A_331] {strides = array<i32>} : memref<2x128xi32, #tpu.memory_space<vmem>>, vector<1x16xi32>,
      %get3A_333 = vector.shape_cast %get3A_332 : vector<1x16xi32> to vector<16xi32>
      %add3A_334 = arith.addi %mul3A_328, %get3A_333 : vector<16xi32>
      %swap3A_335 = arith.constant 32 : index
      %swap3A_336 = tpu.vector_load %arg10[%swap3A_335] {strides = array<i32>} : memref<128xi32, #tpu.memory_space<vmem>>, vector<16xi32>,
      %swap3A_337 = vector.shape_cast %swap3A_336 : vector<16xi32> to vector<16xi32>
      %swap3A_338 = vector.shape_cast %add3A_334 : vector<16xi32> to vector<16xi32>
      tpu.vector_store %arg10[%swap3A_335], %swap3A_338 {strides = array<i32>} : memref<128xi32, #tpu.memory_space<vmem>>, vector<16xi32>,
      %get3A_339 = arith.index_cast %add3A_278 : i32 to index
      %get3A_340 = arith.constant 48 : index
      %get3A_341 = tpu.vector_load %arg8[%get3A_339, %get3A_340] {strides = array<i32>} : memref<40x128xi32, #tpu.memory_space<vmem>>, vector<1x16xi32>,
      %get3A_342 = vector.shape_cast %get3A_341 : vector<1x16xi32> to vector<16xi32>
      %mul3A_343 = arith.constant 32 : i32
      %mul3A_344 = vector.broadcast %mul3A_343 : i32 to vector<16xi32>
      %mul3A_345 = arith.muli %get3A_342, %mul3A_344 : vector<16xi32>
      %get3A_346 = arith.constant 1 : i32
      %get3A_347 = arith.index_cast %get3A_346 : i32 to index
      %get3A_348 = arith.constant 48 : index
      %get3A_349 = tpu.vector_load %arg9[%get3A_347, %get3A_348] {strides = array<i32>} : memref<2x128xi32, #tpu.memory_space<vmem>>, vector<1x16xi32>,
      %get3A_350 = vector.shape_cast %get3A_349 : vector<1x16xi32> to vector<16xi32>
      %add3A_351 = arith.addi %mul3A_345, %get3A_350 : vector<16xi32>
      %swap3A_352 = arith.constant 48 : index
      %swap3A_353 = tpu.vector_load %arg10[%swap3A_352] {strides = array<i32>} : memref<128xi32, #tpu.memory_space<vmem>>, vector<16xi32>,
      %swap3A_354 = vector.shape_cast %swap3A_353 : vector<16xi32> to vector<16xi32>
      %swap3A_355 = vector.shape_cast %add3A_351 : vector<16xi32> to vector<16xi32>
      tpu.vector_store %arg10[%swap3A_352], %swap3A_355 {strides = array<i32>} : memref<128xi32, #tpu.memory_space<vmem>>, vector<16xi32>,
      %get3A_356 = arith.index_cast %add3A_278 : i32 to index
      %get3A_357 = arith.constant 64 : index
      %get3A_358 = tpu.vector_load %arg8[%get3A_356, %get3A_357] {strides = array<i32>} : memref<40x128xi32, #tpu.memory_space<vmem>>, vector<1x16xi32>,
      %get3A_359 = vector.shape_cast %get3A_358 : vector<1x16xi32> to vector<16xi32>
      %mul3A_360 = arith.constant 32 : i32
      %mul3A_361 = vector.broadcast %mul3A_360 : i32 to vector<16xi32>
      %mul3A_362 = arith.muli %get3A_359, %mul3A_361 : vector<16xi32>
      %get3A_363 = arith.constant 1 : i32
      %get3A_364 = arith.index_cast %get3A_363 : i32 to index
      %get3A_365 = arith.constant 64 : index
      %get3A_366 = tpu.vector_load %arg9[%get3A_364, %get3A_365] {strides = array<i32>} : memref<2x128xi32, #tpu.memory_space<vmem>>, vector<1x16xi32>,
      %get3A_367 = vector.shape_cast %get3A_366 : vector<1x16xi32> to vector<16xi32>
      %add3A_368 = arith.addi %mul3A_362, %get3A_367 : vector<16xi32>
      %swap3A_369 = arith.constant 64 : index
      %swap3A_370 = tpu.vector_load %arg10[%swap3A_369] {strides = array<i32>} : memref<128xi32, #tpu.memory_space<vmem>>, vector<16xi32>,
      %swap3A_371 = vector.shape_cast %swap3A_370 : vector<16xi32> to vector<16xi32>
      %swap3A_372 = vector.shape_cast %add3A_368 : vector<16xi32> to vector<16xi32>
      tpu.vector_store %arg10[%swap3A_369], %swap3A_372 {strides = array<i32>} : memref<128xi32, #tpu.memory_space<vmem>>, vector<16xi32>,
      %get3A_373 = arith.index_cast %add3A_278 : i32 to index
      %get3A_374 = arith.constant 80 : index
      %get3A_375 = tpu.vector_load %arg8[%get3A_373, %get3A_374] {strides = array<i32>} : memref<40x128xi32, #tpu.memory_space<vmem>>, vector<1x16xi32>,
      %get3A_376 = vector.shape_cast %get3A_375 : vector<1x16xi32> to vector<16xi32>
      %mul3A_377 = arith.constant 32 : i32
      %mul3A_378 = vector.broadcast %mul3A_377 : i32 to vector<16xi32>
      %mul3A_379 = arith.muli %get3A_376, %mul3A_378 : vector<16xi32>
      %get3A_380 = arith.constant 1 : i32
      %get3A_381 = arith.index_cast %get3A_380 : i32 to index
      %get3A_382 = arith.constant 80 : index
      %get3A_383 = tpu.vector_load %arg9[%get3A_381, %get3A_382] {strides = array<i32>} : memref<2x128xi32, #tpu.memory_space<vmem>>, vector<1x16xi32>,
      %get3A_384 = vector.shape_cast %get3A_383 : vector<1x16xi32> to vector<16xi32>
      %add3A_385 = arith.addi %mul3A_379, %get3A_384 : vector<16xi32>
      %swap3A_386 = arith.constant 80 : index
      %swap3A_387 = tpu.vector_load %arg10[%swap3A_386] {strides = array<i32>} : memref<128xi32, #tpu.memory_space<vmem>>, vector<16xi32>,
      %swap3A_388 = vector.shape_cast %swap3A_387 : vector<16xi32> to vector<16xi32>
      %swap3A_389 = vector.shape_cast %add3A_385 : vector<16xi32> to vector<16xi32>
      tpu.vector_store %arg10[%swap3A_386], %swap3A_389 {strides = array<i32>} : memref<128xi32, #tpu.memory_space<vmem>>, vector<16xi32>,
      %get3A_390 = arith.index_cast %add3A_278 : i32 to index
      %get3A_391 = arith.constant 96 : index
      %get3A_392 = tpu.vector_load %arg8[%get3A_390, %get3A_391] {strides = array<i32>} : memref<40x128xi32, #tpu.memory_space<vmem>>, vector<1x16xi32>,
      %get3A_393 = vector.shape_cast %get3A_392 : vector<1x16xi32> to vector<16xi32>
      %mul3A_394 = arith.constant 32 : i32
      %mul3A_395 = vector.broadcast %mul3A_394 : i32 to vector<16xi32>
      %mul3A_396 = arith.muli %get3A_393, %mul3A_395 : vector<16xi32>
      %get3A_397 = arith.constant 1 : i32
      %get3A_398 = arith.index_cast %get3A_397 : i32 to index
      %get3A_399 = arith.constant 96 : index
      %get3A_400 = tpu.vector_load %arg9[%get3A_398, %get3A_399] {strides = array<i32>} : memref<2x128xi32, #tpu.memory_space<vmem>>, vector<1x16xi32>,
      %get3A_401 = vector.shape_cast %get3A_400 : vector<1x16xi32> to vector<16xi32>
      %add3A_402 = arith.addi %mul3A_396, %get3A_401 : vector<16xi32>
      %swap3A_403 = arith.constant 96 : index
      %swap3A_404 = tpu.vector_load %arg10[%swap3A_403] {strides = array<i32>} : memref<128xi32, #tpu.memory_space<vmem>>, vector<16xi32>,
      %swap3A_405 = vector.shape_cast %swap3A_404 : vector<16xi32> to vector<16xi32>
      %swap3A_406 = vector.shape_cast %add3A_402 : vector<16xi32> to vector<16xi32>
      tpu.vector_store %arg10[%swap3A_403], %swap3A_406 {strides = array<i32>} : memref<128xi32, #tpu.memory_space<vmem>>, vector<16xi32>,
      %get3A_407 = arith.index_cast %add3A_278 : i32 to index
      %get3A_408 = arith.constant 112 : index
      %get3A_409 = tpu.vector_load %arg8[%get3A_407, %get3A_408] {strides = array<i32>} : memref<40x128xi32, #tpu.memory_space<vmem>>, vector<1x16xi32>,
      %get3A_410 = vector.shape_cast %get3A_409 : vector<1x16xi32> to vector<16xi32>
      %mul3A_411 = arith.constant 32 : i32
      %mul3A_412 = vector.broadcast %mul3A_411 : i32 to vector<16xi32>
      %mul3A_413 = arith.muli %get3A_410, %mul3A_412 : vector<16xi32>
      %get3A_414 = arith.constant 1 : i32
      %get3A_415 = arith.index_cast %get3A_414 : i32 to index
      %get3A_416 = arith.constant 112 : index
      %get3A_417 = tpu.vector_load %arg9[%get3A_415, %get3A_416] {strides = array<i32>} : memref<2x128xi32, #tpu.memory_space<vmem>>, vector<1x16xi32>,
      %get3A_418 = vector.shape_cast %get3A_417 : vector<1x16xi32> to vector<16xi32>
      %add3A_419 = arith.addi %mul3A_413, %get3A_418 : vector<16xi32>
      %swap3A_420 = arith.constant 112 : index
      %swap3A_421 = tpu.vector_load %arg10[%swap3A_420] {strides = array<i32>} : memref<128xi32, #tpu.memory_space<vmem>>, vector<16xi32>,
      %swap3A_422 = vector.shape_cast %swap3A_421 : vector<16xi32> to vector<16xi32>
      %swap3A_423 = vector.shape_cast %add3A_419 : vector<16xi32> to vector<16xi32>
      tpu.vector_store %arg10[%swap3A_420], %swap3A_423 {strides = array<i32>} : memref<128xi32, #tpu.memory_space<vmem>>, vector<16xi32>,
      %add3A_424 = arith.constant 2 : i32
      %add3A_425 = arith.addi %add3A_278, %add3A_424 : i32
      %lt3A_426 = arith.constant 40 : i32
      %lt3A_427 = arith.cmpi slt, %add3A_425, %lt3A_426 : i32
      %convert_element_type3A_428 = arith.extui %lt3A_427 : i1 to i32
      %cond3A_429 = arith.constant 0 : i32
      %cond3A_430 = arith.cmpi ne, %convert_element_type3A_428, %cond3A_429 : i32
      scf.if %cond3A_430 {
        %add3A_431 = arith.constant 2 : i32
        %add3A_432 = arith.addi %add3A_278, %add3A_431 : i32
        %dma_start3A_433 = arith.constant 1 : i32
        %dma_start3A_434 = arith.constant 0 : i32
        %dma_start3A_435 = tpu.memref_slice %arg9[%dma_start3A_433, %dma_start3A_434] : memref<2x128xi32, #tpu.memory_space<vmem>> -> memref<1x128xi32, #tpu.memory_space<vmem>>
        %dma_start3A_436 = tpu.memref_squeeze %dma_start3A_435 : memref<1x128xi32, #tpu.memory_space<vmem>> -> memref<128xi32, #tpu.memory_space<vmem>>
        %dma_start3A_437 = arith.constant 0 : i32
        %dma_start3A_438 = tpu.memref_slice %arg7[%add3A_432, %dma_start3A_437] : memref<40x128xi32, #tpu.memory_space<vmem>> -> memref<1x128xi32, #tpu.memory_space<vmem>>
        %dma_start3A_439 = tpu.memref_squeeze %dma_start3A_438 : memref<1x128xi32, #tpu.memory_space<vmem>> -> memref<128xi32, #tpu.memory_space<vmem>>
        %dma_start3A_440 = arith.constant 0 : i32
        %dma_start3A_441 = tpu.memref_slice %arg5[%dma_start3A_440] : memref<10000xi32, #tpu.memory_space<hbm>> -> memref<10000xi32, #tpu.memory_space<hbm>>
        tpu.enqueue_indirect_dma source(%dma_start3A_441 : memref<10000xi32, #tpu.memory_space<hbm>>) target(%dma_start3A_436 : memref<128xi32, #tpu.memory_space<vmem>>) offsets(%dma_start3A_439 : memref<128xi32, #tpu.memory_space<vmem>>) semaphore(%arg14 : memref<!tpu.dma_semaphore, #tpu.memory_space<semaphore_mem>>)
      } else {
      }
      "tpu.region"() ({
        %run_scoped3A = tpu.sem_alloc : memref<!tpu.dma_semaphore, #tpu.memory_space<semaphore_mem>>
        %dma_start3A_431 = arith.constant 0 : i32
        %dma_start3A_432 = tpu.memref_slice %arg12[%dma_start3A_431] : memref<323584xf32, #tpu.memory_space<vmem_shared>> -> memref<323584xf32, #tpu.memory_space<vmem_shared>>
        tpu.enqueue_indirect_dma source(%arg11 : memref<128xf32, #tpu.memory_space<vmem>>) target(%dma_start3A_432 : memref<323584xf32, #tpu.memory_space<vmem_shared>>) offsets(%arg10 : memref<128xi32, #tpu.memory_space<vmem>>) semaphore(%run_scoped3A : memref<!tpu.dma_semaphore, #tpu.memory_space<semaphore_mem>>) {add = true}
        %dma_wait3A_433 = arith.constant 0 : i32
        %dma_wait3A_434 = tpu.memref_slice %arg12[%dma_wait3A_433] : memref<323584xf32, #tpu.memory_space<vmem_shared>> -> memref<323584xf32, #tpu.memory_space<vmem_shared>>
        tpu.wait_indirect_dma semaphore(%run_scoped3A : memref<!tpu.dma_semaphore, #tpu.memory_space<semaphore_mem>>) src(%arg11 : memref<128xf32, #tpu.memory_space<vmem>>) dst(%dma_wait3A_434 : memref<323584xf32, #tpu.memory_space<vmem_shared>>)
        tpu.yield
      }) : () -> ()
    }
    %scan3A_79 = arith.constant 20 : i32
    %mul3A_80 = arith.constant 80 : i32
    %mul3A_81 = arith.muli %add3A, %mul3A_80 : i32
    %add3A_82 = arith.constant 40 : i32
    %add3A_83 = arith.addi %mul3A_81, %add3A_82 : i32
    "tpu.region"() ({
      %run_scoped3A = tpu.sem_alloc : memref<!tpu.dma_semaphore, #tpu.memory_space<semaphore_mem>>
      %dma_start3A_123 = arith.constant 0 : i32
      %dma_start3A_124 = tpu.memref_slice %arg2[%add3A_83, %dma_start3A_123] : memref<2560x128xi32, #tpu.memory_space<hbm>> -> memref<40x128xi32, #tpu.memory_space<hbm>>
      %dma_start3A_125 = arith.constant 0 : i32
      %dma_start3A_126 = tpu.memref_slice %arg2[%add3A_83, %dma_start3A_125] : memref<2560x128xi32, #tpu.memory_space<hbm>> -> memref<40x128xi32, #tpu.memory_space<hbm>>
      tpu.enqueue_dma source(%dma_start3A_126 : memref<40x128xi32, #tpu.memory_space<hbm>>) target(%arg7 : memref<40x128xi32, #tpu.memory_space<vmem>>) target_semaphore(%run_scoped3A : memref<!tpu.dma_semaphore, #tpu.memory_space<semaphore_mem>>)
      %dma_wait3A = arith.constant 0 : i32
      %dma_wait3A_127 = tpu.memref_slice %arg2[%add3A_83, %dma_wait3A] : memref<2560x128xi32, #tpu.memory_space<hbm>> -> memref<40x128xi32, #tpu.memory_space<hbm>>
      %dma_wait3A_128 = arith.constant 0 : i32
      %dma_wait3A_129 = tpu.memref_slice %arg2[%add3A_83, %dma_wait3A_128] : memref<2560x128xi32, #tpu.memory_space<hbm>> -> memref<40x128xi32, #tpu.memory_space<hbm>>
      tpu.wait_dma2 semaphore(%run_scoped3A : memref<!tpu.dma_semaphore, #tpu.memory_space<semaphore_mem>>) src(%dma_wait3A_129 : memref<40x128xi32, #tpu.memory_space<hbm>>) dst(%arg7 : memref<40x128xi32, #tpu.memory_space<vmem>>)
      tpu.yield
    }) : () -> ()
    %mul3A_84 = arith.constant 80 : i32
    %mul3A_85 = arith.muli %add3A, %mul3A_84 : i32
    %add3A_86 = arith.constant 40 : i32
    %add3A_87 = arith.addi %mul3A_85, %add3A_86 : i32
    "tpu.region"() ({
      %run_scoped3A = tpu.sem_alloc : memref<!tpu.dma_semaphore, #tpu.memory_space<semaphore_mem>>
      %dma_start3A_123 = arith.constant 0 : i32
      %dma_start3A_124 = tpu.memref_slice %arg3[%add3A_87, %dma_start3A_123] : memref<2560x128xi32, #tpu.memory_space<hbm>> -> memref<40x128xi32, #tpu.memory_space<hbm>>
      %dma_start3A_125 = arith.constant 0 : i32
      %dma_start3A_126 = tpu.memref_slice %arg3[%add3A_87, %dma_start3A_125] : memref<2560x128xi32, #tpu.memory_space<hbm>> -> memref<40x128xi32, #tpu.memory_space<hbm>>
      tpu.enqueue_dma source(%dma_start3A_126 : memref<40x128xi32, #tpu.memory_space<hbm>>) target(%arg8 : memref<40x128xi32, #tpu.memory_space<vmem>>) target_semaphore(%run_scoped3A : memref<!tpu.dma_semaphore, #tpu.memory_space<semaphore_mem>>)
      %dma_wait3A = arith.constant 0 : i32
      %dma_wait3A_127 = tpu.memref_slice %arg3[%add3A_87, %dma_wait3A] : memref<2560x128xi32, #tpu.memory_space<hbm>> -> memref<40x128xi32, #tpu.memory_space<hbm>>
      %dma_wait3A_128 = arith.constant 0 : i32
      %dma_wait3A_129 = tpu.memref_slice %arg3[%add3A_87, %dma_wait3A_128] : memref<2560x128xi32, #tpu.memory_space<hbm>> -> memref<40x128xi32, #tpu.memory_space<hbm>>
      tpu.wait_dma2 semaphore(%run_scoped3A : memref<!tpu.dma_semaphore, #tpu.memory_space<semaphore_mem>>) src(%dma_wait3A_129 : memref<40x128xi32, #tpu.memory_space<hbm>>) dst(%arg8 : memref<40x128xi32, #tpu.memory_space<vmem>>)
      tpu.yield
    }) : () -> ()
    %dma_start3A_88 = arith.constant 0 : i32
    %dma_start3A_89 = arith.constant 0 : i32
    %dma_start3A_90 = arith.constant 0 : i32
    %dma_start3A_91 = tpu.memref_slice %arg9[%dma_start3A_89, %dma_start3A_90] : memref<2x128xi32, #tpu.memory_space<vmem>> -> memref<1x128xi32, #tpu.memory_space<vmem>>
    %dma_start3A_92 = tpu.memref_squeeze %dma_start3A_91 : memref<1x128xi32, #tpu.memory_space<vmem>> -> memref<128xi32, #tpu.memory_space<vmem>>
    %dma_start3A_93 = arith.constant 0 : i32
    %dma_start3A_94 = tpu.memref_slice %arg7[%dma_start3A_88, %dma_start3A_93] : memref<40x128xi32, #tpu.memory_space<vmem>> -> memref<1x128xi32, #tpu.memory_space<vmem>>
    %dma_start3A_95 = tpu.memref_squeeze %dma_start3A_94 : memref<1x128xi32, #tpu.memory_space<vmem>> -> memref<128xi32, #tpu.memory_space<vmem>>
    %dma_start3A_96 = arith.constant 0 : i32
    %dma_start3A_97 = tpu.memref_slice %arg5[%dma_start3A_96] : memref<10000xi32, #tpu.memory_space<hbm>> -> memref<10000xi32, #tpu.memory_space<hbm>>
    tpu.enqueue_indirect_dma source(%dma_start3A_97 : memref<10000xi32, #tpu.memory_space<hbm>>) target(%dma_start3A_92 : memref<128xi32, #tpu.memory_space<vmem>>) offsets(%dma_start3A_95 : memref<128xi32, #tpu.memory_space<vmem>>) semaphore(%arg13 : memref<!tpu.dma_semaphore, #tpu.memory_space<semaphore_mem>>)
    %dma_start3A_98 = arith.constant 1 : i32
    %dma_start3A_99 = arith.constant 1 : i32
    %dma_start3A_100 = arith.constant 0 : i32
    %dma_start3A_101 = tpu.memref_slice %arg9[%dma_start3A_99, %dma_start3A_100] : memref<2x128xi32, #tpu.memory_space<vmem>> -> memref<1x128xi32, #tpu.memory_space<vmem>>
    %dma_start3A_102 = tpu.memref_squeeze %dma_start3A_101 : memref<1x128xi32, #tpu.memory_space<vmem>> -> memref<128xi32, #tpu.memory_space<vmem>>
    %dma_start3A_103 = arith.constant 0 : i32
    %dma_start3A_104 = tpu.memref_slice %arg7[%dma_start3A_98, %dma_start3A_103] : memref<40x128xi32, #tpu.memory_space<vmem>> -> memref<1x128xi32, #tpu.memory_space<vmem>>
    %dma_start3A_105 = tpu.memref_squeeze %dma_start3A_104 : memref<1x128xi32, #tpu.memory_space<vmem>> -> memref<128xi32, #tpu.memory_space<vmem>>
    %dma_start3A_106 = arith.constant 0 : i32
    %dma_start3A_107 = tpu.memref_slice %arg5[%dma_start3A_106] : memref<10000xi32, #tpu.memory_space<hbm>> -> memref<10000xi32, #tpu.memory_space<hbm>>
    tpu.enqueue_indirect_dma source(%dma_start3A_107 : memref<10000xi32, #tpu.memory_space<hbm>>) target(%dma_start3A_102 : memref<128xi32, #tpu.memory_space<vmem>>) offsets(%dma_start3A_105 : memref<128xi32, #tpu.memory_space<vmem>>) semaphore(%arg14 : memref<!tpu.dma_semaphore, #tpu.memory_space<semaphore_mem>>)
    %scan3A_108 = arith.constant 0 : i32
    %scan3A_109 = arith.constant 20 : i32
    %scan3A_110 = arith.addi %scan3A_108, %scan3A_109 : i32
    %scan3A_111 = arith.constant 1 : i32
    scf.for %scan3A_123 = %scan3A_108 to %scan3A_110 step %scan3A_111  : i32 {
      %mul3A_124 = arith.constant 2 : i32
      %mul3A_125 = arith.muli %scan3A_123, %mul3A_124 : i32
      %add3A_126 = arith.constant 0 : i32
      %add3A_127 = arith.addi %add3A_126, %mul3A_125 : i32
      %add3A_128 = arith.constant 0 : i32
      %add3A_129 = arith.addi %add3A_127, %add3A_128 : i32
      %dma_wait3A = arith.constant 0 : i32
      %dma_wait3A_130 = arith.constant 0 : i32
      %dma_wait3A_131 = tpu.memref_slice %arg9[%dma_wait3A, %dma_wait3A_130] : memref<2x128xi32, #tpu.memory_space<vmem>> -> memref<1x128xi32, #tpu.memory_space<vmem>>
      %dma_wait3A_132 = tpu.memref_squeeze %dma_wait3A_131 : memref<1x128xi32, #tpu.memory_space<vmem>> -> memref<128xi32, #tpu.memory_space<vmem>>
      %dma_wait3A_133 = arith.constant 0 : i32
      %dma_wait3A_134 = tpu.memref_slice %arg7[%add3A_129, %dma_wait3A_133] : memref<40x128xi32, #tpu.memory_space<vmem>> -> memref<1x128xi32, #tpu.memory_space<vmem>>
      %dma_wait3A_135 = tpu.memref_squeeze %dma_wait3A_134 : memref<1x128xi32, #tpu.memory_space<vmem>> -> memref<128xi32, #tpu.memory_space<vmem>>
      %dma_wait3A_136 = arith.constant 0 : i32
      %dma_wait3A_137 = tpu.memref_slice %arg5[%dma_wait3A_136] : memref<10000xi32, #tpu.memory_space<hbm>> -> memref<10000xi32, #tpu.memory_space<hbm>>
      tpu.wait_indirect_dma semaphore(%arg13 : memref<!tpu.dma_semaphore, #tpu.memory_space<semaphore_mem>>) src(%dma_wait3A_137 : memref<10000xi32, #tpu.memory_space<hbm>>) dst(%dma_wait3A_132 : memref<128xi32, #tpu.memory_space<vmem>>)
      %get3A = arith.index_cast %add3A_129 : i32 to index
      %get3A_138 = arith.constant 0 : index
      %get3A_139 = tpu.vector_load %arg8[%get3A, %get3A_138] {strides = array<i32>} : memref<40x128xi32, #tpu.memory_space<vmem>>, vector<1x16xi32>,
      %get3A_140 = vector.shape_cast %get3A_139 : vector<1x16xi32> to vector<16xi32>
      %mul3A_141 = arith.constant 32 : i32
      %mul3A_142 = vector.broadcast %mul3A_141 : i32 to vector<16xi32>
      %mul3A_143 = arith.muli %get3A_140, %mul3A_142 : vector<16xi32>
      %get3A_144 = arith.constant 0 : i32
      %get3A_145 = arith.index_cast %get3A_144 : i32 to index
      %get3A_146 = arith.constant 0 : index
      %get3A_147 = tpu.vector_load %arg9[%get3A_145, %get3A_146] {strides = array<i32>} : memref<2x128xi32, #tpu.memory_space<vmem>>, vector<1x16xi32>,
      %get3A_148 = vector.shape_cast %get3A_147 : vector<1x16xi32> to vector<16xi32>
      %add3A_149 = arith.addi %mul3A_143, %get3A_148 : vector<16xi32>
      %swap3A_150 = arith.constant 0 : index
      %swap3A_151 = tpu.vector_load %arg10[%swap3A_150] {strides = array<i32>} : memref<128xi32, #tpu.memory_space<vmem>>, vector<16xi32>,
      %swap3A_152 = vector.shape_cast %swap3A_151 : vector<16xi32> to vector<16xi32>
      %swap3A_153 = vector.shape_cast %add3A_149 : vector<16xi32> to vector<16xi32>
      tpu.vector_store %arg10[%swap3A_150], %swap3A_153 {strides = array<i32>} : memref<128xi32, #tpu.memory_space<vmem>>, vector<16xi32>,
      %get3A_154 = arith.index_cast %add3A_129 : i32 to index
      %get3A_155 = arith.constant 16 : index
      %get3A_156 = tpu.vector_load %arg8[%get3A_154, %get3A_155] {strides = array<i32>} : memref<40x128xi32, #tpu.memory_space<vmem>>, vector<1x16xi32>,
      %get3A_157 = vector.shape_cast %get3A_156 : vector<1x16xi32> to vector<16xi32>
      %mul3A_158 = arith.constant 32 : i32
      %mul3A_159 = vector.broadcast %mul3A_158 : i32 to vector<16xi32>
      %mul3A_160 = arith.muli %get3A_157, %mul3A_159 : vector<16xi32>
      %get3A_161 = arith.constant 0 : i32
      %get3A_162 = arith.index_cast %get3A_161 : i32 to index
      %get3A_163 = arith.constant 16 : index
      %get3A_164 = tpu.vector_load %arg9[%get3A_162, %get3A_163] {strides = array<i32>} : memref<2x128xi32, #tpu.memory_space<vmem>>, vector<1x16xi32>,
      %get3A_165 = vector.shape_cast %get3A_164 : vector<1x16xi32> to vector<16xi32>
      %add3A_166 = arith.addi %mul3A_160, %get3A_165 : vector<16xi32>
      %swap3A_167 = arith.constant 16 : index
      %swap3A_168 = tpu.vector_load %arg10[%swap3A_167] {strides = array<i32>} : memref<128xi32, #tpu.memory_space<vmem>>, vector<16xi32>,
      %swap3A_169 = vector.shape_cast %swap3A_168 : vector<16xi32> to vector<16xi32>
      %swap3A_170 = vector.shape_cast %add3A_166 : vector<16xi32> to vector<16xi32>
      tpu.vector_store %arg10[%swap3A_167], %swap3A_170 {strides = array<i32>} : memref<128xi32, #tpu.memory_space<vmem>>, vector<16xi32>,
      %get3A_171 = arith.index_cast %add3A_129 : i32 to index
      %get3A_172 = arith.constant 32 : index
      %get3A_173 = tpu.vector_load %arg8[%get3A_171, %get3A_172] {strides = array<i32>} : memref<40x128xi32, #tpu.memory_space<vmem>>, vector<1x16xi32>,
      %get3A_174 = vector.shape_cast %get3A_173 : vector<1x16xi32> to vector<16xi32>
      %mul3A_175 = arith.constant 32 : i32
      %mul3A_176 = vector.broadcast %mul3A_175 : i32 to vector<16xi32>
      %mul3A_177 = arith.muli %get3A_174, %mul3A_176 : vector<16xi32>
      %get3A_178 = arith.constant 0 : i32
      %get3A_179 = arith.index_cast %get3A_178 : i32 to index
      %get3A_180 = arith.constant 32 : index
      %get3A_181 = tpu.vector_load %arg9[%get3A_179, %get3A_180] {strides = array<i32>} : memref<2x128xi32, #tpu.memory_space<vmem>>, vector<1x16xi32>,
      %get3A_182 = vector.shape_cast %get3A_181 : vector<1x16xi32> to vector<16xi32>
      %add3A_183 = arith.addi %mul3A_177, %get3A_182 : vector<16xi32>
      %swap3A_184 = arith.constant 32 : index
      %swap3A_185 = tpu.vector_load %arg10[%swap3A_184] {strides = array<i32>} : memref<128xi32, #tpu.memory_space<vmem>>, vector<16xi32>,
      %swap3A_186 = vector.shape_cast %swap3A_185 : vector<16xi32> to vector<16xi32>
      %swap3A_187 = vector.shape_cast %add3A_183 : vector<16xi32> to vector<16xi32>
      tpu.vector_store %arg10[%swap3A_184], %swap3A_187 {strides = array<i32>} : memref<128xi32, #tpu.memory_space<vmem>>, vector<16xi32>,
      %get3A_188 = arith.index_cast %add3A_129 : i32 to index
      %get3A_189 = arith.constant 48 : index
      %get3A_190 = tpu.vector_load %arg8[%get3A_188, %get3A_189] {strides = array<i32>} : memref<40x128xi32, #tpu.memory_space<vmem>>, vector<1x16xi32>,
      %get3A_191 = vector.shape_cast %get3A_190 : vector<1x16xi32> to vector<16xi32>
      %mul3A_192 = arith.constant 32 : i32
      %mul3A_193 = vector.broadcast %mul3A_192 : i32 to vector<16xi32>
      %mul3A_194 = arith.muli %get3A_191, %mul3A_193 : vector<16xi32>
      %get3A_195 = arith.constant 0 : i32
      %get3A_196 = arith.index_cast %get3A_195 : i32 to index
      %get3A_197 = arith.constant 48 : index
      %get3A_198 = tpu.vector_load %arg9[%get3A_196, %get3A_197] {strides = array<i32>} : memref<2x128xi32, #tpu.memory_space<vmem>>, vector<1x16xi32>,
      %get3A_199 = vector.shape_cast %get3A_198 : vector<1x16xi32> to vector<16xi32>
      %add3A_200 = arith.addi %mul3A_194, %get3A_199 : vector<16xi32>
      %swap3A_201 = arith.constant 48 : index
      %swap3A_202 = tpu.vector_load %arg10[%swap3A_201] {strides = array<i32>} : memref<128xi32, #tpu.memory_space<vmem>>, vector<16xi32>,
      %swap3A_203 = vector.shape_cast %swap3A_202 : vector<16xi32> to vector<16xi32>
      %swap3A_204 = vector.shape_cast %add3A_200 : vector<16xi32> to vector<16xi32>
      tpu.vector_store %arg10[%swap3A_201], %swap3A_204 {strides = array<i32>} : memref<128xi32, #tpu.memory_space<vmem>>, vector<16xi32>,
      %get3A_205 = arith.index_cast %add3A_129 : i32 to index
      %get3A_206 = arith.constant 64 : index
      %get3A_207 = tpu.vector_load %arg8[%get3A_205, %get3A_206] {strides = array<i32>} : memref<40x128xi32, #tpu.memory_space<vmem>>, vector<1x16xi32>,
      %get3A_208 = vector.shape_cast %get3A_207 : vector<1x16xi32> to vector<16xi32>
      %mul3A_209 = arith.constant 32 : i32
      %mul3A_210 = vector.broadcast %mul3A_209 : i32 to vector<16xi32>
      %mul3A_211 = arith.muli %get3A_208, %mul3A_210 : vector<16xi32>
      %get3A_212 = arith.constant 0 : i32
      %get3A_213 = arith.index_cast %get3A_212 : i32 to index
      %get3A_214 = arith.constant 64 : index
      %get3A_215 = tpu.vector_load %arg9[%get3A_213, %get3A_214] {strides = array<i32>} : memref<2x128xi32, #tpu.memory_space<vmem>>, vector<1x16xi32>,
      %get3A_216 = vector.shape_cast %get3A_215 : vector<1x16xi32> to vector<16xi32>
      %add3A_217 = arith.addi %mul3A_211, %get3A_216 : vector<16xi32>
      %swap3A_218 = arith.constant 64 : index
      %swap3A_219 = tpu.vector_load %arg10[%swap3A_218] {strides = array<i32>} : memref<128xi32, #tpu.memory_space<vmem>>, vector<16xi32>,
      %swap3A_220 = vector.shape_cast %swap3A_219 : vector<16xi32> to vector<16xi32>
      %swap3A_221 = vector.shape_cast %add3A_217 : vector<16xi32> to vector<16xi32>
      tpu.vector_store %arg10[%swap3A_218], %swap3A_221 {strides = array<i32>} : memref<128xi32, #tpu.memory_space<vmem>>, vector<16xi32>,
      %get3A_222 = arith.index_cast %add3A_129 : i32 to index
      %get3A_223 = arith.constant 80 : index
      %get3A_224 = tpu.vector_load %arg8[%get3A_222, %get3A_223] {strides = array<i32>} : memref<40x128xi32, #tpu.memory_space<vmem>>, vector<1x16xi32>,
      %get3A_225 = vector.shape_cast %get3A_224 : vector<1x16xi32> to vector<16xi32>
      %mul3A_226 = arith.constant 32 : i32
      %mul3A_227 = vector.broadcast %mul3A_226 : i32 to vector<16xi32>
      %mul3A_228 = arith.muli %get3A_225, %mul3A_227 : vector<16xi32>
      %get3A_229 = arith.constant 0 : i32
      %get3A_230 = arith.index_cast %get3A_229 : i32 to index
      %get3A_231 = arith.constant 80 : index
      %get3A_232 = tpu.vector_load %arg9[%get3A_230, %get3A_231] {strides = array<i32>} : memref<2x128xi32, #tpu.memory_space<vmem>>, vector<1x16xi32>,
      %get3A_233 = vector.shape_cast %get3A_232 : vector<1x16xi32> to vector<16xi32>
      %add3A_234 = arith.addi %mul3A_228, %get3A_233 : vector<16xi32>
      %swap3A_235 = arith.constant 80 : index
      %swap3A_236 = tpu.vector_load %arg10[%swap3A_235] {strides = array<i32>} : memref<128xi32, #tpu.memory_space<vmem>>, vector<16xi32>,
      %swap3A_237 = vector.shape_cast %swap3A_236 : vector<16xi32> to vector<16xi32>
      %swap3A_238 = vector.shape_cast %add3A_234 : vector<16xi32> to vector<16xi32>
      tpu.vector_store %arg10[%swap3A_235], %swap3A_238 {strides = array<i32>} : memref<128xi32, #tpu.memory_space<vmem>>, vector<16xi32>,
      %get3A_239 = arith.index_cast %add3A_129 : i32 to index
      %get3A_240 = arith.constant 96 : index
      %get3A_241 = tpu.vector_load %arg8[%get3A_239, %get3A_240] {strides = array<i32>} : memref<40x128xi32, #tpu.memory_space<vmem>>, vector<1x16xi32>,
      %get3A_242 = vector.shape_cast %get3A_241 : vector<1x16xi32> to vector<16xi32>
      %mul3A_243 = arith.constant 32 : i32
      %mul3A_244 = vector.broadcast %mul3A_243 : i32 to vector<16xi32>
      %mul3A_245 = arith.muli %get3A_242, %mul3A_244 : vector<16xi32>
      %get3A_246 = arith.constant 0 : i32
      %get3A_247 = arith.index_cast %get3A_246 : i32 to index
      %get3A_248 = arith.constant 96 : index
      %get3A_249 = tpu.vector_load %arg9[%get3A_247, %get3A_248] {strides = array<i32>} : memref<2x128xi32, #tpu.memory_space<vmem>>, vector<1x16xi32>,
      %get3A_250 = vector.shape_cast %get3A_249 : vector<1x16xi32> to vector<16xi32>
      %add3A_251 = arith.addi %mul3A_245, %get3A_250 : vector<16xi32>
      %swap3A_252 = arith.constant 96 : index
      %swap3A_253 = tpu.vector_load %arg10[%swap3A_252] {strides = array<i32>} : memref<128xi32, #tpu.memory_space<vmem>>, vector<16xi32>,
      %swap3A_254 = vector.shape_cast %swap3A_253 : vector<16xi32> to vector<16xi32>
      %swap3A_255 = vector.shape_cast %add3A_251 : vector<16xi32> to vector<16xi32>
      tpu.vector_store %arg10[%swap3A_252], %swap3A_255 {strides = array<i32>} : memref<128xi32, #tpu.memory_space<vmem>>, vector<16xi32>,
      %get3A_256 = arith.index_cast %add3A_129 : i32 to index
      %get3A_257 = arith.constant 112 : index
      %get3A_258 = tpu.vector_load %arg8[%get3A_256, %get3A_257] {strides = array<i32>} : memref<40x128xi32, #tpu.memory_space<vmem>>, vector<1x16xi32>,
      %get3A_259 = vector.shape_cast %get3A_258 : vector<1x16xi32> to vector<16xi32>
      %mul3A_260 = arith.constant 32 : i32
      %mul3A_261 = vector.broadcast %mul3A_260 : i32 to vector<16xi32>
      %mul3A_262 = arith.muli %get3A_259, %mul3A_261 : vector<16xi32>
      %get3A_263 = arith.constant 0 : i32
      %get3A_264 = arith.index_cast %get3A_263 : i32 to index
      %get3A_265 = arith.constant 112 : index
      %get3A_266 = tpu.vector_load %arg9[%get3A_264, %get3A_265] {strides = array<i32>} : memref<2x128xi32, #tpu.memory_space<vmem>>, vector<1x16xi32>,
      %get3A_267 = vector.shape_cast %get3A_266 : vector<1x16xi32> to vector<16xi32>
      %add3A_268 = arith.addi %mul3A_262, %get3A_267 : vector<16xi32>
      %swap3A_269 = arith.constant 112 : index
      %swap3A_270 = tpu.vector_load %arg10[%swap3A_269] {strides = array<i32>} : memref<128xi32, #tpu.memory_space<vmem>>, vector<16xi32>,
      %swap3A_271 = vector.shape_cast %swap3A_270 : vector<16xi32> to vector<16xi32>
      %swap3A_272 = vector.shape_cast %add3A_268 : vector<16xi32> to vector<16xi32>
      tpu.vector_store %arg10[%swap3A_269], %swap3A_272 {strides = array<i32>} : memref<128xi32, #tpu.memory_space<vmem>>, vector<16xi32>,
      %add3A_273 = arith.constant 2 : i32
      %add3A_274 = arith.addi %add3A_129, %add3A_273 : i32
      %lt3A = arith.constant 40 : i32
      %lt3A_275 = arith.cmpi slt, %add3A_274, %lt3A : i32
      %convert_element_type3A = arith.extui %lt3A_275 : i1 to i32
      %cond3A = arith.constant 0 : i32
      %cond3A_276 = arith.cmpi ne, %convert_element_type3A, %cond3A : i32
      scf.if %cond3A_276 {
        %add3A_431 = arith.constant 2 : i32
        %add3A_432 = arith.addi %add3A_129, %add3A_431 : i32
        %dma_start3A_433 = arith.constant 0 : i32
        %dma_start3A_434 = arith.constant 0 : i32
        %dma_start3A_435 = tpu.memref_slice %arg9[%dma_start3A_433, %dma_start3A_434] : memref<2x128xi32, #tpu.memory_space<vmem>> -> memref<1x128xi32, #tpu.memory_space<vmem>>
        %dma_start3A_436 = tpu.memref_squeeze %dma_start3A_435 : memref<1x128xi32, #tpu.memory_space<vmem>> -> memref<128xi32, #tpu.memory_space<vmem>>
        %dma_start3A_437 = arith.constant 0 : i32
        %dma_start3A_438 = tpu.memref_slice %arg7[%add3A_432, %dma_start3A_437] : memref<40x128xi32, #tpu.memory_space<vmem>> -> memref<1x128xi32, #tpu.memory_space<vmem>>
        %dma_start3A_439 = tpu.memref_squeeze %dma_start3A_438 : memref<1x128xi32, #tpu.memory_space<vmem>> -> memref<128xi32, #tpu.memory_space<vmem>>
        %dma_start3A_440 = arith.constant 0 : i32
        %dma_start3A_441 = tpu.memref_slice %arg5[%dma_start3A_440] : memref<10000xi32, #tpu.memory_space<hbm>> -> memref<10000xi32, #tpu.memory_space<hbm>>
        tpu.enqueue_indirect_dma source(%dma_start3A_441 : memref<10000xi32, #tpu.memory_space<hbm>>) target(%dma_start3A_436 : memref<128xi32, #tpu.memory_space<vmem>>) offsets(%dma_start3A_439 : memref<128xi32, #tpu.memory_space<vmem>>) semaphore(%arg13 : memref<!tpu.dma_semaphore, #tpu.memory_space<semaphore_mem>>)
      } else {
      }
      "tpu.region"() ({
        %run_scoped3A = tpu.sem_alloc : memref<!tpu.dma_semaphore, #tpu.memory_space<semaphore_mem>>
        %dma_start3A_431 = arith.constant 0 : i32
        %dma_start3A_432 = tpu.memref_slice %arg12[%dma_start3A_431] : memref<323584xf32, #tpu.memory_space<vmem_shared>> -> memref<323584xf32, #tpu.memory_space<vmem_shared>>
        tpu.enqueue_indirect_dma source(%arg11 : memref<128xf32, #tpu.memory_space<vmem>>) target(%dma_start3A_432 : memref<323584xf32, #tpu.memory_space<vmem_shared>>) offsets(%arg10 : memref<128xi32, #tpu.memory_space<vmem>>) semaphore(%run_scoped3A : memref<!tpu.dma_semaphore, #tpu.memory_space<semaphore_mem>>) {add = true}
        %dma_wait3A_433 = arith.constant 0 : i32
        %dma_wait3A_434 = tpu.memref_slice %arg12[%dma_wait3A_433] : memref<323584xf32, #tpu.memory_space<vmem_shared>> -> memref<323584xf32, #tpu.memory_space<vmem_shared>>
        tpu.wait_indirect_dma semaphore(%run_scoped3A : memref<!tpu.dma_semaphore, #tpu.memory_space<semaphore_mem>>) src(%arg11 : memref<128xf32, #tpu.memory_space<vmem>>) dst(%dma_wait3A_434 : memref<323584xf32, #tpu.memory_space<vmem_shared>>)
        tpu.yield
      }) : () -> ()
      %add3A_277 = arith.constant 1 : i32
      %add3A_278 = arith.addi %add3A_127, %add3A_277 : i32
      %dma_wait3A_279 = arith.constant 1 : i32
      %dma_wait3A_280 = arith.constant 0 : i32
      %dma_wait3A_281 = tpu.memref_slice %arg9[%dma_wait3A_279, %dma_wait3A_280] : memref<2x128xi32, #tpu.memory_space<vmem>> -> memref<1x128xi32, #tpu.memory_space<vmem>>
      %dma_wait3A_282 = tpu.memref_squeeze %dma_wait3A_281 : memref<1x128xi32, #tpu.memory_space<vmem>> -> memref<128xi32, #tpu.memory_space<vmem>>
      %dma_wait3A_283 = arith.constant 0 : i32
      %dma_wait3A_284 = tpu.memref_slice %arg7[%add3A_278, %dma_wait3A_283] : memref<40x128xi32, #tpu.memory_space<vmem>> -> memref<1x128xi32, #tpu.memory_space<vmem>>
      %dma_wait3A_285 = tpu.memref_squeeze %dma_wait3A_284 : memref<1x128xi32, #tpu.memory_space<vmem>> -> memref<128xi32, #tpu.memory_space<vmem>>
      %dma_wait3A_286 = arith.constant 0 : i32
      %dma_wait3A_287 = tpu.memref_slice %arg5[%dma_wait3A_286] : memref<10000xi32, #tpu.memory_space<hbm>> -> memref<10000xi32, #tpu.memory_space<hbm>>
      tpu.wait_indirect_dma semaphore(%arg14 : memref<!tpu.dma_semaphore, #tpu.memory_space<semaphore_mem>>) src(%dma_wait3A_287 : memref<10000xi32, #tpu.memory_space<hbm>>) dst(%dma_wait3A_282 : memref<128xi32, #tpu.memory_space<vmem>>)
      %get3A_288 = arith.index_cast %add3A_278 : i32 to index
      %get3A_289 = arith.constant 0 : index
      %get3A_290 = tpu.vector_load %arg8[%get3A_288, %get3A_289] {strides = array<i32>} : memref<40x128xi32, #tpu.memory_space<vmem>>, vector<1x16xi32>,
      %get3A_291 = vector.shape_cast %get3A_290 : vector<1x16xi32> to vector<16xi32>
      %mul3A_292 = arith.constant 32 : i32
      %mul3A_293 = vector.broadcast %mul3A_292 : i32 to vector<16xi32>
      %mul3A_294 = arith.muli %get3A_291, %mul3A_293 : vector<16xi32>
      %get3A_295 = arith.constant 1 : i32
      %get3A_296 = arith.index_cast %get3A_295 : i32 to index
      %get3A_297 = arith.constant 0 : index
      %get3A_298 = tpu.vector_load %arg9[%get3A_296, %get3A_297] {strides = array<i32>} : memref<2x128xi32, #tpu.memory_space<vmem>>, vector<1x16xi32>,
      %get3A_299 = vector.shape_cast %get3A_298 : vector<1x16xi32> to vector<16xi32>
      %add3A_300 = arith.addi %mul3A_294, %get3A_299 : vector<16xi32>
      %swap3A_301 = arith.constant 0 : index
      %swap3A_302 = tpu.vector_load %arg10[%swap3A_301] {strides = array<i32>} : memref<128xi32, #tpu.memory_space<vmem>>, vector<16xi32>,
      %swap3A_303 = vector.shape_cast %swap3A_302 : vector<16xi32> to vector<16xi32>
      %swap3A_304 = vector.shape_cast %add3A_300 : vector<16xi32> to vector<16xi32>
      tpu.vector_store %arg10[%swap3A_301], %swap3A_304 {strides = array<i32>} : memref<128xi32, #tpu.memory_space<vmem>>, vector<16xi32>,
      %get3A_305 = arith.index_cast %add3A_278 : i32 to index
      %get3A_306 = arith.constant 16 : index
      %get3A_307 = tpu.vector_load %arg8[%get3A_305, %get3A_306] {strides = array<i32>} : memref<40x128xi32, #tpu.memory_space<vmem>>, vector<1x16xi32>,
      %get3A_308 = vector.shape_cast %get3A_307 : vector<1x16xi32> to vector<16xi32>
      %mul3A_309 = arith.constant 32 : i32
      %mul3A_310 = vector.broadcast %mul3A_309 : i32 to vector<16xi32>
      %mul3A_311 = arith.muli %get3A_308, %mul3A_310 : vector<16xi32>
      %get3A_312 = arith.constant 1 : i32
      %get3A_313 = arith.index_cast %get3A_312 : i32 to index
      %get3A_314 = arith.constant 16 : index
      %get3A_315 = tpu.vector_load %arg9[%get3A_313, %get3A_314] {strides = array<i32>} : memref<2x128xi32, #tpu.memory_space<vmem>>, vector<1x16xi32>,
      %get3A_316 = vector.shape_cast %get3A_315 : vector<1x16xi32> to vector<16xi32>
      %add3A_317 = arith.addi %mul3A_311, %get3A_316 : vector<16xi32>
      %swap3A_318 = arith.constant 16 : index
      %swap3A_319 = tpu.vector_load %arg10[%swap3A_318] {strides = array<i32>} : memref<128xi32, #tpu.memory_space<vmem>>, vector<16xi32>,
      %swap3A_320 = vector.shape_cast %swap3A_319 : vector<16xi32> to vector<16xi32>
      %swap3A_321 = vector.shape_cast %add3A_317 : vector<16xi32> to vector<16xi32>
      tpu.vector_store %arg10[%swap3A_318], %swap3A_321 {strides = array<i32>} : memref<128xi32, #tpu.memory_space<vmem>>, vector<16xi32>,
      %get3A_322 = arith.index_cast %add3A_278 : i32 to index
      %get3A_323 = arith.constant 32 : index
      %get3A_324 = tpu.vector_load %arg8[%get3A_322, %get3A_323] {strides = array<i32>} : memref<40x128xi32, #tpu.memory_space<vmem>>, vector<1x16xi32>,
      %get3A_325 = vector.shape_cast %get3A_324 : vector<1x16xi32> to vector<16xi32>
      %mul3A_326 = arith.constant 32 : i32
      %mul3A_327 = vector.broadcast %mul3A_326 : i32 to vector<16xi32>
      %mul3A_328 = arith.muli %get3A_325, %mul3A_327 : vector<16xi32>
      %get3A_329 = arith.constant 1 : i32
      %get3A_330 = arith.index_cast %get3A_329 : i32 to index
      %get3A_331 = arith.constant 32 : index
      %get3A_332 = tpu.vector_load %arg9[%get3A_330, %get3A_331] {strides = array<i32>} : memref<2x128xi32, #tpu.memory_space<vmem>>, vector<1x16xi32>,
      %get3A_333 = vector.shape_cast %get3A_332 : vector<1x16xi32> to vector<16xi32>
      %add3A_334 = arith.addi %mul3A_328, %get3A_333 : vector<16xi32>
      %swap3A_335 = arith.constant 32 : index
      %swap3A_336 = tpu.vector_load %arg10[%swap3A_335] {strides = array<i32>} : memref<128xi32, #tpu.memory_space<vmem>>, vector<16xi32>,
      %swap3A_337 = vector.shape_cast %swap3A_336 : vector<16xi32> to vector<16xi32>
      %swap3A_338 = vector.shape_cast %add3A_334 : vector<16xi32> to vector<16xi32>
      tpu.vector_store %arg10[%swap3A_335], %swap3A_338 {strides = array<i32>} : memref<128xi32, #tpu.memory_space<vmem>>, vector<16xi32>,
      %get3A_339 = arith.index_cast %add3A_278 : i32 to index
      %get3A_340 = arith.constant 48 : index
      %get3A_341 = tpu.vector_load %arg8[%get3A_339, %get3A_340] {strides = array<i32>} : memref<40x128xi32, #tpu.memory_space<vmem>>, vector<1x16xi32>,
      %get3A_342 = vector.shape_cast %get3A_341 : vector<1x16xi32> to vector<16xi32>
      %mul3A_343 = arith.constant 32 : i32
      %mul3A_344 = vector.broadcast %mul3A_343 : i32 to vector<16xi32>
      %mul3A_345 = arith.muli %get3A_342, %mul3A_344 : vector<16xi32>
      %get3A_346 = arith.constant 1 : i32
      %get3A_347 = arith.index_cast %get3A_346 : i32 to index
      %get3A_348 = arith.constant 48 : index
      %get3A_349 = tpu.vector_load %arg9[%get3A_347, %get3A_348] {strides = array<i32>} : memref<2x128xi32, #tpu.memory_space<vmem>>, vector<1x16xi32>,
      %get3A_350 = vector.shape_cast %get3A_349 : vector<1x16xi32> to vector<16xi32>
      %add3A_351 = arith.addi %mul3A_345, %get3A_350 : vector<16xi32>
      %swap3A_352 = arith.constant 48 : index
      %swap3A_353 = tpu.vector_load %arg10[%swap3A_352] {strides = array<i32>} : memref<128xi32, #tpu.memory_space<vmem>>, vector<16xi32>,
      %swap3A_354 = vector.shape_cast %swap3A_353 : vector<16xi32> to vector<16xi32>
      %swap3A_355 = vector.shape_cast %add3A_351 : vector<16xi32> to vector<16xi32>
      tpu.vector_store %arg10[%swap3A_352], %swap3A_355 {strides = array<i32>} : memref<128xi32, #tpu.memory_space<vmem>>, vector<16xi32>,
      %get3A_356 = arith.index_cast %add3A_278 : i32 to index
      %get3A_357 = arith.constant 64 : index
      %get3A_358 = tpu.vector_load %arg8[%get3A_356, %get3A_357] {strides = array<i32>} : memref<40x128xi32, #tpu.memory_space<vmem>>, vector<1x16xi32>,
      %get3A_359 = vector.shape_cast %get3A_358 : vector<1x16xi32> to vector<16xi32>
      %mul3A_360 = arith.constant 32 : i32
      %mul3A_361 = vector.broadcast %mul3A_360 : i32 to vector<16xi32>
      %mul3A_362 = arith.muli %get3A_359, %mul3A_361 : vector<16xi32>
      %get3A_363 = arith.constant 1 : i32
      %get3A_364 = arith.index_cast %get3A_363 : i32 to index
      %get3A_365 = arith.constant 64 : index
      %get3A_366 = tpu.vector_load %arg9[%get3A_364, %get3A_365] {strides = array<i32>} : memref<2x128xi32, #tpu.memory_space<vmem>>, vector<1x16xi32>,
      %get3A_367 = vector.shape_cast %get3A_366 : vector<1x16xi32> to vector<16xi32>
      %add3A_368 = arith.addi %mul3A_362, %get3A_367 : vector<16xi32>
      %swap3A_369 = arith.constant 64 : index
      %swap3A_370 = tpu.vector_load %arg10[%swap3A_369] {strides = array<i32>} : memref<128xi32, #tpu.memory_space<vmem>>, vector<16xi32>,
      %swap3A_371 = vector.shape_cast %swap3A_370 : vector<16xi32> to vector<16xi32>
      %swap3A_372 = vector.shape_cast %add3A_368 : vector<16xi32> to vector<16xi32>
      tpu.vector_store %arg10[%swap3A_369], %swap3A_372 {strides = array<i32>} : memref<128xi32, #tpu.memory_space<vmem>>, vector<16xi32>,
      %get3A_373 = arith.index_cast %add3A_278 : i32 to index
      %get3A_374 = arith.constant 80 : index
      %get3A_375 = tpu.vector_load %arg8[%get3A_373, %get3A_374] {strides = array<i32>} : memref<40x128xi32, #tpu.memory_space<vmem>>, vector<1x16xi32>,
      %get3A_376 = vector.shape_cast %get3A_375 : vector<1x16xi32> to vector<16xi32>
      %mul3A_377 = arith.constant 32 : i32
      %mul3A_378 = vector.broadcast %mul3A_377 : i32 to vector<16xi32>
      %mul3A_379 = arith.muli %get3A_376, %mul3A_378 : vector<16xi32>
      %get3A_380 = arith.constant 1 : i32
      %get3A_381 = arith.index_cast %get3A_380 : i32 to index
      %get3A_382 = arith.constant 80 : index
      %get3A_383 = tpu.vector_load %arg9[%get3A_381, %get3A_382] {strides = array<i32>} : memref<2x128xi32, #tpu.memory_space<vmem>>, vector<1x16xi32>,
      %get3A_384 = vector.shape_cast %get3A_383 : vector<1x16xi32> to vector<16xi32>
      %add3A_385 = arith.addi %mul3A_379, %get3A_384 : vector<16xi32>
      %swap3A_386 = arith.constant 80 : index
      %swap3A_387 = tpu.vector_load %arg10[%swap3A_386] {strides = array<i32>} : memref<128xi32, #tpu.memory_space<vmem>>, vector<16xi32>,
      %swap3A_388 = vector.shape_cast %swap3A_387 : vector<16xi32> to vector<16xi32>
      %swap3A_389 = vector.shape_cast %add3A_385 : vector<16xi32> to vector<16xi32>
      tpu.vector_store %arg10[%swap3A_386], %swap3A_389 {strides = array<i32>} : memref<128xi32, #tpu.memory_space<vmem>>, vector<16xi32>,
      %get3A_390 = arith.index_cast %add3A_278 : i32 to index
      %get3A_391 = arith.constant 96 : index
      %get3A_392 = tpu.vector_load %arg8[%get3A_390, %get3A_391] {strides = array<i32>} : memref<40x128xi32, #tpu.memory_space<vmem>>, vector<1x16xi32>,
      %get3A_393 = vector.shape_cast %get3A_392 : vector<1x16xi32> to vector<16xi32>
      %mul3A_394 = arith.constant 32 : i32
      %mul3A_395 = vector.broadcast %mul3A_394 : i32 to vector<16xi32>
      %mul3A_396 = arith.muli %get3A_393, %mul3A_395 : vector<16xi32>
      %get3A_397 = arith.constant 1 : i32
      %get3A_398 = arith.index_cast %get3A_397 : i32 to index
      %get3A_399 = arith.constant 96 : index
      %get3A_400 = tpu.vector_load %arg9[%get3A_398, %get3A_399] {strides = array<i32>} : memref<2x128xi32, #tpu.memory_space<vmem>>, vector<1x16xi32>,
      %get3A_401 = vector.shape_cast %get3A_400 : vector<1x16xi32> to vector<16xi32>
      %add3A_402 = arith.addi %mul3A_396, %get3A_401 : vector<16xi32>
      %swap3A_403 = arith.constant 96 : index
      %swap3A_404 = tpu.vector_load %arg10[%swap3A_403] {strides = array<i32>} : memref<128xi32, #tpu.memory_space<vmem>>, vector<16xi32>,
      %swap3A_405 = vector.shape_cast %swap3A_404 : vector<16xi32> to vector<16xi32>
      %swap3A_406 = vector.shape_cast %add3A_402 : vector<16xi32> to vector<16xi32>
      tpu.vector_store %arg10[%swap3A_403], %swap3A_406 {strides = array<i32>} : memref<128xi32, #tpu.memory_space<vmem>>, vector<16xi32>,
      %get3A_407 = arith.index_cast %add3A_278 : i32 to index
      %get3A_408 = arith.constant 112 : index
      %get3A_409 = tpu.vector_load %arg8[%get3A_407, %get3A_408] {strides = array<i32>} : memref<40x128xi32, #tpu.memory_space<vmem>>, vector<1x16xi32>,
      %get3A_410 = vector.shape_cast %get3A_409 : vector<1x16xi32> to vector<16xi32>
      %mul3A_411 = arith.constant 32 : i32
      %mul3A_412 = vector.broadcast %mul3A_411 : i32 to vector<16xi32>
      %mul3A_413 = arith.muli %get3A_410, %mul3A_412 : vector<16xi32>
      %get3A_414 = arith.constant 1 : i32
      %get3A_415 = arith.index_cast %get3A_414 : i32 to index
      %get3A_416 = arith.constant 112 : index
      %get3A_417 = tpu.vector_load %arg9[%get3A_415, %get3A_416] {strides = array<i32>} : memref<2x128xi32, #tpu.memory_space<vmem>>, vector<1x16xi32>,
      %get3A_418 = vector.shape_cast %get3A_417 : vector<1x16xi32> to vector<16xi32>
      %add3A_419 = arith.addi %mul3A_413, %get3A_418 : vector<16xi32>
      %swap3A_420 = arith.constant 112 : index
      %swap3A_421 = tpu.vector_load %arg10[%swap3A_420] {strides = array<i32>} : memref<128xi32, #tpu.memory_space<vmem>>, vector<16xi32>,
      %swap3A_422 = vector.shape_cast %swap3A_421 : vector<16xi32> to vector<16xi32>
      %swap3A_423 = vector.shape_cast %add3A_419 : vector<16xi32> to vector<16xi32>
      tpu.vector_store %arg10[%swap3A_420], %swap3A_423 {strides = array<i32>} : memref<128xi32, #tpu.memory_space<vmem>>, vector<16xi32>,
      %add3A_424 = arith.constant 2 : i32
      %add3A_425 = arith.addi %add3A_278, %add3A_424 : i32
      %lt3A_426 = arith.constant 40 : i32
      %lt3A_427 = arith.cmpi slt, %add3A_425, %lt3A_426 : i32
      %convert_element_type3A_428 = arith.extui %lt3A_427 : i1 to i32
      %cond3A_429 = arith.constant 0 : i32
      %cond3A_430 = arith.cmpi ne, %convert_element_type3A_428, %cond3A_429 : i32
      scf.if %cond3A_430 {
        %add3A_431 = arith.constant 2 : i32
        %add3A_432 = arith.addi %add3A_278, %add3A_431 : i32
        %dma_start3A_433 = arith.constant 1 : i32
        %dma_start3A_434 = arith.constant 0 : i32
        %dma_start3A_435 = tpu.memref_slice %arg9[%dma_start3A_433, %dma_start3A_434] : memref<2x128xi32, #tpu.memory_space<vmem>> -> memref<1x128xi32, #tpu.memory_space<vmem>>
        %dma_start3A_436 = tpu.memref_squeeze %dma_start3A_435 : memref<1x128xi32, #tpu.memory_space<vmem>> -> memref<128xi32, #tpu.memory_space<vmem>>
        %dma_start3A_437 = arith.constant 0 : i32
        %dma_start3A_438 = tpu.memref_slice %arg7[%add3A_432, %dma_start3A_437] : memref<40x128xi32, #tpu.memory_space<vmem>> -> memref<1x128xi32, #tpu.memory_space<vmem>>
        %dma_start3A_439 = tpu.memref_squeeze %dma_start3A_438 : memref<1x128xi32, #tpu.memory_space<vmem>> -> memref<128xi32, #tpu.memory_space<vmem>>
        %dma_start3A_440 = arith.constant 0 : i32
        %dma_start3A_441 = tpu.memref_slice %arg5[%dma_start3A_440] : memref<10000xi32, #tpu.memory_space<hbm>> -> memref<10000xi32, #tpu.memory_space<hbm>>
        tpu.enqueue_indirect_dma source(%dma_start3A_441 : memref<10000xi32, #tpu.memory_space<hbm>>) target(%dma_start3A_436 : memref<128xi32, #tpu.memory_space<vmem>>) offsets(%dma_start3A_439 : memref<128xi32, #tpu.memory_space<vmem>>) semaphore(%arg14 : memref<!tpu.dma_semaphore, #tpu.memory_space<semaphore_mem>>)
      } else {
      }
      "tpu.region"() ({
        %run_scoped3A = tpu.sem_alloc : memref<!tpu.dma_semaphore, #tpu.memory_space<semaphore_mem>>
        %dma_start3A_431 = arith.constant 0 : i32
        %dma_start3A_432 = tpu.memref_slice %arg12[%dma_start3A_431] : memref<323584xf32, #tpu.memory_space<vmem_shared>> -> memref<323584xf32, #tpu.memory_space<vmem_shared>>
        tpu.enqueue_indirect_dma source(%arg11 : memref<128xf32, #tpu.memory_space<vmem>>) target(%dma_start3A_432 : memref<323584xf32, #tpu.memory_space<vmem_shared>>) offsets(%arg10 : memref<128xi32, #tpu.memory_space<vmem>>) semaphore(%run_scoped3A : memref<!tpu.dma_semaphore, #tpu.memory_space<semaphore_mem>>) {add = true}
        %dma_wait3A_433 = arith.constant 0 : i32
        %dma_wait3A_434 = tpu.memref_slice %arg12[%dma_wait3A_433] : memref<323584xf32, #tpu.memory_space<vmem_shared>> -> memref<323584xf32, #tpu.memory_space<vmem_shared>>
        tpu.wait_indirect_dma semaphore(%run_scoped3A : memref<!tpu.dma_semaphore, #tpu.memory_space<semaphore_mem>>) src(%arg11 : memref<128xf32, #tpu.memory_space<vmem>>) dst(%dma_wait3A_434 : memref<323584xf32, #tpu.memory_space<vmem_shared>>)
        tpu.yield
      }) : () -> ()
    }
    %scan3A_112 = arith.constant 20 : i32
    %barrier3A_113 = arith.constant 0 : index
    tpu.barrier barrier_id(%barrier3A_113)
    %mul3A_114 = arith.constant 10112 : i32
    %mul3A_115 = arith.muli %arg0, %mul3A_114 : i32
    %mul3A_116 = arith.constant 32 : i32
    %mul3A_117 = arith.muli %mul3A_115, %mul3A_116 : i32
    %mul3A_118 = arith.constant 20224 : i32
    %mul3A_119 = arith.muli %arg1, %mul3A_118 : i32
    %add3A_120 = arith.addi %mul3A_117, %mul3A_119 : i32
    %mul3A_121 = arith.constant 20224 : i32
    %mul3A_122 = arith.muli %arg1, %mul3A_121 : i32
    "tpu.region"() ({
      %run_scoped3A = tpu.sem_alloc : memref<!tpu.dma_semaphore, #tpu.memory_space<semaphore_mem>>
      %dma_start3A_123 = tpu.memref_slice %arg6[%add3A_120] : memref<647168xf32, #tpu.memory_space<hbm>> -> memref<20224xf32, #tpu.memory_space<hbm>>
      %dma_start3A_124 = tpu.memref_slice %arg12[%mul3A_122] : memref<323584xf32, #tpu.memory_space<vmem_shared>> -> memref<20224xf32, #tpu.memory_space<vmem_shared>>
      tpu.enqueue_dma source(%dma_start3A_124 : memref<20224xf32, #tpu.memory_space<vmem_shared>>) target(%dma_start3A_123 : memref<20224xf32, #tpu.memory_space<hbm>>) target_semaphore(%run_scoped3A : memref<!tpu.dma_semaphore, #tpu.memory_space<semaphore_mem>>)
      %dma_wait3A = tpu.memref_slice %arg6[%add3A_120] : memref<647168xf32, #tpu.memory_space<hbm>> -> memref<20224xf32, #tpu.memory_space<hbm>>
      %dma_wait3A_125 = tpu.memref_slice %arg12[%mul3A_122] : memref<323584xf32, #tpu.memory_space<vmem_shared>> -> memref<20224xf32, #tpu.memory_space<vmem_shared>>
      tpu.wait_dma2 semaphore(%run_scoped3A : memref<!tpu.dma_semaphore, #tpu.memory_space<semaphore_mem>>) src(%dma_wait3A_125 : memref<20224xf32, #tpu.memory_space<vmem_shared>>) dst(%dma_wait3A : memref<20224xf32, #tpu.memory_space<hbm>>)
      tpu.yield
    }) : () -> ()
    return
  }
}

#map = affine_map<(d0, d1) -> (0, 0)>
module attributes {stable_mosaic.version = 14 : i64} {
  func.func @_msg_kernel(%arg0: i32, %arg1: i32, %arg2: memref<2560x128xi32, #tpu.memory_space<hbm>>, %arg3: memref<2560x128xi32, #tpu.memory_space<hbm>>, %arg4: memref<632x128xf32, #tpu.memory_space<hbm>>, %arg5: memref<10000x128xf32, #tpu.memory_space<hbm>>, %arg6: memref<20224x128xf32, #tpu.memory_space<hbm>>, %arg7: memref<40x128xi32, #tpu.memory_space<vmem>>, %arg8: memref<40x128xi32, #tpu.memory_space<vmem>>, %arg9: memref<2x128x128xf32, #tpu.memory_space<vmem>>, %arg10: memref<10112x128xf32, #tpu.memory_space<vmem_shared>>, %arg11: memref<!tpu.dma_semaphore, #tpu.memory_space<semaphore_mem>>, %arg12: memref<!tpu.dma_semaphore, #tpu.memory_space<semaphore_mem>>) attributes {dimension_semantics = [#tpu.dimension_semantics<core_parallel>, #tpu.dimension_semantics<subcore_parallel>], iteration_bounds = array<i64: 2, 16>, scalar_prefetch = 0 : i64, scratch_operands = 6 : i64, tpu.core_type = #tpu.core_type<sc_vector_subcore>, window_params = [{transform_indices = #map}, {transform_indices = #map}, {transform_indices = #map}, {transform_indices = #map}, {transform_indices = #map}]} {
    %mul3A = arith.constant 632 : i32
    %mul3A_0 = arith.muli %arg1, %mul3A : i32
    "tpu.region"() ({
      %run_scoped3A = tpu.sem_alloc : memref<!tpu.dma_semaphore, #tpu.memory_space<semaphore_mem>>
      %dma_start3A_83 = arith.constant 0 : i32
      %dma_start3A_84 = tpu.memref_slice %arg10[%mul3A_0, %dma_start3A_83] : memref<10112x128xf32, #tpu.memory_space<vmem_shared>> -> memref<632x128xf32, #tpu.memory_space<vmem_shared>>
      tpu.enqueue_dma source(%arg4 : memref<632x128xf32, #tpu.memory_space<hbm>>) target(%dma_start3A_84 : memref<632x128xf32, #tpu.memory_space<vmem_shared>>) target_semaphore(%run_scoped3A : memref<!tpu.dma_semaphore, #tpu.memory_space<semaphore_mem>>)
      %dma_wait3A = arith.constant 0 : i32
      %dma_wait3A_85 = tpu.memref_slice %arg10[%mul3A_0, %dma_wait3A] : memref<10112x128xf32, #tpu.memory_space<vmem_shared>> -> memref<632x128xf32, #tpu.memory_space<vmem_shared>>
      tpu.wait_dma2 semaphore(%run_scoped3A : memref<!tpu.dma_semaphore, #tpu.memory_space<semaphore_mem>>) src(%arg4 : memref<632x128xf32, #tpu.memory_space<hbm>>) dst(%dma_wait3A_85 : memref<632x128xf32, #tpu.memory_space<vmem_shared>>)
      tpu.yield
    }) : () -> ()
    %barrier3A = arith.constant 0 : index
    tpu.barrier barrier_id(%barrier3A)
    %mul3A_1 = arith.constant 2 : i32
    %mul3A_2 = arith.muli %arg1, %mul3A_1 : i32
    %add3A = arith.addi %mul3A_2, %arg0 : i32
    %mul3A_3 = arith.constant 80 : i32
    %mul3A_4 = arith.muli %add3A, %mul3A_3 : i32
    %add3A_5 = arith.constant 0 : i32
    %add3A_6 = arith.addi %mul3A_4, %add3A_5 : i32
    "tpu.region"() ({
      %run_scoped3A = tpu.sem_alloc : memref<!tpu.dma_semaphore, #tpu.memory_space<semaphore_mem>>
      %dma_start3A_83 = arith.constant 0 : i32
      %dma_start3A_84 = tpu.memref_slice %arg2[%add3A_6, %dma_start3A_83] : memref<2560x128xi32, #tpu.memory_space<hbm>> -> memref<40x128xi32, #tpu.memory_space<hbm>>
      %dma_start3A_85 = arith.constant 0 : i32
      %dma_start3A_86 = tpu.memref_slice %arg2[%add3A_6, %dma_start3A_85] : memref<2560x128xi32, #tpu.memory_space<hbm>> -> memref<40x128xi32, #tpu.memory_space<hbm>>
      tpu.enqueue_dma source(%dma_start3A_86 : memref<40x128xi32, #tpu.memory_space<hbm>>) target(%arg7 : memref<40x128xi32, #tpu.memory_space<vmem>>) target_semaphore(%run_scoped3A : memref<!tpu.dma_semaphore, #tpu.memory_space<semaphore_mem>>)
      %dma_wait3A = arith.constant 0 : i32
      %dma_wait3A_87 = tpu.memref_slice %arg2[%add3A_6, %dma_wait3A] : memref<2560x128xi32, #tpu.memory_space<hbm>> -> memref<40x128xi32, #tpu.memory_space<hbm>>
      %dma_wait3A_88 = arith.constant 0 : i32
      %dma_wait3A_89 = tpu.memref_slice %arg2[%add3A_6, %dma_wait3A_88] : memref<2560x128xi32, #tpu.memory_space<hbm>> -> memref<40x128xi32, #tpu.memory_space<hbm>>
      tpu.wait_dma2 semaphore(%run_scoped3A : memref<!tpu.dma_semaphore, #tpu.memory_space<semaphore_mem>>) src(%dma_wait3A_89 : memref<40x128xi32, #tpu.memory_space<hbm>>) dst(%arg7 : memref<40x128xi32, #tpu.memory_space<vmem>>)
      tpu.yield
    }) : () -> ()
    %mul3A_7 = arith.constant 80 : i32
    %mul3A_8 = arith.muli %add3A, %mul3A_7 : i32
    %add3A_9 = arith.constant 0 : i32
    %add3A_10 = arith.addi %mul3A_8, %add3A_9 : i32
    "tpu.region"() ({
      %run_scoped3A = tpu.sem_alloc : memref<!tpu.dma_semaphore, #tpu.memory_space<semaphore_mem>>
      %dma_start3A_83 = arith.constant 0 : i32
      %dma_start3A_84 = tpu.memref_slice %arg3[%add3A_10, %dma_start3A_83] : memref<2560x128xi32, #tpu.memory_space<hbm>> -> memref<40x128xi32, #tpu.memory_space<hbm>>
      %dma_start3A_85 = arith.constant 0 : i32
      %dma_start3A_86 = tpu.memref_slice %arg3[%add3A_10, %dma_start3A_85] : memref<2560x128xi32, #tpu.memory_space<hbm>> -> memref<40x128xi32, #tpu.memory_space<hbm>>
      tpu.enqueue_dma source(%dma_start3A_86 : memref<40x128xi32, #tpu.memory_space<hbm>>) target(%arg8 : memref<40x128xi32, #tpu.memory_space<vmem>>) target_semaphore(%run_scoped3A : memref<!tpu.dma_semaphore, #tpu.memory_space<semaphore_mem>>)
      %dma_wait3A = arith.constant 0 : i32
      %dma_wait3A_87 = tpu.memref_slice %arg3[%add3A_10, %dma_wait3A] : memref<2560x128xi32, #tpu.memory_space<hbm>> -> memref<40x128xi32, #tpu.memory_space<hbm>>
      %dma_wait3A_88 = arith.constant 0 : i32
      %dma_wait3A_89 = tpu.memref_slice %arg3[%add3A_10, %dma_wait3A_88] : memref<2560x128xi32, #tpu.memory_space<hbm>> -> memref<40x128xi32, #tpu.memory_space<hbm>>
      tpu.wait_dma2 semaphore(%run_scoped3A : memref<!tpu.dma_semaphore, #tpu.memory_space<semaphore_mem>>) src(%dma_wait3A_89 : memref<40x128xi32, #tpu.memory_space<hbm>>) dst(%arg8 : memref<40x128xi32, #tpu.memory_space<vmem>>)
      tpu.yield
    }) : () -> ()
    %dma_start3A = arith.constant 0 : i32
    %dma_start3A_11 = arith.constant 0 : i32
    %dma_start3A_12 = arith.constant 0 : i32
    %dma_start3A_13 = arith.constant 0 : i32
    %dma_start3A_14 = tpu.memref_slice %arg9[%dma_start3A_11, %dma_start3A_12, %dma_start3A_13] : memref<2x128x128xf32, #tpu.memory_space<vmem>> -> memref<1x128x128xf32, #tpu.memory_space<vmem>>
    %dma_start3A_15 = tpu.memref_squeeze %dma_start3A_14 : memref<1x128x128xf32, #tpu.memory_space<vmem>> -> memref<128x128xf32, #tpu.memory_space<vmem>>
    %dma_start3A_16 = arith.constant 0 : i32
    %dma_start3A_17 = tpu.memref_slice %arg7[%dma_start3A, %dma_start3A_16] : memref<40x128xi32, #tpu.memory_space<vmem>> -> memref<1x128xi32, #tpu.memory_space<vmem>>
    %dma_start3A_18 = tpu.memref_squeeze %dma_start3A_17 : memref<1x128xi32, #tpu.memory_space<vmem>> -> memref<128xi32, #tpu.memory_space<vmem>>
    %dma_start3A_19 = arith.constant 0 : i32
    %dma_start3A_20 = arith.constant 0 : i32
    %dma_start3A_21 = tpu.memref_slice %arg5[%dma_start3A_19, %dma_start3A_20] : memref<10000x128xf32, #tpu.memory_space<hbm>> -> memref<10000x128xf32, #tpu.memory_space<hbm>>
    tpu.enqueue_indirect_dma source(%dma_start3A_21 : memref<10000x128xf32, #tpu.memory_space<hbm>>) target(%dma_start3A_15 : memref<128x128xf32, #tpu.memory_space<vmem>>) offsets(%dma_start3A_18 : memref<128xi32, #tpu.memory_space<vmem>>) semaphore(%arg11 : memref<!tpu.dma_semaphore, #tpu.memory_space<semaphore_mem>>)
    %dma_start3A_22 = arith.constant 1 : i32
    %dma_start3A_23 = arith.constant 1 : i32
    %dma_start3A_24 = arith.constant 0 : i32
    %dma_start3A_25 = arith.constant 0 : i32
    %dma_start3A_26 = tpu.memref_slice %arg9[%dma_start3A_23, %dma_start3A_24, %dma_start3A_25] : memref<2x128x128xf32, #tpu.memory_space<vmem>> -> memref<1x128x128xf32, #tpu.memory_space<vmem>>
    %dma_start3A_27 = tpu.memref_squeeze %dma_start3A_26 : memref<1x128x128xf32, #tpu.memory_space<vmem>> -> memref<128x128xf32, #tpu.memory_space<vmem>>
    %dma_start3A_28 = arith.constant 0 : i32
    %dma_start3A_29 = tpu.memref_slice %arg7[%dma_start3A_22, %dma_start3A_28] : memref<40x128xi32, #tpu.memory_space<vmem>> -> memref<1x128xi32, #tpu.memory_space<vmem>>
    %dma_start3A_30 = tpu.memref_squeeze %dma_start3A_29 : memref<1x128xi32, #tpu.memory_space<vmem>> -> memref<128xi32, #tpu.memory_space<vmem>>
    %dma_start3A_31 = arith.constant 0 : i32
    %dma_start3A_32 = arith.constant 0 : i32
    %dma_start3A_33 = tpu.memref_slice %arg5[%dma_start3A_31, %dma_start3A_32] : memref<10000x128xf32, #tpu.memory_space<hbm>> -> memref<10000x128xf32, #tpu.memory_space<hbm>>
    tpu.enqueue_indirect_dma source(%dma_start3A_33 : memref<10000x128xf32, #tpu.memory_space<hbm>>) target(%dma_start3A_27 : memref<128x128xf32, #tpu.memory_space<vmem>>) offsets(%dma_start3A_30 : memref<128xi32, #tpu.memory_space<vmem>>) semaphore(%arg12 : memref<!tpu.dma_semaphore, #tpu.memory_space<semaphore_mem>>)
    %scan3A = arith.constant 0 : i32
    %scan3A_34 = arith.constant 20 : i32
    %scan3A_35 = arith.addi %scan3A, %scan3A_34 : i32
    %scan3A_36 = arith.constant 1 : i32
    scf.for %scan3A_83 = %scan3A to %scan3A_35 step %scan3A_36  : i32 {
      %mul3A_84 = arith.constant 2 : i32
      %mul3A_85 = arith.muli %scan3A_83, %mul3A_84 : i32
      %add3A_86 = arith.constant 0 : i32
      %add3A_87 = arith.addi %add3A_86, %mul3A_85 : i32
      %add3A_88 = arith.constant 0 : i32
      %add3A_89 = arith.addi %add3A_87, %add3A_88 : i32
      %dma_wait3A = arith.constant 0 : i32
      %dma_wait3A_90 = arith.constant 0 : i32
      %dma_wait3A_91 = arith.constant 0 : i32
      %dma_wait3A_92 = tpu.memref_slice %arg9[%dma_wait3A, %dma_wait3A_90, %dma_wait3A_91] : memref<2x128x128xf32, #tpu.memory_space<vmem>> -> memref<1x128x128xf32, #tpu.memory_space<vmem>>
      %dma_wait3A_93 = tpu.memref_squeeze %dma_wait3A_92 : memref<1x128x128xf32, #tpu.memory_space<vmem>> -> memref<128x128xf32, #tpu.memory_space<vmem>>
      %dma_wait3A_94 = arith.constant 0 : i32
      %dma_wait3A_95 = tpu.memref_slice %arg7[%add3A_89, %dma_wait3A_94] : memref<40x128xi32, #tpu.memory_space<vmem>> -> memref<1x128xi32, #tpu.memory_space<vmem>>
      %dma_wait3A_96 = tpu.memref_squeeze %dma_wait3A_95 : memref<1x128xi32, #tpu.memory_space<vmem>> -> memref<128xi32, #tpu.memory_space<vmem>>
      %dma_wait3A_97 = arith.constant 0 : i32
      %dma_wait3A_98 = arith.constant 0 : i32
      %dma_wait3A_99 = tpu.memref_slice %arg5[%dma_wait3A_97, %dma_wait3A_98] : memref<10000x128xf32, #tpu.memory_space<hbm>> -> memref<10000x128xf32, #tpu.memory_space<hbm>>
      tpu.wait_indirect_dma semaphore(%arg11 : memref<!tpu.dma_semaphore, #tpu.memory_space<semaphore_mem>>) src(%dma_wait3A_99 : memref<10000x128xf32, #tpu.memory_space<hbm>>) dst(%dma_wait3A_93 : memref<128x128xf32, #tpu.memory_space<vmem>>)
      %run_scoped3A = arith.constant 0 : i32
      "tpu.region"() ({
        %run_scoped3A_127 = tpu.sem_alloc : memref<!tpu.dma_semaphore, #tpu.memory_space<semaphore_mem>>
        %dma_start3A_128 = arith.constant 0 : i32
        %dma_start3A_129 = arith.constant 0 : i32
        %dma_start3A_130 = tpu.memref_slice %arg9[%run_scoped3A, %dma_start3A_128, %dma_start3A_129] : memref<2x128x128xf32, #tpu.memory_space<vmem>> -> memref<1x128x128xf32, #tpu.memory_space<vmem>>
        %dma_start3A_131 = tpu.memref_squeeze %dma_start3A_130 : memref<1x128x128xf32, #tpu.memory_space<vmem>> -> memref<128x128xf32, #tpu.memory_space<vmem>>
        %dma_start3A_132 = arith.constant 0 : i32
        %dma_start3A_133 = tpu.memref_slice %arg8[%add3A_89, %dma_start3A_132] : memref<40x128xi32, #tpu.memory_space<vmem>> -> memref<1x128xi32, #tpu.memory_space<vmem>>
        %dma_start3A_134 = tpu.memref_squeeze %dma_start3A_133 : memref<1x128xi32, #tpu.memory_space<vmem>> -> memref<128xi32, #tpu.memory_space<vmem>>
        %dma_start3A_135 = arith.constant 0 : i32
        %dma_start3A_136 = arith.constant 0 : i32
        %dma_start3A_137 = tpu.memref_slice %arg10[%dma_start3A_135, %dma_start3A_136] : memref<10112x128xf32, #tpu.memory_space<vmem_shared>> -> memref<10112x128xf32, #tpu.memory_space<vmem_shared>>
        tpu.enqueue_indirect_dma source(%dma_start3A_131 : memref<128x128xf32, #tpu.memory_space<vmem>>) target(%dma_start3A_137 : memref<10112x128xf32, #tpu.memory_space<vmem_shared>>) offsets(%dma_start3A_134 : memref<128xi32, #tpu.memory_space<vmem>>) semaphore(%run_scoped3A_127 : memref<!tpu.dma_semaphore, #tpu.memory_space<semaphore_mem>>) {add = true}
        %dma_wait3A_138 = arith.constant 0 : i32
        %dma_wait3A_139 = arith.constant 0 : i32
        %dma_wait3A_140 = tpu.memref_slice %arg9[%run_scoped3A, %dma_wait3A_138, %dma_wait3A_139] : memref<2x128x128xf32, #tpu.memory_space<vmem>> -> memref<1x128x128xf32, #tpu.memory_space<vmem>>
        %dma_wait3A_141 = tpu.memref_squeeze %dma_wait3A_140 : memref<1x128x128xf32, #tpu.memory_space<vmem>> -> memref<128x128xf32, #tpu.memory_space<vmem>>
        %dma_wait3A_142 = arith.constant 0 : i32
        %dma_wait3A_143 = tpu.memref_slice %arg8[%add3A_89, %dma_wait3A_142] : memref<40x128xi32, #tpu.memory_space<vmem>> -> memref<1x128xi32, #tpu.memory_space<vmem>>
        %dma_wait3A_144 = tpu.memref_squeeze %dma_wait3A_143 : memref<1x128xi32, #tpu.memory_space<vmem>> -> memref<128xi32, #tpu.memory_space<vmem>>
        %dma_wait3A_145 = arith.constant 0 : i32
        %dma_wait3A_146 = arith.constant 0 : i32
        %dma_wait3A_147 = tpu.memref_slice %arg10[%dma_wait3A_145, %dma_wait3A_146] : memref<10112x128xf32, #tpu.memory_space<vmem_shared>> -> memref<10112x128xf32, #tpu.memory_space<vmem_shared>>
        tpu.wait_indirect_dma semaphore(%run_scoped3A_127 : memref<!tpu.dma_semaphore, #tpu.memory_space<semaphore_mem>>) src(%dma_wait3A_141 : memref<128x128xf32, #tpu.memory_space<vmem>>) dst(%dma_wait3A_147 : memref<10112x128xf32, #tpu.memory_space<vmem_shared>>)
        tpu.yield
      }) : () -> ()
      %add3A_100 = arith.constant 2 : i32
      %add3A_101 = arith.addi %add3A_89, %add3A_100 : i32
      %lt3A = arith.constant 40 : i32
      %lt3A_102 = arith.cmpi slt, %add3A_101, %lt3A : i32
      %convert_element_type3A = arith.extui %lt3A_102 : i1 to i32
      %cond3A = arith.constant 0 : i32
      %cond3A_103 = arith.constant 0 : i32
      %cond3A_104 = arith.cmpi ne, %convert_element_type3A, %cond3A_103 : i32
      scf.if %cond3A_104 {
        %add3A_127 = arith.constant 2 : i32
        %add3A_128 = arith.addi %add3A_89, %add3A_127 : i32
        %dma_start3A_129 = arith.constant 0 : i32
        %dma_start3A_130 = arith.constant 0 : i32
        %dma_start3A_131 = tpu.memref_slice %arg9[%cond3A, %dma_start3A_129, %dma_start3A_130] : memref<2x128x128xf32, #tpu.memory_space<vmem>> -> memref<1x128x128xf32, #tpu.memory_space<vmem>>
        %dma_start3A_132 = tpu.memref_squeeze %dma_start3A_131 : memref<1x128x128xf32, #tpu.memory_space<vmem>> -> memref<128x128xf32, #tpu.memory_space<vmem>>
        %dma_start3A_133 = arith.constant 0 : i32
        %dma_start3A_134 = tpu.memref_slice %arg7[%add3A_128, %dma_start3A_133] : memref<40x128xi32, #tpu.memory_space<vmem>> -> memref<1x128xi32, #tpu.memory_space<vmem>>
        %dma_start3A_135 = tpu.memref_squeeze %dma_start3A_134 : memref<1x128xi32, #tpu.memory_space<vmem>> -> memref<128xi32, #tpu.memory_space<vmem>>
        %dma_start3A_136 = arith.constant 0 : i32
        %dma_start3A_137 = arith.constant 0 : i32
        %dma_start3A_138 = tpu.memref_slice %arg5[%dma_start3A_136, %dma_start3A_137] : memref<10000x128xf32, #tpu.memory_space<hbm>> -> memref<10000x128xf32, #tpu.memory_space<hbm>>
        tpu.enqueue_indirect_dma source(%dma_start3A_138 : memref<10000x128xf32, #tpu.memory_space<hbm>>) target(%dma_start3A_132 : memref<128x128xf32, #tpu.memory_space<vmem>>) offsets(%dma_start3A_135 : memref<128xi32, #tpu.memory_space<vmem>>) semaphore(%arg11 : memref<!tpu.dma_semaphore, #tpu.memory_space<semaphore_mem>>)
      } else {
      }
      %add3A_105 = arith.constant 1 : i32
      %add3A_106 = arith.addi %add3A_87, %add3A_105 : i32
      %dma_wait3A_107 = arith.constant 1 : i32
      %dma_wait3A_108 = arith.constant 0 : i32
      %dma_wait3A_109 = arith.constant 0 : i32
      %dma_wait3A_110 = tpu.memref_slice %arg9[%dma_wait3A_107, %dma_wait3A_108, %dma_wait3A_109] : memref<2x128x128xf32, #tpu.memory_space<vmem>> -> memref<1x128x128xf32, #tpu.memory_space<vmem>>
      %dma_wait3A_111 = tpu.memref_squeeze %dma_wait3A_110 : memref<1x128x128xf32, #tpu.memory_space<vmem>> -> memref<128x128xf32, #tpu.memory_space<vmem>>
      %dma_wait3A_112 = arith.constant 0 : i32
      %dma_wait3A_113 = tpu.memref_slice %arg7[%add3A_106, %dma_wait3A_112] : memref<40x128xi32, #tpu.memory_space<vmem>> -> memref<1x128xi32, #tpu.memory_space<vmem>>
      %dma_wait3A_114 = tpu.memref_squeeze %dma_wait3A_113 : memref<1x128xi32, #tpu.memory_space<vmem>> -> memref<128xi32, #tpu.memory_space<vmem>>
      %dma_wait3A_115 = arith.constant 0 : i32
      %dma_wait3A_116 = arith.constant 0 : i32
      %dma_wait3A_117 = tpu.memref_slice %arg5[%dma_wait3A_115, %dma_wait3A_116] : memref<10000x128xf32, #tpu.memory_space<hbm>> -> memref<10000x128xf32, #tpu.memory_space<hbm>>
      tpu.wait_indirect_dma semaphore(%arg12 : memref<!tpu.dma_semaphore, #tpu.memory_space<semaphore_mem>>) src(%dma_wait3A_117 : memref<10000x128xf32, #tpu.memory_space<hbm>>) dst(%dma_wait3A_111 : memref<128x128xf32, #tpu.memory_space<vmem>>)
      %run_scoped3A_118 = arith.constant 1 : i32
      "tpu.region"() ({
        %run_scoped3A_127 = tpu.sem_alloc : memref<!tpu.dma_semaphore, #tpu.memory_space<semaphore_mem>>
        %dma_start3A_128 = arith.constant 0 : i32
        %dma_start3A_129 = arith.constant 0 : i32
        %dma_start3A_130 = tpu.memref_slice %arg9[%run_scoped3A_118, %dma_start3A_128, %dma_start3A_129] : memref<2x128x128xf32, #tpu.memory_space<vmem>> -> memref<1x128x128xf32, #tpu.memory_space<vmem>>
        %dma_start3A_131 = tpu.memref_squeeze %dma_start3A_130 : memref<1x128x128xf32, #tpu.memory_space<vmem>> -> memref<128x128xf32, #tpu.memory_space<vmem>>
        %dma_start3A_132 = arith.constant 0 : i32
        %dma_start3A_133 = tpu.memref_slice %arg8[%add3A_106, %dma_start3A_132] : memref<40x128xi32, #tpu.memory_space<vmem>> -> memref<1x128xi32, #tpu.memory_space<vmem>>
        %dma_start3A_134 = tpu.memref_squeeze %dma_start3A_133 : memref<1x128xi32, #tpu.memory_space<vmem>> -> memref<128xi32, #tpu.memory_space<vmem>>
        %dma_start3A_135 = arith.constant 0 : i32
        %dma_start3A_136 = arith.constant 0 : i32
        %dma_start3A_137 = tpu.memref_slice %arg10[%dma_start3A_135, %dma_start3A_136] : memref<10112x128xf32, #tpu.memory_space<vmem_shared>> -> memref<10112x128xf32, #tpu.memory_space<vmem_shared>>
        tpu.enqueue_indirect_dma source(%dma_start3A_131 : memref<128x128xf32, #tpu.memory_space<vmem>>) target(%dma_start3A_137 : memref<10112x128xf32, #tpu.memory_space<vmem_shared>>) offsets(%dma_start3A_134 : memref<128xi32, #tpu.memory_space<vmem>>) semaphore(%run_scoped3A_127 : memref<!tpu.dma_semaphore, #tpu.memory_space<semaphore_mem>>) {add = true}
        %dma_wait3A_138 = arith.constant 0 : i32
        %dma_wait3A_139 = arith.constant 0 : i32
        %dma_wait3A_140 = tpu.memref_slice %arg9[%run_scoped3A_118, %dma_wait3A_138, %dma_wait3A_139] : memref<2x128x128xf32, #tpu.memory_space<vmem>> -> memref<1x128x128xf32, #tpu.memory_space<vmem>>
        %dma_wait3A_141 = tpu.memref_squeeze %dma_wait3A_140 : memref<1x128x128xf32, #tpu.memory_space<vmem>> -> memref<128x128xf32, #tpu.memory_space<vmem>>
        %dma_wait3A_142 = arith.constant 0 : i32
        %dma_wait3A_143 = tpu.memref_slice %arg8[%add3A_106, %dma_wait3A_142] : memref<40x128xi32, #tpu.memory_space<vmem>> -> memref<1x128xi32, #tpu.memory_space<vmem>>
        %dma_wait3A_144 = tpu.memref_squeeze %dma_wait3A_143 : memref<1x128xi32, #tpu.memory_space<vmem>> -> memref<128xi32, #tpu.memory_space<vmem>>
        %dma_wait3A_145 = arith.constant 0 : i32
        %dma_wait3A_146 = arith.constant 0 : i32
        %dma_wait3A_147 = tpu.memref_slice %arg10[%dma_wait3A_145, %dma_wait3A_146] : memref<10112x128xf32, #tpu.memory_space<vmem_shared>> -> memref<10112x128xf32, #tpu.memory_space<vmem_shared>>
        tpu.wait_indirect_dma semaphore(%run_scoped3A_127 : memref<!tpu.dma_semaphore, #tpu.memory_space<semaphore_mem>>) src(%dma_wait3A_141 : memref<128x128xf32, #tpu.memory_space<vmem>>) dst(%dma_wait3A_147 : memref<10112x128xf32, #tpu.memory_space<vmem_shared>>)
        tpu.yield
      }) : () -> ()
      %add3A_119 = arith.constant 2 : i32
      %add3A_120 = arith.addi %add3A_106, %add3A_119 : i32
      %lt3A_121 = arith.constant 40 : i32
      %lt3A_122 = arith.cmpi slt, %add3A_120, %lt3A_121 : i32
      %convert_element_type3A_123 = arith.extui %lt3A_122 : i1 to i32
      %cond3A_124 = arith.constant 1 : i32
      %cond3A_125 = arith.constant 0 : i32
      %cond3A_126 = arith.cmpi ne, %convert_element_type3A_123, %cond3A_125 : i32
      scf.if %cond3A_126 {
        %add3A_127 = arith.constant 2 : i32
        %add3A_128 = arith.addi %add3A_106, %add3A_127 : i32
        %dma_start3A_129 = arith.constant 0 : i32
        %dma_start3A_130 = arith.constant 0 : i32
        %dma_start3A_131 = tpu.memref_slice %arg9[%cond3A_124, %dma_start3A_129, %dma_start3A_130] : memref<2x128x128xf32, #tpu.memory_space<vmem>> -> memref<1x128x128xf32, #tpu.memory_space<vmem>>
        %dma_start3A_132 = tpu.memref_squeeze %dma_start3A_131 : memref<1x128x128xf32, #tpu.memory_space<vmem>> -> memref<128x128xf32, #tpu.memory_space<vmem>>
        %dma_start3A_133 = arith.constant 0 : i32
        %dma_start3A_134 = tpu.memref_slice %arg7[%add3A_128, %dma_start3A_133] : memref<40x128xi32, #tpu.memory_space<vmem>> -> memref<1x128xi32, #tpu.memory_space<vmem>>
        %dma_start3A_135 = tpu.memref_squeeze %dma_start3A_134 : memref<1x128xi32, #tpu.memory_space<vmem>> -> memref<128xi32, #tpu.memory_space<vmem>>
        %dma_start3A_136 = arith.constant 0 : i32
        %dma_start3A_137 = arith.constant 0 : i32
        %dma_start3A_138 = tpu.memref_slice %arg5[%dma_start3A_136, %dma_start3A_137] : memref<10000x128xf32, #tpu.memory_space<hbm>> -> memref<10000x128xf32, #tpu.memory_space<hbm>>
        tpu.enqueue_indirect_dma source(%dma_start3A_138 : memref<10000x128xf32, #tpu.memory_space<hbm>>) target(%dma_start3A_132 : memref<128x128xf32, #tpu.memory_space<vmem>>) offsets(%dma_start3A_135 : memref<128xi32, #tpu.memory_space<vmem>>) semaphore(%arg12 : memref<!tpu.dma_semaphore, #tpu.memory_space<semaphore_mem>>)
      } else {
      }
    }
    %scan3A_37 = arith.constant 20 : i32
    %mul3A_38 = arith.constant 80 : i32
    %mul3A_39 = arith.muli %add3A, %mul3A_38 : i32
    %add3A_40 = arith.constant 40 : i32
    %add3A_41 = arith.addi %mul3A_39, %add3A_40 : i32
    "tpu.region"() ({
      %run_scoped3A = tpu.sem_alloc : memref<!tpu.dma_semaphore, #tpu.memory_space<semaphore_mem>>
      %dma_start3A_83 = arith.constant 0 : i32
      %dma_start3A_84 = tpu.memref_slice %arg2[%add3A_41, %dma_start3A_83] : memref<2560x128xi32, #tpu.memory_space<hbm>> -> memref<40x128xi32, #tpu.memory_space<hbm>>
      %dma_start3A_85 = arith.constant 0 : i32
      %dma_start3A_86 = tpu.memref_slice %arg2[%add3A_41, %dma_start3A_85] : memref<2560x128xi32, #tpu.memory_space<hbm>> -> memref<40x128xi32, #tpu.memory_space<hbm>>
      tpu.enqueue_dma source(%dma_start3A_86 : memref<40x128xi32, #tpu.memory_space<hbm>>) target(%arg7 : memref<40x128xi32, #tpu.memory_space<vmem>>) target_semaphore(%run_scoped3A : memref<!tpu.dma_semaphore, #tpu.memory_space<semaphore_mem>>)
      %dma_wait3A = arith.constant 0 : i32
      %dma_wait3A_87 = tpu.memref_slice %arg2[%add3A_41, %dma_wait3A] : memref<2560x128xi32, #tpu.memory_space<hbm>> -> memref<40x128xi32, #tpu.memory_space<hbm>>
      %dma_wait3A_88 = arith.constant 0 : i32
      %dma_wait3A_89 = tpu.memref_slice %arg2[%add3A_41, %dma_wait3A_88] : memref<2560x128xi32, #tpu.memory_space<hbm>> -> memref<40x128xi32, #tpu.memory_space<hbm>>
      tpu.wait_dma2 semaphore(%run_scoped3A : memref<!tpu.dma_semaphore, #tpu.memory_space<semaphore_mem>>) src(%dma_wait3A_89 : memref<40x128xi32, #tpu.memory_space<hbm>>) dst(%arg7 : memref<40x128xi32, #tpu.memory_space<vmem>>)
      tpu.yield
    }) : () -> ()
    %mul3A_42 = arith.constant 80 : i32
    %mul3A_43 = arith.muli %add3A, %mul3A_42 : i32
    %add3A_44 = arith.constant 40 : i32
    %add3A_45 = arith.addi %mul3A_43, %add3A_44 : i32
    "tpu.region"() ({
      %run_scoped3A = tpu.sem_alloc : memref<!tpu.dma_semaphore, #tpu.memory_space<semaphore_mem>>
      %dma_start3A_83 = arith.constant 0 : i32
      %dma_start3A_84 = tpu.memref_slice %arg3[%add3A_45, %dma_start3A_83] : memref<2560x128xi32, #tpu.memory_space<hbm>> -> memref<40x128xi32, #tpu.memory_space<hbm>>
      %dma_start3A_85 = arith.constant 0 : i32
      %dma_start3A_86 = tpu.memref_slice %arg3[%add3A_45, %dma_start3A_85] : memref<2560x128xi32, #tpu.memory_space<hbm>> -> memref<40x128xi32, #tpu.memory_space<hbm>>
      tpu.enqueue_dma source(%dma_start3A_86 : memref<40x128xi32, #tpu.memory_space<hbm>>) target(%arg8 : memref<40x128xi32, #tpu.memory_space<vmem>>) target_semaphore(%run_scoped3A : memref<!tpu.dma_semaphore, #tpu.memory_space<semaphore_mem>>)
      %dma_wait3A = arith.constant 0 : i32
      %dma_wait3A_87 = tpu.memref_slice %arg3[%add3A_45, %dma_wait3A] : memref<2560x128xi32, #tpu.memory_space<hbm>> -> memref<40x128xi32, #tpu.memory_space<hbm>>
      %dma_wait3A_88 = arith.constant 0 : i32
      %dma_wait3A_89 = tpu.memref_slice %arg3[%add3A_45, %dma_wait3A_88] : memref<2560x128xi32, #tpu.memory_space<hbm>> -> memref<40x128xi32, #tpu.memory_space<hbm>>
      tpu.wait_dma2 semaphore(%run_scoped3A : memref<!tpu.dma_semaphore, #tpu.memory_space<semaphore_mem>>) src(%dma_wait3A_89 : memref<40x128xi32, #tpu.memory_space<hbm>>) dst(%arg8 : memref<40x128xi32, #tpu.memory_space<vmem>>)
      tpu.yield
    }) : () -> ()
    %dma_start3A_46 = arith.constant 0 : i32
    %dma_start3A_47 = arith.constant 0 : i32
    %dma_start3A_48 = arith.constant 0 : i32
    %dma_start3A_49 = arith.constant 0 : i32
    %dma_start3A_50 = tpu.memref_slice %arg9[%dma_start3A_47, %dma_start3A_48, %dma_start3A_49] : memref<2x128x128xf32, #tpu.memory_space<vmem>> -> memref<1x128x128xf32, #tpu.memory_space<vmem>>
    %dma_start3A_51 = tpu.memref_squeeze %dma_start3A_50 : memref<1x128x128xf32, #tpu.memory_space<vmem>> -> memref<128x128xf32, #tpu.memory_space<vmem>>
    %dma_start3A_52 = arith.constant 0 : i32
    %dma_start3A_53 = tpu.memref_slice %arg7[%dma_start3A_46, %dma_start3A_52] : memref<40x128xi32, #tpu.memory_space<vmem>> -> memref<1x128xi32, #tpu.memory_space<vmem>>
    %dma_start3A_54 = tpu.memref_squeeze %dma_start3A_53 : memref<1x128xi32, #tpu.memory_space<vmem>> -> memref<128xi32, #tpu.memory_space<vmem>>
    %dma_start3A_55 = arith.constant 0 : i32
    %dma_start3A_56 = arith.constant 0 : i32
    %dma_start3A_57 = tpu.memref_slice %arg5[%dma_start3A_55, %dma_start3A_56] : memref<10000x128xf32, #tpu.memory_space<hbm>> -> memref<10000x128xf32, #tpu.memory_space<hbm>>
    tpu.enqueue_indirect_dma source(%dma_start3A_57 : memref<10000x128xf32, #tpu.memory_space<hbm>>) target(%dma_start3A_51 : memref<128x128xf32, #tpu.memory_space<vmem>>) offsets(%dma_start3A_54 : memref<128xi32, #tpu.memory_space<vmem>>) semaphore(%arg11 : memref<!tpu.dma_semaphore, #tpu.memory_space<semaphore_mem>>)
    %dma_start3A_58 = arith.constant 1 : i32
    %dma_start3A_59 = arith.constant 1 : i32
    %dma_start3A_60 = arith.constant 0 : i32
    %dma_start3A_61 = arith.constant 0 : i32
    %dma_start3A_62 = tpu.memref_slice %arg9[%dma_start3A_59, %dma_start3A_60, %dma_start3A_61] : memref<2x128x128xf32, #tpu.memory_space<vmem>> -> memref<1x128x128xf32, #tpu.memory_space<vmem>>
    %dma_start3A_63 = tpu.memref_squeeze %dma_start3A_62 : memref<1x128x128xf32, #tpu.memory_space<vmem>> -> memref<128x128xf32, #tpu.memory_space<vmem>>
    %dma_start3A_64 = arith.constant 0 : i32
    %dma_start3A_65 = tpu.memref_slice %arg7[%dma_start3A_58, %dma_start3A_64] : memref<40x128xi32, #tpu.memory_space<vmem>> -> memref<1x128xi32, #tpu.memory_space<vmem>>
    %dma_start3A_66 = tpu.memref_squeeze %dma_start3A_65 : memref<1x128xi32, #tpu.memory_space<vmem>> -> memref<128xi32, #tpu.memory_space<vmem>>
    %dma_start3A_67 = arith.constant 0 : i32
    %dma_start3A_68 = arith.constant 0 : i32
    %dma_start3A_69 = tpu.memref_slice %arg5[%dma_start3A_67, %dma_start3A_68] : memref<10000x128xf32, #tpu.memory_space<hbm>> -> memref<10000x128xf32, #tpu.memory_space<hbm>>
    tpu.enqueue_indirect_dma source(%dma_start3A_69 : memref<10000x128xf32, #tpu.memory_space<hbm>>) target(%dma_start3A_63 : memref<128x128xf32, #tpu.memory_space<vmem>>) offsets(%dma_start3A_66 : memref<128xi32, #tpu.memory_space<vmem>>) semaphore(%arg12 : memref<!tpu.dma_semaphore, #tpu.memory_space<semaphore_mem>>)
    %scan3A_70 = arith.constant 0 : i32
    %scan3A_71 = arith.constant 20 : i32
    %scan3A_72 = arith.addi %scan3A_70, %scan3A_71 : i32
    %scan3A_73 = arith.constant 1 : i32
    scf.for %scan3A_83 = %scan3A_70 to %scan3A_72 step %scan3A_73  : i32 {
      %mul3A_84 = arith.constant 2 : i32
      %mul3A_85 = arith.muli %scan3A_83, %mul3A_84 : i32
      %add3A_86 = arith.constant 0 : i32
      %add3A_87 = arith.addi %add3A_86, %mul3A_85 : i32
      %add3A_88 = arith.constant 0 : i32
      %add3A_89 = arith.addi %add3A_87, %add3A_88 : i32
      %dma_wait3A = arith.constant 0 : i32
      %dma_wait3A_90 = arith.constant 0 : i32
      %dma_wait3A_91 = arith.constant 0 : i32
      %dma_wait3A_92 = tpu.memref_slice %arg9[%dma_wait3A, %dma_wait3A_90, %dma_wait3A_91] : memref<2x128x128xf32, #tpu.memory_space<vmem>> -> memref<1x128x128xf32, #tpu.memory_space<vmem>>
      %dma_wait3A_93 = tpu.memref_squeeze %dma_wait3A_92 : memref<1x128x128xf32, #tpu.memory_space<vmem>> -> memref<128x128xf32, #tpu.memory_space<vmem>>
      %dma_wait3A_94 = arith.constant 0 : i32
      %dma_wait3A_95 = tpu.memref_slice %arg7[%add3A_89, %dma_wait3A_94] : memref<40x128xi32, #tpu.memory_space<vmem>> -> memref<1x128xi32, #tpu.memory_space<vmem>>
      %dma_wait3A_96 = tpu.memref_squeeze %dma_wait3A_95 : memref<1x128xi32, #tpu.memory_space<vmem>> -> memref<128xi32, #tpu.memory_space<vmem>>
      %dma_wait3A_97 = arith.constant 0 : i32
      %dma_wait3A_98 = arith.constant 0 : i32
      %dma_wait3A_99 = tpu.memref_slice %arg5[%dma_wait3A_97, %dma_wait3A_98] : memref<10000x128xf32, #tpu.memory_space<hbm>> -> memref<10000x128xf32, #tpu.memory_space<hbm>>
      tpu.wait_indirect_dma semaphore(%arg11 : memref<!tpu.dma_semaphore, #tpu.memory_space<semaphore_mem>>) src(%dma_wait3A_99 : memref<10000x128xf32, #tpu.memory_space<hbm>>) dst(%dma_wait3A_93 : memref<128x128xf32, #tpu.memory_space<vmem>>)
      %run_scoped3A = arith.constant 0 : i32
      "tpu.region"() ({
        %run_scoped3A_127 = tpu.sem_alloc : memref<!tpu.dma_semaphore, #tpu.memory_space<semaphore_mem>>
        %dma_start3A_128 = arith.constant 0 : i32
        %dma_start3A_129 = arith.constant 0 : i32
        %dma_start3A_130 = tpu.memref_slice %arg9[%run_scoped3A, %dma_start3A_128, %dma_start3A_129] : memref<2x128x128xf32, #tpu.memory_space<vmem>> -> memref<1x128x128xf32, #tpu.memory_space<vmem>>
        %dma_start3A_131 = tpu.memref_squeeze %dma_start3A_130 : memref<1x128x128xf32, #tpu.memory_space<vmem>> -> memref<128x128xf32, #tpu.memory_space<vmem>>
        %dma_start3A_132 = arith.constant 0 : i32
        %dma_start3A_133 = tpu.memref_slice %arg8[%add3A_89, %dma_start3A_132] : memref<40x128xi32, #tpu.memory_space<vmem>> -> memref<1x128xi32, #tpu.memory_space<vmem>>
        %dma_start3A_134 = tpu.memref_squeeze %dma_start3A_133 : memref<1x128xi32, #tpu.memory_space<vmem>> -> memref<128xi32, #tpu.memory_space<vmem>>
        %dma_start3A_135 = arith.constant 0 : i32
        %dma_start3A_136 = arith.constant 0 : i32
        %dma_start3A_137 = tpu.memref_slice %arg10[%dma_start3A_135, %dma_start3A_136] : memref<10112x128xf32, #tpu.memory_space<vmem_shared>> -> memref<10112x128xf32, #tpu.memory_space<vmem_shared>>
        tpu.enqueue_indirect_dma source(%dma_start3A_131 : memref<128x128xf32, #tpu.memory_space<vmem>>) target(%dma_start3A_137 : memref<10112x128xf32, #tpu.memory_space<vmem_shared>>) offsets(%dma_start3A_134 : memref<128xi32, #tpu.memory_space<vmem>>) semaphore(%run_scoped3A_127 : memref<!tpu.dma_semaphore, #tpu.memory_space<semaphore_mem>>) {add = true}
        %dma_wait3A_138 = arith.constant 0 : i32
        %dma_wait3A_139 = arith.constant 0 : i32
        %dma_wait3A_140 = tpu.memref_slice %arg9[%run_scoped3A, %dma_wait3A_138, %dma_wait3A_139] : memref<2x128x128xf32, #tpu.memory_space<vmem>> -> memref<1x128x128xf32, #tpu.memory_space<vmem>>
        %dma_wait3A_141 = tpu.memref_squeeze %dma_wait3A_140 : memref<1x128x128xf32, #tpu.memory_space<vmem>> -> memref<128x128xf32, #tpu.memory_space<vmem>>
        %dma_wait3A_142 = arith.constant 0 : i32
        %dma_wait3A_143 = tpu.memref_slice %arg8[%add3A_89, %dma_wait3A_142] : memref<40x128xi32, #tpu.memory_space<vmem>> -> memref<1x128xi32, #tpu.memory_space<vmem>>
        %dma_wait3A_144 = tpu.memref_squeeze %dma_wait3A_143 : memref<1x128xi32, #tpu.memory_space<vmem>> -> memref<128xi32, #tpu.memory_space<vmem>>
        %dma_wait3A_145 = arith.constant 0 : i32
        %dma_wait3A_146 = arith.constant 0 : i32
        %dma_wait3A_147 = tpu.memref_slice %arg10[%dma_wait3A_145, %dma_wait3A_146] : memref<10112x128xf32, #tpu.memory_space<vmem_shared>> -> memref<10112x128xf32, #tpu.memory_space<vmem_shared>>
        tpu.wait_indirect_dma semaphore(%run_scoped3A_127 : memref<!tpu.dma_semaphore, #tpu.memory_space<semaphore_mem>>) src(%dma_wait3A_141 : memref<128x128xf32, #tpu.memory_space<vmem>>) dst(%dma_wait3A_147 : memref<10112x128xf32, #tpu.memory_space<vmem_shared>>)
        tpu.yield
      }) : () -> ()
      %add3A_100 = arith.constant 2 : i32
      %add3A_101 = arith.addi %add3A_89, %add3A_100 : i32
      %lt3A = arith.constant 40 : i32
      %lt3A_102 = arith.cmpi slt, %add3A_101, %lt3A : i32
      %convert_element_type3A = arith.extui %lt3A_102 : i1 to i32
      %cond3A = arith.constant 0 : i32
      %cond3A_103 = arith.constant 0 : i32
      %cond3A_104 = arith.cmpi ne, %convert_element_type3A, %cond3A_103 : i32
      scf.if %cond3A_104 {
        %add3A_127 = arith.constant 2 : i32
        %add3A_128 = arith.addi %add3A_89, %add3A_127 : i32
        %dma_start3A_129 = arith.constant 0 : i32
        %dma_start3A_130 = arith.constant 0 : i32
        %dma_start3A_131 = tpu.memref_slice %arg9[%cond3A, %dma_start3A_129, %dma_start3A_130] : memref<2x128x128xf32, #tpu.memory_space<vmem>> -> memref<1x128x128xf32, #tpu.memory_space<vmem>>
        %dma_start3A_132 = tpu.memref_squeeze %dma_start3A_131 : memref<1x128x128xf32, #tpu.memory_space<vmem>> -> memref<128x128xf32, #tpu.memory_space<vmem>>
        %dma_start3A_133 = arith.constant 0 : i32
        %dma_start3A_134 = tpu.memref_slice %arg7[%add3A_128, %dma_start3A_133] : memref<40x128xi32, #tpu.memory_space<vmem>> -> memref<1x128xi32, #tpu.memory_space<vmem>>
        %dma_start3A_135 = tpu.memref_squeeze %dma_start3A_134 : memref<1x128xi32, #tpu.memory_space<vmem>> -> memref<128xi32, #tpu.memory_space<vmem>>
        %dma_start3A_136 = arith.constant 0 : i32
        %dma_start3A_137 = arith.constant 0 : i32
        %dma_start3A_138 = tpu.memref_slice %arg5[%dma_start3A_136, %dma_start3A_137] : memref<10000x128xf32, #tpu.memory_space<hbm>> -> memref<10000x128xf32, #tpu.memory_space<hbm>>
        tpu.enqueue_indirect_dma source(%dma_start3A_138 : memref<10000x128xf32, #tpu.memory_space<hbm>>) target(%dma_start3A_132 : memref<128x128xf32, #tpu.memory_space<vmem>>) offsets(%dma_start3A_135 : memref<128xi32, #tpu.memory_space<vmem>>) semaphore(%arg11 : memref<!tpu.dma_semaphore, #tpu.memory_space<semaphore_mem>>)
      } else {
      }
      %add3A_105 = arith.constant 1 : i32
      %add3A_106 = arith.addi %add3A_87, %add3A_105 : i32
      %dma_wait3A_107 = arith.constant 1 : i32
      %dma_wait3A_108 = arith.constant 0 : i32
      %dma_wait3A_109 = arith.constant 0 : i32
      %dma_wait3A_110 = tpu.memref_slice %arg9[%dma_wait3A_107, %dma_wait3A_108, %dma_wait3A_109] : memref<2x128x128xf32, #tpu.memory_space<vmem>> -> memref<1x128x128xf32, #tpu.memory_space<vmem>>
      %dma_wait3A_111 = tpu.memref_squeeze %dma_wait3A_110 : memref<1x128x128xf32, #tpu.memory_space<vmem>> -> memref<128x128xf32, #tpu.memory_space<vmem>>
      %dma_wait3A_112 = arith.constant 0 : i32
      %dma_wait3A_113 = tpu.memref_slice %arg7[%add3A_106, %dma_wait3A_112] : memref<40x128xi32, #tpu.memory_space<vmem>> -> memref<1x128xi32, #tpu.memory_space<vmem>>
      %dma_wait3A_114 = tpu.memref_squeeze %dma_wait3A_113 : memref<1x128xi32, #tpu.memory_space<vmem>> -> memref<128xi32, #tpu.memory_space<vmem>>
      %dma_wait3A_115 = arith.constant 0 : i32
      %dma_wait3A_116 = arith.constant 0 : i32
      %dma_wait3A_117 = tpu.memref_slice %arg5[%dma_wait3A_115, %dma_wait3A_116] : memref<10000x128xf32, #tpu.memory_space<hbm>> -> memref<10000x128xf32, #tpu.memory_space<hbm>>
      tpu.wait_indirect_dma semaphore(%arg12 : memref<!tpu.dma_semaphore, #tpu.memory_space<semaphore_mem>>) src(%dma_wait3A_117 : memref<10000x128xf32, #tpu.memory_space<hbm>>) dst(%dma_wait3A_111 : memref<128x128xf32, #tpu.memory_space<vmem>>)
      %run_scoped3A_118 = arith.constant 1 : i32
      "tpu.region"() ({
        %run_scoped3A_127 = tpu.sem_alloc : memref<!tpu.dma_semaphore, #tpu.memory_space<semaphore_mem>>
        %dma_start3A_128 = arith.constant 0 : i32
        %dma_start3A_129 = arith.constant 0 : i32
        %dma_start3A_130 = tpu.memref_slice %arg9[%run_scoped3A_118, %dma_start3A_128, %dma_start3A_129] : memref<2x128x128xf32, #tpu.memory_space<vmem>> -> memref<1x128x128xf32, #tpu.memory_space<vmem>>
        %dma_start3A_131 = tpu.memref_squeeze %dma_start3A_130 : memref<1x128x128xf32, #tpu.memory_space<vmem>> -> memref<128x128xf32, #tpu.memory_space<vmem>>
        %dma_start3A_132 = arith.constant 0 : i32
        %dma_start3A_133 = tpu.memref_slice %arg8[%add3A_106, %dma_start3A_132] : memref<40x128xi32, #tpu.memory_space<vmem>> -> memref<1x128xi32, #tpu.memory_space<vmem>>
        %dma_start3A_134 = tpu.memref_squeeze %dma_start3A_133 : memref<1x128xi32, #tpu.memory_space<vmem>> -> memref<128xi32, #tpu.memory_space<vmem>>
        %dma_start3A_135 = arith.constant 0 : i32
        %dma_start3A_136 = arith.constant 0 : i32
        %dma_start3A_137 = tpu.memref_slice %arg10[%dma_start3A_135, %dma_start3A_136] : memref<10112x128xf32, #tpu.memory_space<vmem_shared>> -> memref<10112x128xf32, #tpu.memory_space<vmem_shared>>
        tpu.enqueue_indirect_dma source(%dma_start3A_131 : memref<128x128xf32, #tpu.memory_space<vmem>>) target(%dma_start3A_137 : memref<10112x128xf32, #tpu.memory_space<vmem_shared>>) offsets(%dma_start3A_134 : memref<128xi32, #tpu.memory_space<vmem>>) semaphore(%run_scoped3A_127 : memref<!tpu.dma_semaphore, #tpu.memory_space<semaphore_mem>>) {add = true}
        %dma_wait3A_138 = arith.constant 0 : i32
        %dma_wait3A_139 = arith.constant 0 : i32
        %dma_wait3A_140 = tpu.memref_slice %arg9[%run_scoped3A_118, %dma_wait3A_138, %dma_wait3A_139] : memref<2x128x128xf32, #tpu.memory_space<vmem>> -> memref<1x128x128xf32, #tpu.memory_space<vmem>>
        %dma_wait3A_141 = tpu.memref_squeeze %dma_wait3A_140 : memref<1x128x128xf32, #tpu.memory_space<vmem>> -> memref<128x128xf32, #tpu.memory_space<vmem>>
        %dma_wait3A_142 = arith.constant 0 : i32
        %dma_wait3A_143 = tpu.memref_slice %arg8[%add3A_106, %dma_wait3A_142] : memref<40x128xi32, #tpu.memory_space<vmem>> -> memref<1x128xi32, #tpu.memory_space<vmem>>
        %dma_wait3A_144 = tpu.memref_squeeze %dma_wait3A_143 : memref<1x128xi32, #tpu.memory_space<vmem>> -> memref<128xi32, #tpu.memory_space<vmem>>
        %dma_wait3A_145 = arith.constant 0 : i32
        %dma_wait3A_146 = arith.constant 0 : i32
        %dma_wait3A_147 = tpu.memref_slice %arg10[%dma_wait3A_145, %dma_wait3A_146] : memref<10112x128xf32, #tpu.memory_space<vmem_shared>> -> memref<10112x128xf32, #tpu.memory_space<vmem_shared>>
        tpu.wait_indirect_dma semaphore(%run_scoped3A_127 : memref<!tpu.dma_semaphore, #tpu.memory_space<semaphore_mem>>) src(%dma_wait3A_141 : memref<128x128xf32, #tpu.memory_space<vmem>>) dst(%dma_wait3A_147 : memref<10112x128xf32, #tpu.memory_space<vmem_shared>>)
        tpu.yield
      }) : () -> ()
      %add3A_119 = arith.constant 2 : i32
      %add3A_120 = arith.addi %add3A_106, %add3A_119 : i32
      %lt3A_121 = arith.constant 40 : i32
      %lt3A_122 = arith.cmpi slt, %add3A_120, %lt3A_121 : i32
      %convert_element_type3A_123 = arith.extui %lt3A_122 : i1 to i32
      %cond3A_124 = arith.constant 1 : i32
      %cond3A_125 = arith.constant 0 : i32
      %cond3A_126 = arith.cmpi ne, %convert_element_type3A_123, %cond3A_125 : i32
      scf.if %cond3A_126 {
        %add3A_127 = arith.constant 2 : i32
        %add3A_128 = arith.addi %add3A_106, %add3A_127 : i32
        %dma_start3A_129 = arith.constant 0 : i32
        %dma_start3A_130 = arith.constant 0 : i32
        %dma_start3A_131 = tpu.memref_slice %arg9[%cond3A_124, %dma_start3A_129, %dma_start3A_130] : memref<2x128x128xf32, #tpu.memory_space<vmem>> -> memref<1x128x128xf32, #tpu.memory_space<vmem>>
        %dma_start3A_132 = tpu.memref_squeeze %dma_start3A_131 : memref<1x128x128xf32, #tpu.memory_space<vmem>> -> memref<128x128xf32, #tpu.memory_space<vmem>>
        %dma_start3A_133 = arith.constant 0 : i32
        %dma_start3A_134 = tpu.memref_slice %arg7[%add3A_128, %dma_start3A_133] : memref<40x128xi32, #tpu.memory_space<vmem>> -> memref<1x128xi32, #tpu.memory_space<vmem>>
        %dma_start3A_135 = tpu.memref_squeeze %dma_start3A_134 : memref<1x128xi32, #tpu.memory_space<vmem>> -> memref<128xi32, #tpu.memory_space<vmem>>
        %dma_start3A_136 = arith.constant 0 : i32
        %dma_start3A_137 = arith.constant 0 : i32
        %dma_start3A_138 = tpu.memref_slice %arg5[%dma_start3A_136, %dma_start3A_137] : memref<10000x128xf32, #tpu.memory_space<hbm>> -> memref<10000x128xf32, #tpu.memory_space<hbm>>
        tpu.enqueue_indirect_dma source(%dma_start3A_138 : memref<10000x128xf32, #tpu.memory_space<hbm>>) target(%dma_start3A_132 : memref<128x128xf32, #tpu.memory_space<vmem>>) offsets(%dma_start3A_135 : memref<128xi32, #tpu.memory_space<vmem>>) semaphore(%arg12 : memref<!tpu.dma_semaphore, #tpu.memory_space<semaphore_mem>>)
      } else {
      }
    }
    %scan3A_74 = arith.constant 20 : i32
    %barrier3A_75 = arith.constant 0 : index
    tpu.barrier barrier_id(%barrier3A_75)
    %mul3A_76 = arith.constant 10112 : i32
    %mul3A_77 = arith.muli %arg0, %mul3A_76 : i32
    %mul3A_78 = arith.constant 632 : i32
    %mul3A_79 = arith.muli %arg1, %mul3A_78 : i32
    %add3A_80 = arith.addi %mul3A_77, %mul3A_79 : i32
    %mul3A_81 = arith.constant 632 : i32
    %mul3A_82 = arith.muli %arg1, %mul3A_81 : i32
    "tpu.region"() ({
      %run_scoped3A = tpu.sem_alloc : memref<!tpu.dma_semaphore, #tpu.memory_space<semaphore_mem>>
      %dma_start3A_83 = arith.constant 0 : i32
      %dma_start3A_84 = tpu.memref_slice %arg6[%add3A_80, %dma_start3A_83] : memref<20224x128xf32, #tpu.memory_space<hbm>> -> memref<632x128xf32, #tpu.memory_space<hbm>>
      %dma_start3A_85 = arith.constant 0 : i32
      %dma_start3A_86 = tpu.memref_slice %arg10[%mul3A_82, %dma_start3A_85] : memref<10112x128xf32, #tpu.memory_space<vmem_shared>> -> memref<632x128xf32, #tpu.memory_space<vmem_shared>>
      tpu.enqueue_dma source(%dma_start3A_86 : memref<632x128xf32, #tpu.memory_space<vmem_shared>>) target(%dma_start3A_84 : memref<632x128xf32, #tpu.memory_space<hbm>>) target_semaphore(%run_scoped3A : memref<!tpu.dma_semaphore, #tpu.memory_space<semaphore_mem>>)
      %dma_wait3A = arith.constant 0 : i32
      %dma_wait3A_87 = tpu.memref_slice %arg6[%add3A_80, %dma_wait3A] : memref<20224x128xf32, #tpu.memory_space<hbm>> -> memref<632x128xf32, #tpu.memory_space<hbm>>
      %dma_wait3A_88 = arith.constant 0 : i32
      %dma_wait3A_89 = tpu.memref_slice %arg10[%mul3A_82, %dma_wait3A_88] : memref<10112x128xf32, #tpu.memory_space<vmem_shared>> -> memref<632x128xf32, #tpu.memory_space<vmem_shared>>
      tpu.wait_dma2 semaphore(%run_scoped3A : memref<!tpu.dma_semaphore, #tpu.memory_space<semaphore_mem>>) src(%dma_wait3A_89 : memref<632x128xf32, #tpu.memory_space<vmem_shared>>) dst(%dma_wait3A_87 : memref<632x128xf32, #tpu.memory_space<hbm>>)
      tpu.yield
    }) : () -> ()
    return
  }
}

module attributes {stable_mosaic.version = 14 : i64} {
  func.func @_embed_body(%arg0: memref<1x10000xi32, #tpu.memory_space<vmem>>, %arg1: memref<28x128xf32, #tpu.memory_space<vmem>>, %arg2: memref<10000x128xf32, #tpu.memory_space<vmem>>) attributes {dimension_semantics = [], scalar_prefetch = 0 : i64, scratch_operands = 0 : i64, tpu.core_type = #tpu.core_type<tc>} {
    %get3A = arith.constant 0 : index
    %get3A_0 = arith.constant 0 : index
    %get3A_1 = vector.load %arg0[%get3A, %get3A_0] : memref<1x10000xi32, #tpu.memory_space<vmem>>, vector<1x10000xi32>
    %iota3A = tpu.iota {dimensions = array<i32: 0>} : vector<28x10000xi32>
    %eq3A = vector.broadcast %get3A_1 : vector<1x10000xi32> to vector<28x10000xi32>
    %eq3A_2 = arith.cmpi eq, %iota3A, %eq3A : vector<28x10000xi32>
    %convert_element_type3A = arith.extui %eq3A_2 : vector<28x10000xi1> to vector<28x10000xi32>
    %convert_element_type3A_3 = arith.sitofp %convert_element_type3A : vector<28x10000xi32> to vector<28x10000xf32>
    %get3A_4 = arith.constant 0 : index
    %get3A_5 = arith.constant 0 : index
    %get3A_6 = vector.load %arg1[%get3A_4, %get3A_5] : memref<28x128xf32, #tpu.memory_space<vmem>>, vector<28x128xf32>
    %dot_general3A = arith.constant dense<0.000000e+00> : vector<10000x128xf32>
    %dot_general3A_7 = tpu.matmul %convert_element_type3A_3, %get3A_6, %dot_general3A {dimension_numbers = #tpu.dot_dimension_numbers<[0], [0], [1], [1], [0, 1, 1, 1], [], []>, precision = #tpu.contract_precision<fp32>, transpose_lhs_hint = false} : vector<28x10000xf32>, vector<28x128xf32>, vector<10000x128xf32> -> vector<10000x128xf32>
    %swap3A = arith.constant 0 : index
    %swap3A_8 = arith.constant 0 : index
    %swap3A_9 = vector.load %arg2[%swap3A, %swap3A_8] : memref<10000x128xf32, #tpu.memory_space<vmem>>, vector<10000x128xf32>
    tpu.vector_store %arg2[%swap3A, %swap3A_8], %dot_general3A_7 {strides = array<i32>} : memref<10000x128xf32, #tpu.memory_space<vmem>>, vector<10000x128xf32>,
    return
  }
}

module attributes {stable_mosaic.version = 14 : i64} {
  func.func @_dense1_body(%arg0: i32, %arg1: memref<2000x128xf32, #tpu.memory_space<vmem>>, %arg2: memref<2000x32xf32, #tpu.memory_space<vmem>>, %arg3: memref<2000x32xf32, #tpu.memory_space<vmem>>, %arg4: memref<32x128xf32, #tpu.memory_space<vmem>>, %arg5: memref<128x128xf32, #tpu.memory_space<vmem>>, %arg6: memref<1x128xf32, #tpu.memory_space<vmem>>, %arg7: memref<128x128xf32, #tpu.memory_space<vmem>>, %arg8: memref<1x128xf32, #tpu.memory_space<vmem>>, %arg9: memref<2000x128xf32, #tpu.memory_space<vmem>>) attributes {dimension_semantics = [#tpu.dimension_semantics<arbitrary>], iteration_bounds = array<i64: 5>, scalar_prefetch = 0 : i64, scratch_operands = 0 : i64, tpu.core_type = #tpu.core_type<tc>, window_params = [{transform_indices = @transform_0, window_bounds = array<i64: 2000, 128>}, {transform_indices = @transform_1, window_bounds = array<i64: 2000, 32>}, {transform_indices = @transform_2, window_bounds = array<i64: 2000, 32>}, {pipeline_mode = #tpu.pipeline_mode<synchronous>, transform_indices = @transform_3, window_bounds = array<i64: 32, 128>}, {pipeline_mode = #tpu.pipeline_mode<synchronous>, transform_indices = @transform_4, window_bounds = array<i64: 128, 128>}, {pipeline_mode = #tpu.pipeline_mode<synchronous>, transform_indices = @transform_5, window_bounds = array<i64: 1, 128>}, {pipeline_mode = #tpu.pipeline_mode<synchronous>, transform_indices = @transform_6, window_bounds = array<i64: 128, 128>}, {pipeline_mode = #tpu.pipeline_mode<synchronous>, transform_indices = @transform_7, window_bounds = array<i64: 1, 128>}, {transform_indices = @transform_8, window_bounds = array<i64: 2000, 128>}]} {
    %get3A = arith.constant 0 : index
    %get3A_0 = arith.constant 0 : index
    %get3A_1 = vector.load %arg2[%get3A, %get3A_0] : memref<2000x32xf32, #tpu.memory_space<vmem>>, vector<2000x32xf32>
    %get3A_2 = arith.constant 0 : index
    %get3A_3 = arith.constant 0 : index
    %get3A_4 = vector.load %arg3[%get3A_2, %get3A_3] : memref<2000x32xf32, #tpu.memory_space<vmem>>, vector<2000x32xf32>
    %add3A = arith.addf %get3A_1, %get3A_4 : vector<2000x32xf32>
    %get3A_5 = arith.constant 0 : index
    %get3A_6 = arith.constant 0 : index
    %get3A_7 = vector.load %arg4[%get3A_5, %get3A_6] : memref<32x128xf32, #tpu.memory_space<vmem>>, vector<32x128xf32>
    %dot_general3A = arith.constant dense<0.000000e+00> : vector<2000x128xf32>
    %dot_general3A_8 = tpu.matmul %add3A, %get3A_7, %dot_general3A {dimension_numbers = #tpu.dot_dimension_numbers<[1], [0], [0], [1], [0, 0, 1, 1], [], []>, precision = #tpu.contract_precision<fp32>, transpose_lhs_hint = false} : vector<2000x32xf32>, vector<32x128xf32>, vector<2000x128xf32> -> vector<2000x128xf32>
    %get3A_9 = arith.constant 0 : index
    %get3A_10 = arith.constant 0 : index
    %get3A_11 = vector.load %arg1[%get3A_9, %get3A_10] : memref<2000x128xf32, #tpu.memory_space<vmem>>, vector<2000x128xf32>
    %add3A_12 = arith.addf %get3A_11, %dot_general3A_8 : vector<2000x128xf32>
    %get3A_13 = arith.constant 0 : index
    %get3A_14 = arith.constant 0 : index
    %get3A_15 = vector.load %arg5[%get3A_13, %get3A_14] : memref<128x128xf32, #tpu.memory_space<vmem>>, vector<128x128xf32>
    %dot_general3A_16 = arith.constant dense<0.000000e+00> : vector<2000x128xf32>
    %dot_general3A_17 = tpu.matmul %add3A_12, %get3A_15, %dot_general3A_16 {dimension_numbers = #tpu.dot_dimension_numbers<[1], [0], [0], [1], [0, 0, 1, 1], [], []>, transpose_lhs_hint = false} : vector<2000x128xf32>, vector<128x128xf32>, vector<2000x128xf32> -> vector<2000x128xf32>
    %get3A_18 = arith.constant 0 : index
    %get3A_19 = arith.constant 0 : index
    %get3A_20 = vector.load %arg6[%get3A_18, %get3A_19] : memref<1x128xf32, #tpu.memory_space<vmem>>, vector<1x128xf32>
    %add3A_21 = vector.broadcast %get3A_20 : vector<1x128xf32> to vector<2000x128xf32>
    %add3A_22 = arith.addf %dot_general3A_17, %add3A_21 : vector<2000x128xf32>
    %max3A = arith.constant 0.000000e+00 : f32
    %max3A_23 = vector.broadcast %max3A : f32 to vector<2000x128xf32>
    %max3A_24 = arith.maximumf %add3A_22, %max3A_23 : vector<2000x128xf32>
    %get3A_25 = arith.constant 0 : index
    %get3A_26 = arith.constant 0 : index
    %get3A_27 = vector.load %arg7[%get3A_25, %get3A_26] : memref<128x128xf32, #tpu.memory_space<vmem>>, vector<128x128xf32>
    %dot_general3A_28 = arith.constant dense<0.000000e+00> : vector<2000x128xf32>
    %dot_general3A_29 = tpu.matmul %max3A_24, %get3A_27, %dot_general3A_28 {dimension_numbers = #tpu.dot_dimension_numbers<[1], [0], [0], [1], [0, 0, 1, 1], [], []>, transpose_lhs_hint = false} : vector<2000x128xf32>, vector<128x128xf32>, vector<2000x128xf32> -> vector<2000x128xf32>
    %get3A_30 = arith.constant 0 : index
    %get3A_31 = arith.constant 0 : index
    %get3A_32 = vector.load %arg8[%get3A_30, %get3A_31] : memref<1x128xf32, #tpu.memory_space<vmem>>, vector<1x128xf32>
    %add3A_33 = vector.broadcast %get3A_32 : vector<1x128xf32> to vector<2000x128xf32>
    %add3A_34 = arith.addf %dot_general3A_29, %add3A_33 : vector<2000x128xf32>
    %swap3A = arith.constant 0 : index
    %swap3A_35 = arith.constant 0 : index
    %swap3A_36 = vector.load %arg9[%swap3A, %swap3A_35] : memref<2000x128xf32, #tpu.memory_space<vmem>>, vector<2000x128xf32>
    tpu.vector_store %arg9[%swap3A, %swap3A_35], %add3A_34 {strides = array<i32>} : memref<2000x128xf32, #tpu.memory_space<vmem>>, vector<2000x128xf32>,
    return
  }
  func.func @transform_0(%arg0: i32) -> (i32, i32) {
    %c0_i32 = arith.constant 0 : i32
    %c0_i32_0 = arith.constant 0 : i32
    return %arg0, %c0_i32 : i32, i32
  }
  func.func @transform_1(%arg0: i32) -> (i32, i32) {
    %c0_i32 = arith.constant 0 : i32
    %c0_i32_0 = arith.constant 0 : i32
    return %arg0, %c0_i32 : i32, i32
  }
  func.func @transform_2(%arg0: i32) -> (i32, i32) {
    %c0_i32 = arith.constant 0 : i32
    %c0_i32_0 = arith.constant 0 : i32
    return %arg0, %c0_i32 : i32, i32
  }
  func.func @transform_3(%arg0: i32) -> (i32, i32) {
    %c0_i32 = arith.constant 0 : i32
    %c0_i32_0 = arith.constant 0 : i32
    %c0_i32_1 = arith.constant 0 : i32
    return %c0_i32, %c0_i32_0 : i32, i32
  }
  func.func @transform_4(%arg0: i32) -> (i32, i32) {
    %c0_i32 = arith.constant 0 : i32
    %c0_i32_0 = arith.constant 0 : i32
    %c0_i32_1 = arith.constant 0 : i32
    return %c0_i32, %c0_i32_0 : i32, i32
  }
  func.func @transform_5(%arg0: i32) -> (i32, i32) {
    %c0_i32 = arith.constant 0 : i32
    %c0_i32_0 = arith.constant 0 : i32
    %c0_i32_1 = arith.constant 0 : i32
    return %c0_i32, %c0_i32_0 : i32, i32
  }
  func.func @transform_6(%arg0: i32) -> (i32, i32) {
    %c0_i32 = arith.constant 0 : i32
    %c0_i32_0 = arith.constant 0 : i32
    %c0_i32_1 = arith.constant 0 : i32
    return %c0_i32, %c0_i32_0 : i32, i32
  }
  func.func @transform_7(%arg0: i32) -> (i32, i32) {
    %c0_i32 = arith.constant 0 : i32
    %c0_i32_0 = arith.constant 0 : i32
    %c0_i32_1 = arith.constant 0 : i32
    return %c0_i32, %c0_i32_0 : i32, i32
  }
  func.func @transform_8(%arg0: i32) -> (i32, i32) {
    %c0_i32 = arith.constant 0 : i32
    %c0_i32_0 = arith.constant 0 : i32
    return %arg0, %c0_i32 : i32, i32
  }
}

module attributes {stable_mosaic.version = 14 : i64} {
  func.func @_dense_body(%arg0: i32, %arg1: memref<2000x128xf32, #tpu.memory_space<vmem>>, %arg2: memref<2000x128xf32, #tpu.memory_space<vmem>>, %arg3: memref<2000x128xf32, #tpu.memory_space<vmem>>, %arg4: memref<128x128xf32, #tpu.memory_space<vmem>>, %arg5: memref<1x128xf32, #tpu.memory_space<vmem>>, %arg6: memref<128x128xf32, #tpu.memory_space<vmem>>, %arg7: memref<1x128xf32, #tpu.memory_space<vmem>>, %arg8: memref<2000x128xf32, #tpu.memory_space<vmem>>) attributes {dimension_semantics = [#tpu.dimension_semantics<arbitrary>], iteration_bounds = array<i64: 5>, scalar_prefetch = 0 : i64, scratch_operands = 0 : i64, tpu.core_type = #tpu.core_type<tc>, window_params = [{transform_indices = @transform_0, window_bounds = array<i64: 2000, 128>}, {transform_indices = @transform_1, window_bounds = array<i64: 2000, 128>}, {transform_indices = @transform_2, window_bounds = array<i64: 2000, 128>}, {pipeline_mode = #tpu.pipeline_mode<synchronous>, transform_indices = @transform_3, window_bounds = array<i64: 128, 128>}, {pipeline_mode = #tpu.pipeline_mode<synchronous>, transform_indices = @transform_4, window_bounds = array<i64: 1, 128>}, {pipeline_mode = #tpu.pipeline_mode<synchronous>, transform_indices = @transform_5, window_bounds = array<i64: 128, 128>}, {pipeline_mode = #tpu.pipeline_mode<synchronous>, transform_indices = @transform_6, window_bounds = array<i64: 1, 128>}, {transform_indices = @transform_7, window_bounds = array<i64: 2000, 128>}]} {
    %get3A = arith.constant 0 : index
    %get3A_0 = arith.constant 0 : index
    %get3A_1 = vector.load %arg1[%get3A, %get3A_0] : memref<2000x128xf32, #tpu.memory_space<vmem>>, vector<2000x128xf32>
    %get3A_2 = arith.constant 0 : index
    %get3A_3 = arith.constant 0 : index
    %get3A_4 = vector.load %arg2[%get3A_2, %get3A_3] : memref<2000x128xf32, #tpu.memory_space<vmem>>, vector<2000x128xf32>
    %add3A = arith.addf %get3A_1, %get3A_4 : vector<2000x128xf32>
    %get3A_5 = arith.constant 0 : index
    %get3A_6 = arith.constant 0 : index
    %get3A_7 = vector.load %arg3[%get3A_5, %get3A_6] : memref<2000x128xf32, #tpu.memory_space<vmem>>, vector<2000x128xf32>
    %add3A_8 = arith.addf %add3A, %get3A_7 : vector<2000x128xf32>
    %get3A_9 = arith.constant 0 : index
    %get3A_10 = arith.constant 0 : index
    %get3A_11 = vector.load %arg4[%get3A_9, %get3A_10] : memref<128x128xf32, #tpu.memory_space<vmem>>, vector<128x128xf32>
    %dot_general3A = arith.constant dense<0.000000e+00> : vector<2000x128xf32>
    %dot_general3A_12 = tpu.matmul %add3A_8, %get3A_11, %dot_general3A {dimension_numbers = #tpu.dot_dimension_numbers<[1], [0], [0], [1], [0, 0, 1, 1], [], []>, transpose_lhs_hint = false} : vector<2000x128xf32>, vector<128x128xf32>, vector<2000x128xf32> -> vector<2000x128xf32>
    %get3A_13 = arith.constant 0 : index
    %get3A_14 = arith.constant 0 : index
    %get3A_15 = vector.load %arg5[%get3A_13, %get3A_14] : memref<1x128xf32, #tpu.memory_space<vmem>>, vector<1x128xf32>
    %add3A_16 = vector.broadcast %get3A_15 : vector<1x128xf32> to vector<2000x128xf32>
    %add3A_17 = arith.addf %dot_general3A_12, %add3A_16 : vector<2000x128xf32>
    %max3A = arith.constant 0.000000e+00 : f32
    %max3A_18 = vector.broadcast %max3A : f32 to vector<2000x128xf32>
    %max3A_19 = arith.maximumf %add3A_17, %max3A_18 : vector<2000x128xf32>
    %get3A_20 = arith.constant 0 : index
    %get3A_21 = arith.constant 0 : index
    %get3A_22 = vector.load %arg6[%get3A_20, %get3A_21] : memref<128x128xf32, #tpu.memory_space<vmem>>, vector<128x128xf32>
    %dot_general3A_23 = arith.constant dense<0.000000e+00> : vector<2000x128xf32>
    %dot_general3A_24 = tpu.matmul %max3A_19, %get3A_22, %dot_general3A_23 {dimension_numbers = #tpu.dot_dimension_numbers<[1], [0], [0], [1], [0, 0, 1, 1], [], []>, transpose_lhs_hint = false} : vector<2000x128xf32>, vector<128x128xf32>, vector<2000x128xf32> -> vector<2000x128xf32>
    %get3A_25 = arith.constant 0 : index
    %get3A_26 = arith.constant 0 : index
    %get3A_27 = vector.load %arg7[%get3A_25, %get3A_26] : memref<1x128xf32, #tpu.memory_space<vmem>>, vector<1x128xf32>
    %add3A_28 = vector.broadcast %get3A_27 : vector<1x128xf32> to vector<2000x128xf32>
    %add3A_29 = arith.addf %dot_general3A_24, %add3A_28 : vector<2000x128xf32>
    %swap3A = arith.constant 0 : index
    %swap3A_30 = arith.constant 0 : index
    %swap3A_31 = vector.load %arg8[%swap3A, %swap3A_30] : memref<2000x128xf32, #tpu.memory_space<vmem>>, vector<2000x128xf32>
    tpu.vector_store %arg8[%swap3A, %swap3A_30], %add3A_29 {strides = array<i32>} : memref<2000x128xf32, #tpu.memory_space<vmem>>, vector<2000x128xf32>,
    return
  }
  func.func @transform_0(%arg0: i32) -> (i32, i32) {
    %c0_i32 = arith.constant 0 : i32
    %c0_i32_0 = arith.constant 0 : i32
    return %arg0, %c0_i32 : i32, i32
  }
  func.func @transform_1(%arg0: i32) -> (i32, i32) {
    %c0_i32 = arith.constant 0 : i32
    %c0_i32_0 = arith.constant 0 : i32
    return %arg0, %c0_i32 : i32, i32
  }
  func.func @transform_2(%arg0: i32) -> (i32, i32) {
    %c0_i32 = arith.constant 0 : i32
    %c0_i32_0 = arith.constant 0 : i32
    return %arg0, %c0_i32 : i32, i32
  }
  func.func @transform_3(%arg0: i32) -> (i32, i32) {
    %c0_i32 = arith.constant 0 : i32
    %c0_i32_0 = arith.constant 0 : i32
    %c0_i32_1 = arith.constant 0 : i32
    return %c0_i32, %c0_i32_0 : i32, i32
  }
  func.func @transform_4(%arg0: i32) -> (i32, i32) {
    %c0_i32 = arith.constant 0 : i32
    %c0_i32_0 = arith.constant 0 : i32
    %c0_i32_1 = arith.constant 0 : i32
    return %c0_i32, %c0_i32_0 : i32, i32
  }
  func.func @transform_5(%arg0: i32) -> (i32, i32) {
    %c0_i32 = arith.constant 0 : i32
    %c0_i32_0 = arith.constant 0 : i32
    %c0_i32_1 = arith.constant 0 : i32
    return %c0_i32, %c0_i32_0 : i32, i32
  }
  func.func @transform_6(%arg0: i32) -> (i32, i32) {
    %c0_i32 = arith.constant 0 : i32
    %c0_i32_0 = arith.constant 0 : i32
    %c0_i32_1 = arith.constant 0 : i32
    return %c0_i32, %c0_i32_0 : i32, i32
  }
  func.func @transform_7(%arg0: i32) -> (i32, i32) {
    %c0_i32 = arith.constant 0 : i32
    %c0_i32_0 = arith.constant 0 : i32
    return %arg0, %c0_i32 : i32, i32
  }
}

module attributes {stable_mosaic.version = 14 : i64} {
  func.func @_pool_body(%arg0: memref<10000x128xf32, #tpu.memory_space<vmem>>, %arg1: memref<1x10000xi32, #tpu.memory_space<vmem>>, %arg2: memref<128x64xf32, #tpu.memory_space<vmem>>, %arg3: memref<1x64xf32, #tpu.memory_space<vmem>>, %arg4: memref<64x32xf32, #tpu.memory_space<vmem>>, %arg5: memref<1x32xf32, #tpu.memory_space<vmem>>, %arg6: memref<32x1xf32, #tpu.memory_space<vmem>>, %arg7: memref<1x1xf32, #tpu.memory_space<vmem>>, %arg8: memref<64x1xf32, #tpu.memory_space<vmem>>) attributes {dimension_semantics = [], scalar_prefetch = 0 : i64, scratch_operands = 0 : i64, tpu.core_type = #tpu.core_type<tc>} {
    %get3A = arith.constant 0 : index
    %get3A_0 = arith.constant 0 : index
    %get3A_1 = vector.load %arg1[%get3A, %get3A_0] : memref<1x10000xi32, #tpu.memory_space<vmem>>, vector<1x10000xi32>
    %iota3A = tpu.iota {dimensions = array<i32: 0>} : vector<64x10000xi32>
    %eq3A = vector.broadcast %get3A_1 : vector<1x10000xi32> to vector<64x10000xi32>
    %eq3A_2 = arith.cmpi eq, %iota3A, %eq3A : vector<64x10000xi32>
    %convert_element_type3A = arith.extui %eq3A_2 : vector<64x10000xi1> to vector<64x10000xi32>
    %convert_element_type3A_3 = arith.sitofp %convert_element_type3A : vector<64x10000xi32> to vector<64x10000xf32>
    %get3A_4 = arith.constant 0 : index
    %get3A_5 = arith.constant 0 : index
    %get3A_6 = vector.load %arg0[%get3A_4, %get3A_5] : memref<10000x128xf32, #tpu.memory_space<vmem>>, vector<10000x128xf32>
    %dot_general3A = arith.constant dense<0.000000e+00> : vector<64x128xf32>
    %dot_general3A_7 = tpu.matmul %convert_element_type3A_3, %get3A_6, %dot_general3A {dimension_numbers = #tpu.dot_dimension_numbers<[1], [0], [0], [1], [0, 0, 1, 1], [], []>, precision = #tpu.contract_precision<fp32>, transpose_lhs_hint = false} : vector<64x10000xf32>, vector<10000x128xf32>, vector<64x128xf32> -> vector<64x128xf32>
    %get3A_8 = arith.constant 0 : index
    %get3A_9 = arith.constant 0 : index
    %get3A_10 = vector.load %arg2[%get3A_8, %get3A_9] : memref<128x64xf32, #tpu.memory_space<vmem>>, vector<128x64xf32>
    %dot_general3A_11 = arith.constant dense<0.000000e+00> : vector<64x64xf32>
    %dot_general3A_12 = tpu.matmul %dot_general3A_7, %get3A_10, %dot_general3A_11 {dimension_numbers = #tpu.dot_dimension_numbers<[1], [0], [0], [1], [0, 0, 1, 1], [], []>, transpose_lhs_hint = false} : vector<64x128xf32>, vector<128x64xf32>, vector<64x64xf32> -> vector<64x64xf32>
    %get3A_13 = arith.constant 0 : index
    %get3A_14 = arith.constant 0 : index
    %get3A_15 = vector.load %arg3[%get3A_13, %get3A_14] : memref<1x64xf32, #tpu.memory_space<vmem>>, vector<1x64xf32>
    %add3A = vector.broadcast %get3A_15 : vector<1x64xf32> to vector<64x64xf32>
    %add3A_16 = arith.addf %dot_general3A_12, %add3A : vector<64x64xf32>
    %max3A = arith.constant 0.000000e+00 : f32
    %max3A_17 = vector.broadcast %max3A : f32 to vector<64x64xf32>
    %max3A_18 = arith.maximumf %add3A_16, %max3A_17 : vector<64x64xf32>
    %get3A_19 = arith.constant 0 : index
    %get3A_20 = arith.constant 0 : index
    %get3A_21 = vector.load %arg4[%get3A_19, %get3A_20] : memref<64x32xf32, #tpu.memory_space<vmem>>, vector<64x32xf32>
    %dot_general3A_22 = arith.constant dense<0.000000e+00> : vector<64x32xf32>
    %dot_general3A_23 = tpu.matmul %max3A_18, %get3A_21, %dot_general3A_22 {dimension_numbers = #tpu.dot_dimension_numbers<[1], [0], [0], [1], [0, 0, 1, 1], [], []>, transpose_lhs_hint = false} : vector<64x64xf32>, vector<64x32xf32>, vector<64x32xf32> -> vector<64x32xf32>
    %get3A_24 = arith.constant 0 : index
    %get3A_25 = arith.constant 0 : index
    %get3A_26 = vector.load %arg5[%get3A_24, %get3A_25] : memref<1x32xf32, #tpu.memory_space<vmem>>, vector<1x32xf32>
    %add3A_27 = vector.broadcast %get3A_26 : vector<1x32xf32> to vector<64x32xf32>
    %add3A_28 = arith.addf %dot_general3A_23, %add3A_27 : vector<64x32xf32>
    %max3A_29 = arith.constant 0.000000e+00 : f32
    %max3A_30 = vector.broadcast %max3A_29 : f32 to vector<64x32xf32>
    %max3A_31 = arith.maximumf %add3A_28, %max3A_30 : vector<64x32xf32>
    %get3A_32 = arith.constant 0 : index
    %get3A_33 = arith.constant 0 : index
    %get3A_34 = vector.load %arg6[%get3A_32, %get3A_33] : memref<32x1xf32, #tpu.memory_space<vmem>>, vector<32x1xf32>
    %dot_general3A_35 = arith.constant dense<0.000000e+00> : vector<64x1xf32>
    %dot_general3A_36 = tpu.matmul %max3A_31, %get3A_34, %dot_general3A_35 {dimension_numbers = #tpu.dot_dimension_numbers<[1], [0], [0], [1], [0, 0, 1, 1], [], []>, transpose_lhs_hint = false} : vector<64x32xf32>, vector<32x1xf32>, vector<64x1xf32> -> vector<64x1xf32>
    %get3A_37 = arith.constant 0 : index
    %get3A_38 = arith.constant 0 : index
    %get3A_39 = vector.load %arg7[%get3A_37, %get3A_38] : memref<1x1xf32, #tpu.memory_space<vmem>>, vector<1x1xf32>
    %add3A_40 = vector.broadcast %get3A_39 : vector<1x1xf32> to vector<64x1xf32>
    %add3A_41 = arith.addf %dot_general3A_36, %add3A_40 : vector<64x1xf32>
    %swap3A = arith.constant 0 : index
    %swap3A_42 = arith.constant 0 : index
    %swap3A_43 = vector.load %arg8[%swap3A, %swap3A_42] : memref<64x1xf32, #tpu.memory_space<vmem>>, vector<64x1xf32>
    tpu.vector_store %arg8[%swap3A, %swap3A_42], %add3A_41 {strides = array<i32>} : memref<64x1xf32, #tpu.memory_space<vmem>>, vector<64x1xf32>,
    return
  }
}

</mosaic_0001>

<sc_bundles>
// kernel: kernel.10.cloned.1.call-start
scs
__scs_entry_jumppad:
0x0: {  	(pc) =	sbr.rel $0x88, $3  }
0x1: {  	(tag) =	ssettag $0x0;
	lr =	simm.s32 $0x1  }
0x2: {  	[smem:$0x3F93] =	sst lr;
	_ =	strace $0xD0000000  }
0x3: {  	_ = 	snop  }
0x4: {  	_ = 	snop  }
0x5: {  	_ = 	snop  }
0x6: {  	_ = 	snop  }
0x7: {  	_ = 	snop  }
__scs_overlays_trampoline_lowered:
0x8: {  	[smem:$0x3FA2] =	sst s0  }
0x9: {  	[smem:$0x3FA3] =	sst s1  }
0xa: {  	[smem:$0x3FA4] =	sst s2  }
0xb: {  	[smem:$0x3FA5] =	sst s3  }
0xc: {  	[smem:$0x3FA6] =	sst s4  }
0xd: {  	[smem:$0x3FA7] =	sst s5  }
0xe: {  	[smem:$0x3FA8] =	sst s6  }
0xf: {  	[smem:$0x3FA9] =	sst s7  }
0x10: {  	[smem:$0x3FAA] =	sst s8  }
0x11: {  	[smem:$0x3FAB] =	sst s9;
	s0 =	simm.s32 @!p0 $0x0  }
0x12: {  	s1 =	sld [smem:$0x3F91];
	s0 =	simm.s32 @p0 $0x1  }
0x13: {  	[smem:$0x3FAC] =	sst s0;
	s0 =	simm.s32 @!p1 $0x0  }
0x14: {  	s2 =	sld [smem:$0x3F90];
	s0 =	simm.s32 @p1 $0x1  }
0x15: {  	[smem:$0x3FAD] =	sst s0;
	s0 =	simm.s32 @!p2 $0x0  }
0x16: {  	s3 =	sld [smem:$0x3FDB];
	s0 =	simm.s32 @p2 $0x1  }
0x17: {  	s4 =	simm.s32 $0x1BF5;
	[smem:$0x3FAF] =	sst s0  }
0x18: {  	s0 =	sld [smem:$0x3F92];
	_ =	swait.ge [sflag:s4], $0x0  }
0x19: {  	s7 =	sld [smem:$0x3F93]  }
0x1a: {  	s8 =	sadd.s32 $0xFFFFE003, lr  }
0x1b: {  	s9 =	sadd.s32 $0xFFFFFEF7, lr;
	s5 =	simm.s32 $0xFFFFFFFF;
	p2 =	slt.u32 s8, $0xFFFFF086  }
0x1c: {  	p1 =	slt.u32 s9, $0xF7A;
	s5 =	simm.s32 @!p2 $0x0  }
0x1d: {  	s5 =	simm.s32 @p1 $0x1;
	p0 =	seq.s32 s7, s2  }
0x1e: {  	s7 =	smul.u32 @!p0 $0xF7A, s2;
	p2 =	seq.s32 @!p0 s5, $0x0  }
0x1f: {  	s9 =	smul.u32 $0xF7A, s1;
	s8 =	simm.s32 @!p0 $0x1BF5;
	p2 =	por !p2, p0  }
0x20: {  	[sflag:s8] =	ssyncset.s32 @!p0 $0xFFFFF086;
	s6 =	sadd.s32 @!p0 s3, s7;
	s7 =	simm.s32 @!p0 $0x108  }
0x21: {  	s3 =	sadd.s32 s3, s9;
	s6 =	sadd.s32 @!p0 $0x88, s6;
	s7 =	simm.s32 @p2 $0x1082  }
0x22: {  	[simem:s7], [sflag:s8] =	dma.local @!p0 [hbm:s6], $0xF7A  }
0x23: {  	s9 =	sor.u32 $0xD0000000, s2;
	s6 =	simm.s32 $0x108;
	_ =	swait.ge @!p0 [sflag:s8], $0x0  }
0x24: {  	s3 =	sadd.s32 $0x88, s3;
	s6 =	simm.s32 @!p1 $0x1082;
	[sflag:s4] =	ssyncset.s32 $0xFFFFF086  }
0x25: {  	[simem:s6], [sflag:s4] =	dma.local [hbm:s3], $0xF7A  }
0x26: {  	[smem:$0x3F93] =	sst s1;
	(tag) =	ssettag s2;
	_ =	strace s9  }
0x27: {  	s1 =	sld [smem:$0x3FA3]  }
0x28: {  	s2 =	sld [smem:$0x3FA4]  }
0x29: {  	s4 =	sld [smem:$0x3FA6]  }
0x2a: {  	p0 =	seq.s32 s5, $0x0;
	s5 =	sld [smem:$0x3FA7]  }
0x2b: {  	s6 =	sld [smem:$0x3FA8]  }
0x2c: {  	s7 =	sld [smem:$0x3FA9]  }
0x2d: {  	s3 =	simm.s32 $0x108;
	s8 =	sld [smem:$0x3FAA]  }
0x2e: {  	s3 =	simm.s32 @!p0 $0x1082;
	s9 =	sld [smem:$0x3FAB]  }
0x2f: {  	lr =	sadd.s32 s0, s3;
	s0 =	sld [smem:$0x3FA2]  }
0x30: {  	s3 =	sld [smem:$0x3FA5]  }
0x31: {  	[smem:$0x3FAE] =	sst s10  }
0x32: {  	s10 =	sld [smem:$0x3FAC];
	_ =	sdelay $0x3  }
0x33: {  	p0 =	seq.s32 s10, $0x1;
	s10 =	sld [smem:$0x3FAE];
	_ =	sdelay $0x3  }
0x34: {  	[smem:$0x3FAE] =	sst s10  }
0x35: {  	s10 =	sld [smem:$0x3FAD];
	_ =	sdelay $0x3  }
0x36: {  	p1 =	seq.s32 s10, $0x1;
	s10 =	sld [smem:$0x3FAE];
	_ =	sdelay $0x3  }
0x37: {  	[smem:$0x3FAE] =	sst s10  }
0x38: {  	s10 =	sld [smem:$0x3FAF]  }
0x39: {  	_ = 	snop;
	(pc) =	sbr.ind lr, $3  }
0x3a: {  	_ = 	snop  }
0x3b: {  	_ = 	snop  }
0x3c: {  	p2 =	seq.s32 s10, $0x1;
	s10 =	sld [smem:$0x3FAE]  }
0x3d: {  	_ =	shalt  }
0x3e: {  	_ =	shalt  }
0x3f: {  	_ =	shalt  }
0x40: {  	_ =	shalt  }
0x41: {  	_ =	shalt  }
0x42: {  	_ =	shalt  }
0x43: {  	_ =	shalt  }
0x44: {  	_ =	shalt  }
0x45: {  	_ =	shalt  }
0x46: {  	_ =	shalt  }
0x47: {  	_ =	shalt  }
0x48: {  	_ =	shalt  }
0x49: {  	_ =	shalt  }
0x4a: {  	_ =	shalt  }
0x4b: {  	_ =	shalt  }
0x4c: {  	_ =	shalt  }
0x4d: {  	_ =	shalt  }
0x4e: {  	_ =	shalt  }
0x4f: {  	_ =	shalt  }
0x50: {  	_ =	shalt  }
0x51: {  	_ =	shalt  }
0x52: {  	_ =	shalt  }
0x53: {  	_ =	shalt  }
0x54: {  	_ =	shalt  }
0x55: {  	_ =	shalt  }
0x56: {  	_ =	shalt  }
0x57: {  	_ =	shalt  }
0x58: {  	_ =	shalt  }
0x59: {  	_ =	shalt  }
0x5a: {  	_ =	shalt  }
0x5b: {  	_ =	shalt  }
0x5c: {  	_ =	shalt  }
0x5d: {  	_ =	shalt  }
0x5e: {  	_ =	shalt  }
0x5f: {  	_ =	shalt  }
0x60: {  	_ =	shalt  }
0x61: {  	_ =	shalt  }
0x62: {  	_ =	shalt  }
0x63: {  	_ =	shalt  }
0x64: {  	_ =	shalt  }
0x65: {  	_ =	shalt  }
0x66: {  	_ =	shalt  }
0x67: {  	_ =	shalt  }
0x68: {  	_ =	shalt  }
0x69: {  	_ =	shalt  }
0x6a: {  	_ =	shalt  }
0x6b: {  	_ =	shalt  }
0x6c: {  	_ =	shalt  }
0x6d: {  	_ =	shalt  }
0x6e: {  	_ =	shalt  }
0x6f: {  	_ =	shalt  }
0x70: {  	_ =	shalt  }
0x71: {  	_ =	shalt  }
0x72: {  	_ =	shalt  }
0x73: {  	_ =	shalt  }
0x74: {  	_ =	shalt  }
0x75: {  	_ =	shalt  }
0x76: {  	_ =	shalt  }
0x77: {  	_ =	shalt  }
0x78: {  	_ =	shalt  }
0x79: {  	_ =	shalt  }
0x7a: {  	_ =	shalt  }
0x7b: {  	_ =	shalt  }
0x7c: {  	_ =	shalt  }
0x7d: {  	_ =	shalt  }
0x7e: {  	_ =	shalt  }
0x7f: {  	_ =	shalt  }
0x80: {  	_ =	shalt  }
0x81: {  	_ =	shalt  }
0x82: {  	_ =	shalt  }
0x83: {  	_ =	shalt  }
0x84: {  	_ =	shalt  }
0x85: {  	_ =	shalt  }
0x86: {  	_ =	shalt  }
0x87: {  	_ =	shalt  }
.Lfunc_end0:
.L_simem_size_0:
called_computation_lowered:
.L_overlay_start_0:
0x88: {  	s2 =	sld [smem:$0x3FD9]  }
0x89: {  	s3 =	sld [smem:$0x3FFE];
	_ =	sdelay $0x1  }
0x8a: {  	s1 =	srdreg.scid  }
0x8b: {  	s0 =	sand.u32 $0x1, s1  }
0x8c: {  	s16 =	sshll.u32 s0, $0xA;
	s2 =	sadd.s32 s3, s2  }
0x8d: {  	s2 =	sadd.s32 s2, s16  }
0x8e: {  	[smem:$0x3FBA] =	sst s2  }
0x8f: {  	_ = 	snop  }
0x90: {  	(tm) =	ssettm $0x1  }
0x91: {  	s17 =	sld [smem:$0x3FFB];
	_ =	sdelay $0x3  }
0x92: {  	_ =	strace s17  }
0x93: {  	s2 =	sld [smem:$0x3FFC];
	_ =	sdelay $0x3  }
0x94: {  	_ =	strace s2  }
0x95: {  	s2 =	sld [smem:$0x3FFD];
	_ =	sdelay $0x3  }
0x96: {  	_ =	strace s2  }
0x97: {  	_ =	strace $0x8FFFFFFF  }
0x98: {  	s18 =	sld [smem:$0x3FDB];
	_ =	sdelay $0x1  }
0x99: {  	s19 =	simm.s32 $_scs_section_size  }
0x9a: {  	s4 =	simm.s32 $_size__tile_overlayer_lowered;
	s5 =	simm.s32 $_tile_overlayer_lowered  }
0x9b: {  	s22 =	simm.s32 $0x1BFF;
	s21 =	sshll.u32 s5, $0x1;
	s2 =	sadd.s32 s19, s18  }
0x9c: {  	s6 =	simm.s32 $0x0;
	s20 =	sshll.u32 s4, $0x1;
	s4 =	sadd.s32 s21, s2  }
0x9d: {  	[timem:s6], [sflag:s22] =	dma.local [hbm:s4], s20  }
0x9e: {  	_ =	swait.ge [sflag:s22], s20  }
0x9f: {  	s3 =	ssub.s32 $0x0, s20;
	[sflag:s22] =	ssyncset.done $0x0  }
0xa0: {  	[sflag:s22] =	ssyncadd.s32 s3;
	_ =	sdelay $0x1  }
0xa1: {  	s23 =	simm.s32 $0x1B8B  }
0xa2: {  	_ =	swait.ge [sflag:s23], $0x1  }
0xa3: {  	[sflag:s23] =	ssyncset.done $0x0  }
0xa4: {  	s25 =	simm.s32 $0x1B8E;
	s24 =	sld [smem:$0x3FFE];
	[sflag:s23] =	ssyncadd.s32 $0xFFFFFFFF  }
0xa5: {  	s26 =	simm.s32 $execute0_lowered;
	[smem:$0x3FD2] =	sst s25  }
0xa6: {  	s4 =	sshll.u32 s26, $0x1;
	_ =	strace $0x80000046;
	[dreg:$0x1] =	wrdreg $0xFFFFFFFF  }
0xa7: {  	s28 =	simm.s32 $_size_execute0_lowered;
	s2 =	sadd.s32 s2, s4;
	[dreg:$0x0] =	wrdreg $0x0  }
0xa8: {  	s4 =	sshll.u32 s28, $0x1;
	[dreg:$0x2] =	wrdreg s2  }
0xa9: {  	[dreg:$0x3] =	wrdreg s4  }
0xaa: {  	[dreg:$0x4] =	wrdreg $0xC0  }
0xab: {  	_ =	task [dreg:s6], $0x5FFFF  }
0xac: {  	[dreg:$0x1] =	wrdreg $0xFFFFFFFF  }
0xad: {  	[dreg:$0x0] =	wrdreg $0x60  }
0xae: {  	[dreg:$0x2] =	wrdreg s24  }
0xaf: {  	[dreg:$0x3] =	wrdreg $0x2A000  }
0xb0: {  	[dreg:$0x4] =	wrdreg $0x9  }
0xb1: {  	_ =	task.clear_ibuf [dreg:s6], $0x5FFFF;
	_ =	strace $0x90000046  }
0xb2: {  	s29 =	simm.s32 $0x9;
	_ =	strace $0x80000048  }
0xb3: {  	_ =	swait.ge [sflag:s29], $0x1  }
0xb4: {  	[sflag:s29] =	ssyncadd.s32 $0xFFFFFFFF  }
0xb5: {  	_ =	strace $0x90000048  }
0xb6: {  	_ =	sfence  }
0xb7: {  	s30 =	sld [smem:$0x0];
	_ =	sdelay $0x2  }
0xb8: {  	s31 =	sshll.u32 s1, $0xD;
	s1 =	sshrl.u32 s1, $0x2  }
0xb9: {  	s3 =	sand.u32 $0x4000, s31;
	s1 =	sadd.s32 s1, s30  }
0xba: {  	s0 =	sor.u32 s3, s0;
	s1 =	sshll.u32 s1, $0x11  }
0xbb: {  	s0 =	sor.u32 s1, s0  }
0xbc: {  	s0 =	sadd.s32 $0x8F2B, s0  }
0xbd: {  	[sflag:s0] =	ssyncadd.remote.s32 $0x1  }
0xbe: {  	_ =	sfence.sel $0xFFFF  }
0xbf: {  	[dreg:$0x0] =	wrdreg $0xFFFFFFFF;
	(pc) =	sbr.abs _section_cstart, $3  }
0xc0: {  	[dreg:$0x1] =	wrdreg $0xFFFFFFFF  }
0xc1: {  	_ =	task.clear_ibuf [dreg:s6], $0x2FFFF;
	_ =	strace $0x9FFFFFFF  }
0xc2: {  	(tm) =	ssettm $0x7FFFFFFF  }
0xc3: {  	_ =	shalt  }
tec
execute0_lowered:
.L_overlay_start_1:
0x0: {  	(tag) =	ssettag $0x1  }
0x1: {  	s6 =	rddreg [dreg:$0x0]  }
0x2: {  	s2 =	rddreg [dreg:$0x1]  }
0x3: {  	s0 =	rddreg [dreg:$0x2];
	s3 =	simm.s32 $0x0;
	s4 =	srdreg.scid  }
0x4: {  	s1 =	stileid.u32;
	s16 =	simm.s32 $0x80;
	s17 =	simm.s32 $0x2800  }
0x5: {  	s18 =	simm.s32 $0x2880;
	s19 =	simm.s32 $0x1;
	s20 =	simm.s32 $0x2900  }
0x6: {  	s21 =	simm.s32 $0x2980;
	s22 =	simm.s32 $0x2;
	s23 =	simm.s32 $0x0  }
0x7: {  	[smem:$0x7FF] =	sst s3;
	s7 =	sand.u32 $0x1, s4;
	s8 =	smul.u32 $0x4F00, s1  }
0x8: {  	s10 =	sadd.s32 $0xD000, s6;
	s11 =	sadd.s32 $0x3000, s6;
	s4 =	sadd.s32 $0x17000, s6  }
0x9: {  	s5 =	sadd.s32 $0x2A00, s6;
	s12 =	sshll.u32 s1, $0x1;
	s30 =	sshll.u32 s1, $0x6  }
0xa: {  	s9 =	smul.u32 $0x4F000, s7;
	s13 =	ssub.s32 $0x2, s7;
	s7 =	sor.u32 s7, s12  }
0xb: {  	_ =	strace $0x80000047;
	s28 =	sshrl.u32 s13, $0x1;
	s14 =	smul.u32 $0x500, s7  }
0xc: {  	s29 =	smul.u32 $0x2800, s7;
	s15 =	sadd.s32 s8, s2;
	s9 =	sadd.s32 s8, s9  }
0xd: {  	s13 =	ssub.s32 s13, s28;
	s9 =	sshrl.u32 s9, $0x3;
	s7 =	sadd.s32 s10, s14  }
0xe: {  	s8 =	sadd.s32 s11, s14;
	s12 =	smax.u32 s13, $0x1;
	s13 =	sshrl.u32 s15, $0x3  }
0xf: {  	s14 =	simm.s32 $0x3;
	s26 =	sadd.s32 s9, s6;
	s9 =	sshrl.u32 s29, $0x3  }
0x10: {  	s15 =	simm.s32 $0x1400;
	s6 =	sor.u32 $0x1C03, s30;
	s31 =	sadd.s32 $0x280, s9  }
0x11: {  	v0 =	vimm.f32 $1.000000000e+00;
	s9 =	sadd.s32 s10, s31;
	s10 =	sadd.s32 s11, s31;
	s11 =	sadd.s32 $0x17A00, s26  }
.LBB2_1:
0x12: {  	[tilespmem:$0x2980] =	vst v0  }
0x13: {  	[tilespmem:$0x2990] =	vst v0  }
0x14: {  	[tilespmem:$0x29A0] =	vst v0  }
0x15: {  	[tilespmem:$0x29B0] =	vst v0  }
0x16: {  	[tilespmem:$0x29C0] =	vst v0  }
0x17: {  	[tilespmem:$0x29D0] =	vst v0  }
0x18: {  	[tilespmem:$0x29E0] =	vst v0  }
0x19: {  	[tilespmem:$0x29F0] =	vst v0  }
0x1a: {  	[spmem:s13], [sflag:s6] =	dma.local [hbm:s4], $0x9E0  }
0x1b: {  	_ =	swait.ge [sflag:s14], $0x9E0  }
0x1c: {  	[sflag:s14] =	ssyncset.done $0x0  }
0x1d: {  	[sflag:s14] =	ssyncadd.s32 $0xFFFFF620  }
0x1e: {  	[bflag:$0x0] =	sbarrier.arrive $0xFFFF  }
0x1f: {  	[tilespmem:s3], [sflag:$0x3] =	stream.linear.gather [hbm4b:s7+s3], $0x1400, $0x38;
	[tilespmem:$0x7900] =	vst v63  }
0x20: {  	_ =	swait.ge [sflag:s14], $0x1400  }
0x21: {  	[sflag:s14] =	ssyncset.done $0x0  }
0x22: {  	[sflag:s14] =	ssyncadd.s32 $0xFFFFEC00  }
0x23: {  	[tilespmem:s15], [sflag:$0x3] =	stream.linear.gather [hbm4b:s8+s3], $0x1400, $0x38;
	[tilespmem:$0x7900] =	vst v63  }
0x24: {  	_ =	swait.ge [sflag:s14], $0x1400  }
0x25: {  	[sflag:s14] =	ssyncset.done $0x0  }
0x26: {  	[sflag:s14] =	ssyncadd.s32 $0xFFFFEC00  }
0x27: {  	[tilespmem:s17], [sflag:$0x1] =	stream.indirect.gather [hbm4b:s5+s16], $0x1, s3, s16, $0xb8;
	[tilespmem:$0x7900] =	vst v63  }
0x28: {  	_ = 	snop  }
0x29: {  	[tilespmem:s18], [sflag:$0x2] =	stream.indirect.gather [hbm4b:s5+s16], $0x1, s16, s16, $0xb8;
	[tilespmem:$0x7900] =	vst v63  }
0x2a: {  	_ =	swait.ge [sflag:s19], $0x80  }
0x2b: {  	[sflag:s19] =	ssyncset.done $0x0  }
0x2c: {  	s24 =	simm.s32 $0x0;
	[sflag:s19] =	ssyncadd.s32 $0xFFFFFF80  }
0x2d: {  	v1 =	vld [tilespmem:s24+$0x1400]  }
0x2e: {  	v2 =	vld [tilespmem:$0x2800];
	_ =	sdelay $0x3  }
0x2f: {  	v1 =	vshll.u32 v1, $0x5  }
0x30: {  	v1 =	vadd.s32 v2, v1  }
0x31: {  	[tilespmem:$0x2900] =	vst v1  }
0x32: {  	v1 =	vld [tilespmem:s24+$0x1410]  }
0x33: {  	v2 =	vld [tilespmem:$0x2810];
	_ =	sdelay $0x3  }
0x34: {  	v1 =	vshll.u32 v1, $0x5  }
0x35: {  	v1 =	vadd.s32 v2, v1  }
0x36: {  	[tilespmem:$0x2910] =	vst v1  }
0x37: {  	v1 =	vld [tilespmem:s24+$0x1420]  }
0x38: {  	v2 =	vld [tilespmem:$0x2820];
	_ =	sdelay $0x3  }
0x39: {  	v1 =	vshll.u32 v1, $0x5  }
0x3a: {  	v1 =	vadd.s32 v2, v1  }
0x3b: {  	[tilespmem:$0x2920] =	vst v1  }
0x3c: {  	v1 =	vld [tilespmem:s24+$0x1430]  }
0x3d: {  	v2 =	vld [tilespmem:$0x2830];
	_ =	sdelay $0x3  }
0x3e: {  	v1 =	vshll.u32 v1, $0x5  }
0x3f: {  	v1 =	vadd.s32 v2, v1  }
0x40: {  	[tilespmem:$0x2930] =	vst v1  }
0x41: {  	v1 =	vld [tilespmem:s24+$0x1440]  }
0x42: {  	v2 =	vld [tilespmem:$0x2840];
	_ =	sdelay $0x3  }
0x43: {  	v1 =	vshll.u32 v1, $0x5  }
0x44: {  	v1 =	vadd.s32 v2, v1  }
0x45: {  	[tilespmem:$0x2940] =	vst v1  }
0x46: {  	v1 =	vld [tilespmem:s24+$0x1450]  }
0x47: {  	v2 =	vld [tilespmem:$0x2850];
	_ =	sdelay $0x3  }
0x48: {  	v1 =	vshll.u32 v1, $0x5  }
0x49: {  	v1 =	vadd.s32 v2, v1  }
0x4a: {  	[tilespmem:$0x2950] =	vst v1  }
0x4b: {  	v1 =	vld [tilespmem:s24+$0x1460]  }
0x4c: {  	v2 =	vld [tilespmem:$0x2860];
	_ =	sdelay $0x3  }
0x4d: {  	v1 =	vshll.u32 v1, $0x5  }
0x4e: {  	v1 =	vadd.s32 v2, v1  }
0x4f: {  	[tilespmem:$0x2960] =	vst v1  }
0x50: {  	v1 =	vld [tilespmem:s24+$0x1470]  }
0x51: {  	v2 =	vld [tilespmem:$0x2870];
	_ =	sdelay $0x3  }
0x52: {  	v1 =	vshll.u32 v1, $0x5  }
0x53: {  	p0 =	por $0x0, $0x0;
	v1 =	vadd.s32 v2, v1  }
0x54: {  	s25 =	simm.s32 @!p0 $0x100;
	s26 =	simm.s32 @!p0 $0x80;
	s28 =	simm.s32 @!p0 $0x2800;
	[tilespmem:$0x2970] =	vst v1  }
0x55: {  	[tilespmem:s28], [sflag:$0x1] =	stream.indirect.gather @!p0 [hbm4b:s5+s26], $0x1, s25, s26, $0xb8;
	[tilespmem:$0x7900] =	vst v63  }
0x56: {  	_ = 	snop  }
0x57: {  	[spmem:s2] =	stream.indirect.scatter.add.f32 [tilespmem:s21], [sflag:$0x3], $0x1, s20, s16, $0xb8;
	[tilespmem:$0x7900] =	vst v63  }
0x58: {  	_ =	swait.ge [sflag:s14], $0x80  }
0x59: {  	[sflag:s14] =	ssyncset.done $0x0  }
0x5a: {  	[sflag:s14] =	ssyncadd.s32 $0xFFFFFF80  }
0x5b: {  	_ =	swait.ge [sflag:s22], $0x80  }
0x5c: {  	[sflag:s22] =	ssyncset.done $0x0  }
0x5d: {  	[sflag:s22] =	ssyncadd.s32 $0xFFFFFF80  }
0x5e: {  	v1 =	vld [tilespmem:s24+$0x1480]  }
0x5f: {  	v2 =	vld [tilespmem:$0x2880];
	_ =	sdelay $0x3  }
0x60: {  	v1 =	vshll.u32 v1, $0x5  }
0x61: {  	v1 =	vadd.s32 v2, v1  }
0x62: {  	[tilespmem:$0x2900] =	vst v1  }
0x63: {  	v1 =	vld [tilespmem:s24+$0x1490]  }
0x64: {  	v2 =	vld [tilespmem:$0x2890];
	_ =	sdelay $0x3  }
0x65: {  	v1 =	vshll.u32 v1, $0x5  }
0x66: {  	v1 =	vadd.s32 v2, v1  }
0x67: {  	[tilespmem:$0x2910] =	vst v1  }
0x68: {  	v1 =	vld [tilespmem:s24+$0x14A0]  }
0x69: {  	v2 =	vld [tilespmem:$0x28A0];
	_ =	sdelay $0x3  }
0x6a: {  	v1 =	vshll.u32 v1, $0x5  }
0x6b: {  	v1 =	vadd.s32 v2, v1  }
0x6c: {  	[tilespmem:$0x2920] =	vst v1  }
0x6d: {  	v1 =	vld [tilespmem:s24+$0x14B0]  }
0x6e: {  	v2 =	vld [tilespmem:$0x28B0];
	_ =	sdelay $0x3  }
0x6f: {  	v1 =	vshll.u32 v1, $0x5  }
0x70: {  	v1 =	vadd.s32 v2, v1  }
0x71: {  	[tilespmem:$0x2930] =	vst v1  }
0x72: {  	v1 =	vld [tilespmem:s24+$0x14C0]  }
0x73: {  	v2 =	vld [tilespmem:$0x28C0];
	_ =	sdelay $0x3  }
0x74: {  	v1 =	vshll.u32 v1, $0x5  }
0x75: {  	v1 =	vadd.s32 v2, v1  }
0x76: {  	[tilespmem:$0x2940] =	vst v1  }
0x77: {  	v1 =	vld [tilespmem:s24+$0x14D0]  }
0x78: {  	v2 =	vld [tilespmem:$0x28D0];
	_ =	sdelay $0x3  }
0x79: {  	v1 =	vshll.u32 v1, $0x5  }
0x7a: {  	v1 =	vadd.s32 v2, v1  }
0x7b: {  	[tilespmem:$0x2950] =	vst v1  }
0x7c: {  	v1 =	vld [tilespmem:s24+$0x14E0]  }
0x7d: {  	v2 =	vld [tilespmem:$0x28E0];
	_ =	sdelay $0x3  }
0x7e: {  	v1 =	vshll.u32 v1, $0x5  }
0x7f: {  	v1 =	vadd.s32 v2, v1  }
0x80: {  	[tilespmem:$0x2960] =	vst v1  }
0x81: {  	v1 =	vld [tilespmem:s24+$0x14F0]  }
0x82: {  	v2 =	vld [tilespmem:$0x28F0];
	_ =	sdelay $0x3  }
0x83: {  	v1 =	vshll.u32 v1, $0x5  }
0x84: {  	v1 =	vadd.s32 v2, v1  }
0x85: {  	s25 =	simm.s32 @!p0 $0x2880;
	s24 =	simm.s32 @!p0 $0x180;
	[tilespmem:$0x2970] =	vst v1  }
0x86: {  	[tilespmem:s25], [sflag:$0x2] =	stream.indirect.gather @!p0 [hbm4b:s5+s26], $0x1, s24, s26, $0xb8;
	[tilespmem:$0x7900] =	vst v63  }
0x87: {  	_ = 	snop  }
0x88: {  	[spmem:s2] =	stream.indirect.scatter.add.f32 [tilespmem:s21], [sflag:$0x3], $0x1, s20, s16, $0xb8;
	[tilespmem:$0x7900] =	vst v63  }
0x89: {  	_ =	swait.ge [sflag:s14], $0x80  }
0x8a: {  	s24 =	simm.s32 $0x400;
	[sflag:s14] =	ssyncset.done $0x0  }
.LBB2_2:
0x8b: {  	[sflag:s14] =	ssyncadd.s32 $0xFFFFFF80;
	s26 =	smov.u32 s24;
	s24 =	sadd.s32 $0x400, s24  }
0x8c: {  	p0 =	sne.s32 s24, $0x5000  }
0x8d: {  	_ =	swait.ge [sflag:s19], $0x80  }
0x8e: {  	[sflag:s19] =	ssyncset.done $0x0  }
0x8f: {  	s25 =	sshra.s32 s26, $0x2;
	[sflag:s19] =	ssyncadd.s32 $0xFFFFFF80  }
0x90: {  	v1 =	vld [tilespmem:s25+$0x1400]  }
0x91: {  	v2 =	vld [tilespmem:$0x2800];
	_ =	sdelay $0x3  }
0x92: {  	v1 =	vshll.u32 v1, $0x5  }
0x93: {  	v1 =	vadd.s32 v2, v1  }
0x94: {  	[tilespmem:$0x2900] =	vst v1  }
0x95: {  	v1 =	vld [tilespmem:s25+$0x1410]  }
0x96: {  	v2 =	vld [tilespmem:$0x2810];
	_ =	sdelay $0x3  }
0x97: {  	v1 =	vshll.u32 v1, $0x5  }
0x98: {  	v1 =	vadd.s32 v2, v1  }
0x99: {  	[tilespmem:$0x2910] =	vst v1  }
0x9a: {  	v1 =	vld [tilespmem:s25+$0x1420]  }
0x9b: {  	v2 =	vld [tilespmem:$0x2820];
	_ =	sdelay $0x3  }
0x9c: {  	v1 =	vshll.u32 v1, $0x5  }
0x9d: {  	v1 =	vadd.s32 v2, v1  }
0x9e: {  	[tilespmem:$0x2920] =	vst v1  }
0x9f: {  	v1 =	vld [tilespmem:s25+$0x1430]  }
0xa0: {  	v2 =	vld [tilespmem:$0x2830];
	_ =	sdelay $0x3  }
0xa1: {  	v1 =	vshll.u32 v1, $0x5  }
0xa2: {  	v1 =	vadd.s32 v2, v1  }
0xa3: {  	[tilespmem:$0x2930] =	vst v1  }
0xa4: {  	v1 =	vld [tilespmem:s25+$0x1440]  }
0xa5: {  	v2 =	vld [tilespmem:$0x2840];
	_ =	sdelay $0x3  }
0xa6: {  	v1 =	vshll.u32 v1, $0x5  }
0xa7: {  	v1 =	vadd.s32 v2, v1  }
0xa8: {  	[tilespmem:$0x2940] =	vst v1  }
0xa9: {  	v1 =	vld [tilespmem:s25+$0x1450]  }
0xaa: {  	v2 =	vld [tilespmem:$0x2850];
	_ =	sdelay $0x3  }
0xab: {  	v1 =	vshll.u32 v1, $0x5  }
0xac: {  	v1 =	vadd.s32 v2, v1  }
0xad: {  	[tilespmem:$0x2950] =	vst v1  }
0xae: {  	v1 =	vld [tilespmem:s25+$0x1460]  }
0xaf: {  	v2 =	vld [tilespmem:$0x2860];
	_ =	sdelay $0x3  }
0xb0: {  	v1 =	vshll.u32 v1, $0x5  }
0xb1: {  	v1 =	vadd.s32 v2, v1  }
0xb2: {  	[tilespmem:$0x2960] =	vst v1  }
0xb3: {  	v1 =	vld [tilespmem:s25+$0x1470]  }
0xb4: {  	v2 =	vld [tilespmem:$0x2870];
	_ =	sdelay $0x3  }
0xb5: {  	p1 =	seq.s32 s26, $0x4C00;
	v1 =	vshll.u32 v1, $0x5  }
0xb6: {  	s28 =	sshra.s32 @!p1 s26, $0x2;
	v1 =	vadd.s32 v2, v1  }
0xb7: {  	s26 =	simm.s32 @!p1 $0x80;
	s30 =	simm.s32 @!p1 $0x2800;
	s29 =	sadd.s32 @!p1 $0x100, s28;
	[tilespmem:$0x2970] =	vst v1  }
0xb8: {  	[tilespmem:s30], [sflag:$0x1] =	stream.indirect.gather @!p1 [hbm4b:s5+s26], $0x1, s29, s26, $0xb8;
	[tilespmem:$0x7900] =	vst v63  }
0xb9: {  	s28 =	sadd.s32 @!p1 $0x180, s28  }
0xba: {  	[spmem:s2] =	stream.indirect.scatter.add.f32 [tilespmem:s21], [sflag:$0x3], $0x1, s20, s16, $0xb8;
	[tilespmem:$0x7900] =	vst v63  }
0xbb: {  	_ =	swait.ge [sflag:s14], $0x80  }
0xbc: {  	[sflag:s14] =	ssyncset.done $0x0  }
0xbd: {  	[sflag:s14] =	ssyncadd.s32 $0xFFFFFF80  }
0xbe: {  	_ =	swait.ge [sflag:s22], $0x80  }
0xbf: {  	[sflag:s22] =	ssyncset.done $0x0  }
0xc0: {  	[sflag:s22] =	ssyncadd.s32 $0xFFFFFF80  }
0xc1: {  	v1 =	vld [tilespmem:s25+$0x1480]  }
0xc2: {  	v2 =	vld [tilespmem:$0x2880];
	_ =	sdelay $0x3  }
0xc3: {  	v1 =	vshll.u32 v1, $0x5  }
0xc4: {  	v1 =	vadd.s32 v2, v1  }
0xc5: {  	[tilespmem:$0x2900] =	vst v1  }
0xc6: {  	v1 =	vld [tilespmem:s25+$0x1490]  }
0xc7: {  	v2 =	vld [tilespmem:$0x2890];
	_ =	sdelay $0x3  }
0xc8: {  	v1 =	vshll.u32 v1, $0x5  }
0xc9: {  	v1 =	vadd.s32 v2, v1  }
0xca: {  	[tilespmem:$0x2910] =	vst v1  }
0xcb: {  	v1 =	vld [tilespmem:s25+$0x14A0]  }
0xcc: {  	v2 =	vld [tilespmem:$0x28A0];
	_ =	sdelay $0x3  }
0xcd: {  	v1 =	vshll.u32 v1, $0x5  }
0xce: {  	v1 =	vadd.s32 v2, v1  }
0xcf: {  	[tilespmem:$0x2920] =	vst v1  }
0xd0: {  	v1 =	vld [tilespmem:s25+$0x14B0]  }
0xd1: {  	v2 =	vld [tilespmem:$0x28B0];
	_ =	sdelay $0x3  }
0xd2: {  	v1 =	vshll.u32 v1, $0x5  }
0xd3: {  	v1 =	vadd.s32 v2, v1  }
0xd4: {  	[tilespmem:$0x2930] =	vst v1  }
0xd5: {  	v1 =	vld [tilespmem:s25+$0x14C0]  }
0xd6: {  	v2 =	vld [tilespmem:$0x28C0];
	_ =	sdelay $0x3  }
0xd7: {  	v1 =	vshll.u32 v1, $0x5  }
0xd8: {  	v1 =	vadd.s32 v2, v1  }
0xd9: {  	[tilespmem:$0x2940] =	vst v1  }
0xda: {  	v1 =	vld [tilespmem:s25+$0x14D0]  }
0xdb: {  	v2 =	vld [tilespmem:$0x28D0];
	_ =	sdelay $0x3  }
0xdc: {  	v1 =	vshll.u32 v1, $0x5  }
0xdd: {  	v1 =	vadd.s32 v2, v1  }
0xde: {  	[tilespmem:$0x2950] =	vst v1  }
0xdf: {  	v1 =	vld [tilespmem:s25+$0x14E0]  }
0xe0: {  	v2 =	vld [tilespmem:$0x28E0];
	_ =	sdelay $0x3  }
0xe1: {  	v1 =	vshll.u32 v1, $0x5  }
0xe2: {  	v1 =	vadd.s32 v2, v1  }
0xe3: {  	[tilespmem:$0x2960] =	vst v1  }
0xe4: {  	v1 =	vld [tilespmem:s25+$0x14F0]  }
0xe5: {  	v2 =	vld [tilespmem:$0x28F0];
	_ =	sdelay $0x3  }
0xe6: {  	v1 =	vshll.u32 v1, $0x5  }
0xe7: {  	v1 =	vadd.s32 v2, v1  }
0xe8: {  	s25 =	simm.s32 @!p1 $0x2880;
	[tilespmem:$0x2970] =	vst v1  }
0xe9: {  	[tilespmem:s25], [sflag:$0x2] =	stream.indirect.gather @!p1 [hbm4b:s5+s26], $0x1, s28, s26, $0xb8;
	[tilespmem:$0x7900] =	vst v63  }
.Ltmp0:
0xea: {  	_ = 	snop;
	(pc) =	sbr.rel @p0 .LBB2_2-.Ltmp0, $4  }
0xeb: {  	_ = 	snop  }
0xec: {  	[spmem:s2] =	stream.indirect.scatter.add.f32 [tilespmem:s21], [sflag:$0x3], $0x1, s20, s16, $0xb8;
	[tilespmem:$0x7900] =	vst v63  }
0xed: {  	_ =	swait.ge [sflag:s14], $0x80  }
0xee: {  	[sflag:s14] =	ssyncset.done $0x0  }
0xef: {  	[sflag:s14] =	ssyncadd.s32 $0xFFFFFF80;
	s24 =	simm.s32 $0x0  }
0xf0: {  	[tilespmem:s24], [sflag:$0x3] =	stream.linear.gather [hbm4b:s9+s24], $0x1400, $0x38;
	[tilespmem:$0x7900] =	vst v63  }
0xf1: {  	_ =	swait.ge [sflag:s14], $0x1400  }
0xf2: {  	[sflag:s14] =	ssyncset.done $0x0  }
0xf3: {  	[sflag:s14] =	ssyncadd.s32 $0xFFFFEC00  }
0xf4: {  	[tilespmem:s15], [sflag:$0x3] =	stream.linear.gather [hbm4b:s10+s24], $0x1400, $0x38;
	[tilespmem:$0x7900] =	vst v63  }
0xf5: {  	_ =	swait.ge [sflag:s14], $0x1400  }
0xf6: {  	[sflag:s14] =	ssyncset.done $0x0  }
0xf7: {  	[sflag:s14] =	ssyncadd.s32 $0xFFFFEC00  }
0xf8: {  	[tilespmem:s17], [sflag:$0x1] =	stream.indirect.gather [hbm4b:s5+s16], $0x1, s24, s16, $0xb8;
	[tilespmem:$0x7900] =	vst v63  }
0xf9: {  	_ = 	snop  }
0xfa: {  	[tilespmem:s18], [sflag:$0x2] =	stream.indirect.gather [hbm4b:s5+s16], $0x1, s16, s16, $0xb8;
	[tilespmem:$0x7900] =	vst v63  }
0xfb: {  	_ =	swait.ge [sflag:s19], $0x80  }
0xfc: {  	[sflag:s19] =	ssyncset.done $0x0  }
0xfd: {  	s31 =	simm.s32 $0x0;
	[sflag:s19] =	ssyncadd.s32 $0xFFFFFF80  }
0xfe: {  	v1 =	vld [tilespmem:s31+$0x1400]  }
0xff: {  	v2 =	vld [tilespmem:$0x2800];
	_ =	sdelay $0x3  }
0x100: {  	v1 =	vshll.u32 v1, $0x5  }
0x101: {  	v1 =	vadd.s32 v2, v1  }
0x102: {  	[tilespmem:$0x2900] =	vst v1  }
0x103: {  	v1 =	vld [tilespmem:s31+$0x1410]  }
0x104: {  	v2 =	vld [tilespmem:$0x2810];
	_ =	sdelay $0x3  }
0x105: {  	v1 =	vshll.u32 v1, $0x5  }
0x106: {  	v1 =	vadd.s32 v2, v1  }
0x107: {  	[tilespmem:$0x2910] =	vst v1  }
0x108: {  	v1 =	vld [tilespmem:s31+$0x1420]  }
0x109: {  	v2 =	vld [tilespmem:$0x2820];
	_ =	sdelay $0x3  }
0x10a: {  	v1 =	vshll.u32 v1, $0x5  }
0x10b: {  	v1 =	vadd.s32 v2, v1  }
0x10c: {  	[tilespmem:$0x2920] =	vst v1  }
0x10d: {  	v1 =	vld [tilespmem:s31+$0x1430]  }
0x10e: {  	v2 =	vld [tilespmem:$0x2830];
	_ =	sdelay $0x3  }
0x10f: {  	v1 =	vshll.u32 v1, $0x5  }
0x110: {  	v1 =	vadd.s32 v2, v1  }
0x111: {  	[tilespmem:$0x2930] =	vst v1  }
0x112: {  	v1 =	vld [tilespmem:s31+$0x1440]  }
0x113: {  	v2 =	vld [tilespmem:$0x2840];
	_ =	sdelay $0x3  }
0x114: {  	v1 =	vshll.u32 v1, $0x5  }
0x115: {  	v1 =	vadd.s32 v2, v1  }
0x116: {  	[tilespmem:$0x2940] =	vst v1  }
0x117: {  	v1 =	vld [tilespmem:s31+$0x1450]  }
0x118: {  	v2 =	vld [tilespmem:$0x2850];
	_ =	sdelay $0x3  }
0x119: {  	v1 =	vshll.u32 v1, $0x5  }
0x11a: {  	v1 =	vadd.s32 v2, v1  }
0x11b: {  	[tilespmem:$0x2950] =	vst v1  }
0x11c: {  	v1 =	vld [tilespmem:s31+$0x1460]  }
0x11d: {  	v2 =	vld [tilespmem:$0x2860];
	_ =	sdelay $0x3  }
0x11e: {  	v1 =	vshll.u32 v1, $0x5  }
0x11f: {  	v1 =	vadd.s32 v2, v1  }
0x120: {  	[tilespmem:$0x2960] =	vst v1  }
0x121: {  	v1 =	vld [tilespmem:s31+$0x1470]  }
0x122: {  	v2 =	vld [tilespmem:$0x2870];
	_ =	sdelay $0x3  }
0x123: {  	v1 =	vshll.u32 v1, $0x5  }
0x124: {  	p0 =	por $0x0, $0x0;
	v1 =	vadd.s32 v2, v1  }
0x125: {  	s25 =	simm.s32 @!p0 $0x100;
	s26 =	simm.s32 @!p0 $0x80;
	s28 =	simm.s32 @!p0 $0x2800;
	[tilespmem:$0x2970] =	vst v1  }
0x126: {  	[tilespmem:s28], [sflag:$0x1] =	stream.indirect.gather @!p0 [hbm4b:s5+s26], $0x1, s25, s26, $0xb8;
	[tilespmem:$0x7900] =	vst v63  }
0x127: {  	_ = 	snop  }
0x128: {  	[spmem:s2] =	stream.indirect.scatter.add.f32 [tilespmem:s21], [sflag:$0x3], $0x1, s20, s16, $0xb8;
	[tilespmem:$0x7900] =	vst v63  }
0x129: {  	_ =	swait.ge [sflag:s14], $0x80  }
0x12a: {  	[sflag:s14] =	ssyncset.done $0x0  }
0x12b: {  	[sflag:s14] =	ssyncadd.s32 $0xFFFFFF80  }
0x12c: {  	_ =	swait.ge [sflag:s22], $0x80  }
0x12d: {  	[sflag:s22] =	ssyncset.done $0x0  }
0x12e: {  	[sflag:s22] =	ssyncadd.s32 $0xFFFFFF80  }
0x12f: {  	v1 =	vld [tilespmem:s31+$0x1480]  }
0x130: {  	v2 =	vld [tilespmem:$0x2880];
	_ =	sdelay $0x3  }
0x131: {  	v1 =	vshll.u32 v1, $0x5  }
0x132: {  	v1 =	vadd.s32 v2, v1  }
0x133: {  	[tilespmem:$0x2900] =	vst v1  }
0x134: {  	v1 =	vld [tilespmem:s31+$0x1490]  }
0x135: {  	v2 =	vld [tilespmem:$0x2890];
	_ =	sdelay $0x3  }
0x136: {  	v1 =	vshll.u32 v1, $0x5  }
0x137: {  	v1 =	vadd.s32 v2, v1  }
0x138: {  	[tilespmem:$0x2910] =	vst v1  }
0x139: {  	v1 =	vld [tilespmem:s31+$0x14A0]  }
0x13a: {  	v2 =	vld [tilespmem:$0x28A0];
	_ =	sdelay $0x3  }
0x13b: {  	v1 =	vshll.u32 v1, $0x5  }
0x13c: {  	v1 =	vadd.s32 v2, v1  }
0x13d: {  	[tilespmem:$0x2920] =	vst v1  }
0x13e: {  	v1 =	vld [tilespmem:s31+$0x14B0]  }
0x13f: {  	v2 =	vld [tilespmem:$0x28B0];
	_ =	sdelay $0x3  }
0x140: {  	v1 =	vshll.u32 v1, $0x5  }
0x141: {  	v1 =	vadd.s32 v2, v1  }
0x142: {  	[tilespmem:$0x2930] =	vst v1  }
0x143: {  	v1 =	vld [tilespmem:s31+$0x14C0]  }
0x144: {  	v2 =	vld [tilespmem:$0x28C0];
	_ =	sdelay $0x3  }
0x145: {  	v1 =	vshll.u32 v1, $0x5  }
0x146: {  	v1 =	vadd.s32 v2, v1  }
0x147: {  	[tilespmem:$0x2940] =	vst v1  }
0x148: {  	v1 =	vld [tilespmem:s31+$0x14D0]  }
0x149: {  	v2 =	vld [tilespmem:$0x28D0];
	_ =	sdelay $0x3  }
0x14a: {  	v1 =	vshll.u32 v1, $0x5  }
0x14b: {  	v1 =	vadd.s32 v2, v1  }
0x14c: {  	[tilespmem:$0x2950] =	vst v1  }
0x14d: {  	v1 =	vld [tilespmem:s31+$0x14E0]  }
0x14e: {  	v2 =	vld [tilespmem:$0x28E0];
	_ =	sdelay $0x3  }
0x14f: {  	v1 =	vshll.u32 v1, $0x5  }
0x150: {  	v1 =	vadd.s32 v2, v1  }
0x151: {  	[tilespmem:$0x2960] =	vst v1  }
0x152: {  	v1 =	vld [tilespmem:s31+$0x14F0]  }
0x153: {  	v2 =	vld [tilespmem:$0x28F0];
	_ =	sdelay $0x3  }
0x154: {  	v1 =	vshll.u32 v1, $0x5  }
0x155: {  	v1 =	vadd.s32 v2, v1  }
0x156: {  	s24 =	simm.s32 @!p0 $0x180;
	s25 =	simm.s32 @!p0 $0x2880;
	[tilespmem:$0x2970] =	vst v1  }
0x157: {  	[tilespmem:s25], [sflag:$0x2] =	stream.indirect.gather @!p0 [hbm4b:s5+s26], $0x1, s24, s26, $0xb8;
	[tilespmem:$0x7900] =	vst v63  }
0x158: {  	_ = 	snop  }
0x159: {  	[spmem:s2] =	stream.indirect.scatter.add.f32 [tilespmem:s21], [sflag:$0x3], $0x1, s20, s16, $0xb8;
	[tilespmem:$0x7900] =	vst v63  }
0x15a: {  	_ =	swait.ge [sflag:s14], $0x80  }
0x15b: {  	s24 =	simm.s32 $0x400;
	[sflag:s14] =	ssyncset.done $0x0  }
.LBB2_4:
0x15c: {  	[sflag:s14] =	ssyncadd.s32 $0xFFFFFF80;
	s26 =	smov.u32 s24;
	s24 =	sadd.s32 $0x400, s24  }
0x15d: {  	p0 =	sne.s32 s24, $0x5000  }
0x15e: {  	_ =	swait.ge [sflag:s19], $0x80  }
0x15f: {  	[sflag:s19] =	ssyncset.done $0x0  }
0x160: {  	s25 =	sshra.s32 s26, $0x2;
	[sflag:s19] =	ssyncadd.s32 $0xFFFFFF80  }
0x161: {  	v1 =	vld [tilespmem:s25+$0x1400]  }
0x162: {  	v2 =	vld [tilespmem:$0x2800];
	_ =	sdelay $0x3  }
0x163: {  	v1 =	vshll.u32 v1, $0x5  }
0x164: {  	v1 =	vadd.s32 v2, v1  }
0x165: {  	[tilespmem:$0x2900] =	vst v1  }
0x166: {  	v1 =	vld [tilespmem:s25+$0x1410]  }
0x167: {  	v2 =	vld [tilespmem:$0x2810];
	_ =	sdelay $0x3  }
0x168: {  	v1 =	vshll.u32 v1, $0x5  }
0x169: {  	v1 =	vadd.s32 v2, v1  }
0x16a: {  	[tilespmem:$0x2910] =	vst v1  }
0x16b: {  	v1 =	vld [tilespmem:s25+$0x1420]  }
0x16c: {  	v2 =	vld [tilespmem:$0x2820];
	_ =	sdelay $0x3  }
0x16d: {  	v1 =	vshll.u32 v1, $0x5  }
0x16e: {  	v1 =	vadd.s32 v2, v1  }
0x16f: {  	[tilespmem:$0x2920] =	vst v1  }
0x170: {  	v1 =	vld [tilespmem:s25+$0x1430]  }
0x171: {  	v2 =	vld [tilespmem:$0x2830];
	_ =	sdelay $0x3  }
0x172: {  	v1 =	vshll.u32 v1, $0x5  }
0x173: {  	v1 =	vadd.s32 v2, v1  }
0x174: {  	[tilespmem:$0x2930] =	vst v1  }
0x175: {  	v1 =	vld [tilespmem:s25+$0x1440]  }
0x176: {  	v2 =	vld [tilespmem:$0x2840];
	_ =	sdelay $0x3  }
0x177: {  	v1 =	vshll.u32 v1, $0x5  }
0x178: {  	v1 =	vadd.s32 v2, v1  }
0x179: {  	[tilespmem:$0x2940] =	vst v1  }
0x17a: {  	v1 =	vld [tilespmem:s25+$0x1450]  }
0x17b: {  	v2 =	vld [tilespmem:$0x2850];
	_ =	sdelay $0x3  }
0x17c: {  	v1 =	vshll.u32 v1, $0x5  }
0x17d: {  	v1 =	vadd.s32 v2, v1  }
0x17e: {  	[tilespmem:$0x2950] =	vst v1  }
0x17f: {  	v1 =	vld [tilespmem:s25+$0x1460]  }
0x180: {  	v2 =	vld [tilespmem:$0x2860];
	_ =	sdelay $0x3  }
0x181: {  	v1 =	vshll.u32 v1, $0x5  }
0x182: {  	v1 =	vadd.s32 v2, v1  }
0x183: {  	[tilespmem:$0x2960] =	vst v1  }
0x184: {  	v1 =	vld [tilespmem:s25+$0x1470]  }
0x185: {  	v2 =	vld [tilespmem:$0x2870];
	_ =	sdelay $0x3  }
0x186: {  	p1 =	seq.s32 s26, $0x4C00;
	v1 =	vshll.u32 v1, $0x5  }
0x187: {  	s28 =	sshra.s32 @!p1 s26, $0x2;
	v1 =	vadd.s32 v2, v1  }
0x188: {  	s26 =	simm.s32 @!p1 $0x80;
	s30 =	simm.s32 @!p1 $0x2800;
	s29 =	sadd.s32 @!p1 $0x100, s28;
	[tilespmem:$0x2970] =	vst v1  }
0x189: {  	[tilespmem:s30], [sflag:$0x1] =	stream.indirect.gather @!p1 [hbm4b:s5+s26], $0x1, s29, s26, $0xb8;
	[tilespmem:$0x7900] =	vst v63  }
0x18a: {  	s28 =	sadd.s32 @!p1 $0x180, s28  }
0x18b: {  	[spmem:s2] =	stream.indirect.scatter.add.f32 [tilespmem:s21], [sflag:$0x3], $0x1, s20, s16, $0xb8;
	[tilespmem:$0x7900] =	vst v63  }
0x18c: {  	_ =	swait.ge [sflag:s14], $0x80  }
0x18d: {  	[sflag:s14] =	ssyncset.done $0x0  }
0x18e: {  	[sflag:s14] =	ssyncadd.s32 $0xFFFFFF80  }
0x18f: {  	_ =	swait.ge [sflag:s22], $0x80  }
0x190: {  	[sflag:s22] =	ssyncset.done $0x0  }
0x191: {  	[sflag:s22] =	ssyncadd.s32 $0xFFFFFF80  }
0x192: {  	v1 =	vld [tilespmem:s25+$0x1480]  }
0x193: {  	v2 =	vld [tilespmem:$0x2880];
	_ =	sdelay $0x3  }
0x194: {  	v1 =	vshll.u32 v1, $0x5  }
0x195: {  	v1 =	vadd.s32 v2, v1  }
0x196: {  	[tilespmem:$0x2900] =	vst v1  }
0x197: {  	v1 =	vld [tilespmem:s25+$0x1490]  }
0x198: {  	v2 =	vld [tilespmem:$0x2890];
	_ =	sdelay $0x3  }
0x199: {  	v1 =	vshll.u32 v1, $0x5  }
0x19a: {  	v1 =	vadd.s32 v2, v1  }
0x19b: {  	[tilespmem:$0x2910] =	vst v1  }
0x19c: {  	v1 =	vld [tilespmem:s25+$0x14A0]  }
0x19d: {  	v2 =	vld [tilespmem:$0x28A0];
	_ =	sdelay $0x3  }
0x19e: {  	v1 =	vshll.u32 v1, $0x5  }
0x19f: {  	v1 =	vadd.s32 v2, v1  }
0x1a0: {  	[tilespmem:$0x2920] =	vst v1  }
0x1a1: {  	v1 =	vld [tilespmem:s25+$0x14B0]  }
0x1a2: {  	v2 =	vld [tilespmem:$0x28B0];
	_ =	sdelay $0x3  }
0x1a3: {  	v1 =	vshll.u32 v1, $0x5  }
0x1a4: {  	v1 =	vadd.s32 v2, v1  }
0x1a5: {  	[tilespmem:$0x2930] =	vst v1  }
0x1a6: {  	v1 =	vld [tilespmem:s25+$0x14C0]  }
0x1a7: {  	v2 =	vld [tilespmem:$0x28C0];
	_ =	sdelay $0x3  }
0x1a8: {  	v1 =	vshll.u32 v1, $0x5  }
0x1a9: {  	v1 =	vadd.s32 v2, v1  }
0x1aa: {  	[tilespmem:$0x2940] =	vst v1  }
0x1ab: {  	v1 =	vld [tilespmem:s25+$0x14D0]  }
0x1ac: {  	v2 =	vld [tilespmem:$0x28D0];
	_ =	sdelay $0x3  }
0x1ad: {  	v1 =	vshll.u32 v1, $0x5  }
0x1ae: {  	v1 =	vadd.s32 v2, v1  }
0x1af: {  	[tilespmem:$0x2950] =	vst v1  }
0x1b0: {  	v1 =	vld [tilespmem:s25+$0x14E0]  }
0x1b1: {  	v2 =	vld [tilespmem:$0x28E0];
	_ =	sdelay $0x3  }
0x1b2: {  	v1 =	vshll.u32 v1, $0x5  }
0x1b3: {  	v1 =	vadd.s32 v2, v1  }
0x1b4: {  	[tilespmem:$0x2960] =	vst v1  }
0x1b5: {  	v1 =	vld [tilespmem:s25+$0x14F0]  }
0x1b6: {  	v2 =	vld [tilespmem:$0x28F0];
	_ =	sdelay $0x3  }
0x1b7: {  	v1 =	vshll.u32 v1, $0x5  }
0x1b8: {  	v1 =	vadd.s32 v2, v1  }
0x1b9: {  	s25 =	simm.s32 @!p1 $0x2880;
	[tilespmem:$0x2970] =	vst v1  }
0x1ba: {  	[tilespmem:s25], [sflag:$0x2] =	stream.indirect.gather @!p1 [hbm4b:s5+s26], $0x1, s28, s26, $0xb8;
	[tilespmem:$0x7900] =	vst v63  }
.Ltmp1:
0x1bb: {  	_ = 	snop;
	(pc) =	sbr.rel @p0 .LBB2_4-.Ltmp1, $4  }
0x1bc: {  	_ = 	snop  }
0x1bd: {  	[spmem:s2] =	stream.indirect.scatter.add.f32 [tilespmem:s21], [sflag:$0x3], $0x1, s20, s16, $0xb8;
	[tilespmem:$0x7900] =	vst v63  }
0x1be: {  	_ =	swait.ge [sflag:s14], $0x80  }
0x1bf: {  	[sflag:s14] =	ssyncset.done $0x0  }
0x1c0: {  	s23 =	sadd.s32 $0x1, s23  }
0x1c1: {  	[sflag:s14] =	ssyncadd.s32 $0xFFFFFF80;
	p0 =	sne.s32 s23, s12  }
.Ltmp2:
0x1c2: {  	[bflag:$0x0] =	sbarrier.arrive $0xFFFF;
	(pc) =	sbr.rel @p0 .LBB2_1-.Ltmp2, $4  }
0x1c3: {  	[hbm:s11], [sflag:s6] =	dma.local [spmem:s13], $0x9E0  }
0x1c4: {  	_ =	swait.ge [sflag:s14], $0x9E0  }
0x1c5: {  	[sflag:s14] =	ssyncset.done $0x0  }
0x1c6: {  	[sflag:s14] =	ssyncadd.s32 $0xFFFFF620  }
0x1c7: {  	_ =	sfence.sel $0x180000  }
0x1c8: {  	[bflag:$0x0] =	sbarrier.arrive $0xFFFF  }
0x1c9: {  	p0 =	sne.s32 s1, $0x0;
	_ =	strace $0x90000047  }
0x1ca: {  	s0 =	sadd.s32 @!p0 $0x100000, s0;
	[bflag:$0x2] =	sbarrier.arrive $0xFFFF  }
0x1cb: {  	[sflag:s0] =	ssyncadd.tile.s32 @!p0 $0x1;
	_ =	shalt  }
.Lfunc_end2:
_tile_overlayer_lowered:
.L_overlay_start_2:
0x1cc: {  	(tag) =	ssettag $0x2  }
0x1cd: {  	s0 =	rddreg [dreg:$0x0];
	s2 =	stileid.u32  }
0x1ce: {  	s1 =	rddreg [dreg:$0x1];
	p0 =	sne.s32 s2, $0x0  }
0x1cf: {  	s3 =	rddreg [dreg:$0x2];
	[bflag:$0x3] =	sbarrier.arrive $0xFFFF;
	s2 =	simm.s32 @!p0 $0x1C03  }
0x1d0: {  	[timem:s3], [sflag:s2] =	dma.local @!p0 [hbm:s0], s1  }
0x1d1: {  	s0 =	simm.s32 @!p0 $0x3  }
0x1d2: {  	_ =	swait.ge @!p0 [sflag:s0], s1  }
0x1d3: {  	s1 =	ssub.s32 @!p0 $0x0, s1;
	[sflag:s0] =	ssyncset.done @!p0 $0x0  }
0x1d4: {  	[sflag:s0] =	ssyncadd.s32 @!p0 s1  }
0x1d5: {  	[bflag:$0x3] =	sbarrier.arrive $0xFFFF  }
0x1d6: {  	_ =	shalt  }

// kernel: kernel.13.cloned.1.call-start
scs
__scs_entry_jumppad:
0x0: {  	(pc) =	sbr.rel $0x88, $3  }
0x1: {  	(tag) =	ssettag $0x0;
	lr =	simm.s32 $0x1  }
0x2: {  	[smem:$0x3F93] =	sst lr;
	_ =	strace $0xD0000000  }
0x3: {  	_ = 	snop  }
0x4: {  	_ = 	snop  }
0x5: {  	_ = 	snop  }
0x6: {  	_ = 	snop  }
0x7: {  	_ = 	snop  }
__scs_overlays_trampoline_lowered:
0x8: {  	[smem:$0x3FA2] =	sst s0  }
0x9: {  	[smem:$0x3FA3] =	sst s1  }
0xa: {  	[smem:$0x3FA4] =	sst s2  }
0xb: {  	[smem:$0x3FA5] =	sst s3  }
0xc: {  	[smem:$0x3FA6] =	sst s4  }
0xd: {  	[smem:$0x3FA7] =	sst s5  }
0xe: {  	[smem:$0x3FA8] =	sst s6  }
0xf: {  	[smem:$0x3FA9] =	sst s7  }
0x10: {  	[smem:$0x3FAA] =	sst s8  }
0x11: {  	[smem:$0x3FAB] =	sst s9;
	s0 =	simm.s32 @!p0 $0x0  }
0x12: {  	s1 =	sld [smem:$0x3F91];
	s0 =	simm.s32 @p0 $0x1  }
0x13: {  	[smem:$0x3FAC] =	sst s0;
	s0 =	simm.s32 @!p1 $0x0  }
0x14: {  	s2 =	sld [smem:$0x3F90];
	s0 =	simm.s32 @p1 $0x1  }
0x15: {  	[smem:$0x3FAD] =	sst s0;
	s0 =	simm.s32 @!p2 $0x0  }
0x16: {  	s3 =	sld [smem:$0x3FDB];
	s0 =	simm.s32 @p2 $0x1  }
0x17: {  	s4 =	simm.s32 $0x1BF5;
	[smem:$0x3FAF] =	sst s0  }
0x18: {  	s0 =	sld [smem:$0x3F92];
	_ =	swait.ge [sflag:s4], $0x0  }
0x19: {  	s7 =	sld [smem:$0x3F93]  }
0x1a: {  	s8 =	sadd.s32 $0xFFFFE003, lr  }
0x1b: {  	s9 =	sadd.s32 $0xFFFFFEF7, lr;
	s5 =	simm.s32 $0xFFFFFFFF;
	p2 =	slt.u32 s8, $0xFFFFF086  }
0x1c: {  	p1 =	slt.u32 s9, $0xF7A;
	s5 =	simm.s32 @!p2 $0x0  }
0x1d: {  	s5 =	simm.s32 @p1 $0x1;
	p0 =	seq.s32 s7, s2  }
0x1e: {  	s7 =	smul.u32 @!p0 $0xF7A, s2;
	p2 =	seq.s32 @!p0 s5, $0x0  }
0x1f: {  	s9 =	smul.u32 $0xF7A, s1;
	s8 =	simm.s32 @!p0 $0x1BF5;
	p2 =	por !p2, p0  }
0x20: {  	[sflag:s8] =	ssyncset.s32 @!p0 $0xFFFFF086;
	s6 =	sadd.s32 @!p0 s3, s7;
	s7 =	simm.s32 @!p0 $0x108  }
0x21: {  	s3 =	sadd.s32 s3, s9;
	s6 =	sadd.s32 @!p0 $0x88, s6;
	s7 =	simm.s32 @p2 $0x1082  }
0x22: {  	[simem:s7], [sflag:s8] =	dma.local @!p0 [hbm:s6], $0xF7A  }
0x23: {  	s9 =	sor.u32 $0xD0000000, s2;
	s6 =	simm.s32 $0x108;
	_ =	swait.ge @!p0 [sflag:s8], $0x0  }
0x24: {  	s3 =	sadd.s32 $0x88, s3;
	s6 =	simm.s32 @!p1 $0x1082;
	[sflag:s4] =	ssyncset.s32 $0xFFFFF086  }
0x25: {  	[simem:s6], [sflag:s4] =	dma.local [hbm:s3], $0xF7A  }
0x26: {  	[smem:$0x3F93] =	sst s1;
	(tag) =	ssettag s2;
	_ =	strace s9  }
0x27: {  	s1 =	sld [smem:$0x3FA3]  }
0x28: {  	s2 =	sld [smem:$0x3FA4]  }
0x29: {  	s4 =	sld [smem:$0x3FA6]  }
0x2a: {  	p0 =	seq.s32 s5, $0x0;
	s5 =	sld [smem:$0x3FA7]  }
0x2b: {  	s6 =	sld [smem:$0x3FA8]  }
0x2c: {  	s7 =	sld [smem:$0x3FA9]  }
0x2d: {  	s3 =	simm.s32 $0x108;
	s8 =	sld [smem:$0x3FAA]  }
0x2e: {  	s3 =	simm.s32 @!p0 $0x1082;
	s9 =	sld [smem:$0x3FAB]  }
0x2f: {  	lr =	sadd.s32 s0, s3;
	s0 =	sld [smem:$0x3FA2]  }
0x30: {  	s3 =	sld [smem:$0x3FA5]  }
0x31: {  	[smem:$0x3FAE] =	sst s10  }
0x32: {  	s10 =	sld [smem:$0x3FAC];
	_ =	sdelay $0x3  }
0x33: {  	p0 =	seq.s32 s10, $0x1;
	s10 =	sld [smem:$0x3FAE];
	_ =	sdelay $0x3  }
0x34: {  	[smem:$0x3FAE] =	sst s10  }
0x35: {  	s10 =	sld [smem:$0x3FAD];
	_ =	sdelay $0x3  }
0x36: {  	p1 =	seq.s32 s10, $0x1;
	s10 =	sld [smem:$0x3FAE];
	_ =	sdelay $0x3  }
0x37: {  	[smem:$0x3FAE] =	sst s10  }
0x38: {  	s10 =	sld [smem:$0x3FAF]  }
0x39: {  	_ = 	snop;
	(pc) =	sbr.ind lr, $3  }
0x3a: {  	_ = 	snop  }
0x3b: {  	_ = 	snop  }
0x3c: {  	p2 =	seq.s32 s10, $0x1;
	s10 =	sld [smem:$0x3FAE]  }
0x3d: {  	_ =	shalt  }
0x3e: {  	_ =	shalt  }
0x3f: {  	_ =	shalt  }
0x40: {  	_ =	shalt  }
0x41: {  	_ =	shalt  }
0x42: {  	_ =	shalt  }
0x43: {  	_ =	shalt  }
0x44: {  	_ =	shalt  }
0x45: {  	_ =	shalt  }
0x46: {  	_ =	shalt  }
0x47: {  	_ =	shalt  }
0x48: {  	_ =	shalt  }
0x49: {  	_ =	shalt  }
0x4a: {  	_ =	shalt  }
0x4b: {  	_ =	shalt  }
0x4c: {  	_ =	shalt  }
0x4d: {  	_ =	shalt  }
0x4e: {  	_ =	shalt  }
0x4f: {  	_ =	shalt  }
0x50: {  	_ =	shalt  }
0x51: {  	_ =	shalt  }
0x52: {  	_ =	shalt  }
0x53: {  	_ =	shalt  }
0x54: {  	_ =	shalt  }
0x55: {  	_ =	shalt  }
0x56: {  	_ =	shalt  }
0x57: {  	_ =	shalt  }
0x58: {  	_ =	shalt  }
0x59: {  	_ =	shalt  }
0x5a: {  	_ =	shalt  }
0x5b: {  	_ =	shalt  }
0x5c: {  	_ =	shalt  }
0x5d: {  	_ =	shalt  }
0x5e: {  	_ =	shalt  }
0x5f: {  	_ =	shalt  }
0x60: {  	_ =	shalt  }
0x61: {  	_ =	shalt  }
0x62: {  	_ =	shalt  }
0x63: {  	_ =	shalt  }
0x64: {  	_ =	shalt  }
0x65: {  	_ =	shalt  }
0x66: {  	_ =	shalt  }
0x67: {  	_ =	shalt  }
0x68: {  	_ =	shalt  }
0x69: {  	_ =	shalt  }
0x6a: {  	_ =	shalt  }
0x6b: {  	_ =	shalt  }
0x6c: {  	_ =	shalt  }
0x6d: {  	_ =	shalt  }
0x6e: {  	_ =	shalt  }
0x6f: {  	_ =	shalt  }
0x70: {  	_ =	shalt  }
0x71: {  	_ =	shalt  }
0x72: {  	_ =	shalt  }
0x73: {  	_ =	shalt  }
0x74: {  	_ =	shalt  }
0x75: {  	_ =	shalt  }
0x76: {  	_ =	shalt  }
0x77: {  	_ =	shalt  }
0x78: {  	_ =	shalt  }
0x79: {  	_ =	shalt  }
0x7a: {  	_ =	shalt  }
0x7b: {  	_ =	shalt  }
0x7c: {  	_ =	shalt  }
0x7d: {  	_ =	shalt  }
0x7e: {  	_ =	shalt  }
0x7f: {  	_ =	shalt  }
0x80: {  	_ =	shalt  }
0x81: {  	_ =	shalt  }
0x82: {  	_ =	shalt  }
0x83: {  	_ =	shalt  }
0x84: {  	_ =	shalt  }
0x85: {  	_ =	shalt  }
0x86: {  	_ =	shalt  }
0x87: {  	_ =	shalt  }
.Lfunc_end0:
.L_simem_size_0:
called_computation.1_lowered:
.L_overlay_start_0:
0x88: {  	s2 =	sld [smem:$0x3FD9]  }
0x89: {  	s3 =	sld [smem:$0x3FFE];
	_ =	sdelay $0x1  }
0x8a: {  	s1 =	srdreg.scid  }
0x8b: {  	s0 =	sand.u32 $0x1, s1  }
0x8c: {  	s16 =	sshll.u32 s0, $0xA;
	s2 =	sadd.s32 s3, s2  }
0x8d: {  	s2 =	sadd.s32 s2, s16  }
0x8e: {  	[smem:$0x3FBA] =	sst s2  }
0x8f: {  	_ = 	snop  }
0x90: {  	(tm) =	ssettm $0x1  }
0x91: {  	s17 =	sld [smem:$0x3FFB];
	_ =	sdelay $0x3  }
0x92: {  	_ =	strace s17  }
0x93: {  	s2 =	sld [smem:$0x3FFC];
	_ =	sdelay $0x3  }
0x94: {  	_ =	strace s2  }
0x95: {  	s2 =	sld [smem:$0x3FFD];
	_ =	sdelay $0x3  }
0x96: {  	_ =	strace s2  }
0x97: {  	_ =	strace $0x8FFFFFFF  }
0x98: {  	s18 =	sld [smem:$0x3FDB];
	_ =	sdelay $0x1  }
0x99: {  	s19 =	simm.s32 $_scs_section_size  }
0x9a: {  	s4 =	simm.s32 $_size__tile_overlayer_lowered;
	s5 =	simm.s32 $_tile_overlayer_lowered  }
0x9b: {  	s22 =	simm.s32 $0x1BFF;
	s21 =	sshll.u32 s5, $0x1;
	s2 =	sadd.s32 s19, s18  }
0x9c: {  	s6 =	simm.s32 $0x0;
	s20 =	sshll.u32 s4, $0x1;
	s4 =	sadd.s32 s21, s2  }
0x9d: {  	[timem:s6], [sflag:s22] =	dma.local [hbm:s4], s20  }
0x9e: {  	_ =	swait.ge [sflag:s22], s20  }
0x9f: {  	s3 =	ssub.s32 $0x0, s20;
	[sflag:s22] =	ssyncset.done $0x0  }
0xa0: {  	[sflag:s22] =	ssyncadd.s32 s3;
	_ =	sdelay $0x1  }
0xa1: {  	s23 =	simm.s32 $0x1B8B  }
0xa2: {  	_ =	swait.ge [sflag:s23], $0x1  }
0xa3: {  	[sflag:s23] =	ssyncset.done $0x0  }
0xa4: {  	s25 =	simm.s32 $0x1B8E;
	s24 =	sld [smem:$0x3FFE];
	[sflag:s23] =	ssyncadd.s32 $0xFFFFFFFF  }
0xa5: {  	s26 =	simm.s32 $execute0_lowered;
	[smem:$0x3FD2] =	sst s25  }
0xa6: {  	s4 =	sshll.u32 s26, $0x1;
	_ =	strace $0x80000049;
	[dreg:$0x1] =	wrdreg $0xFFFFFFFF  }
0xa7: {  	s28 =	simm.s32 $_size_execute0_lowered;
	s2 =	sadd.s32 s2, s4;
	[dreg:$0x0] =	wrdreg $0x0  }
0xa8: {  	s4 =	sshll.u32 s28, $0x1;
	[dreg:$0x2] =	wrdreg s2  }
0xa9: {  	[dreg:$0x3] =	wrdreg s4  }
0xaa: {  	[dreg:$0x4] =	wrdreg $0xC0  }
0xab: {  	_ =	task [dreg:s6], $0x5FFFF  }
0xac: {  	[dreg:$0x1] =	wrdreg $0xFFFFFFFF  }
0xad: {  	[dreg:$0x0] =	wrdreg $0x60  }
0xae: {  	[dreg:$0x2] =	wrdreg s24  }
0xaf: {  	[dreg:$0x3] =	wrdreg $0xA8000  }
0xb0: {  	[dreg:$0x4] =	wrdreg $0x9  }
0xb1: {  	_ =	task.clear_ibuf [dreg:s6], $0x5FFFF;
	_ =	strace $0x90000049  }
0xb2: {  	s29 =	simm.s32 $0x9;
	_ =	strace $0x8000004B  }
0xb3: {  	_ =	swait.ge [sflag:s29], $0x1  }
0xb4: {  	[sflag:s29] =	ssyncadd.s32 $0xFFFFFFFF  }
0xb5: {  	_ =	strace $0x9000004B  }
0xb6: {  	_ =	sfence  }
0xb7: {  	s30 =	sld [smem:$0x0];
	_ =	sdelay $0x2  }
0xb8: {  	s31 =	sshll.u32 s1, $0xD;
	s1 =	sshrl.u32 s1, $0x2  }
0xb9: {  	s3 =	sand.u32 $0x4000, s31;
	s1 =	sadd.s32 s1, s30  }
0xba: {  	s0 =	sor.u32 s3, s0;
	s1 =	sshll.u32 s1, $0x11  }
0xbb: {  	s0 =	sor.u32 s1, s0  }
0xbc: {  	s0 =	sadd.s32 $0x8F2B, s0  }
0xbd: {  	[sflag:s0] =	ssyncadd.remote.s32 $0x1  }
0xbe: {  	_ =	sfence.sel $0xFFFF  }
0xbf: {  	[dreg:$0x0] =	wrdreg $0xFFFFFFFF;
	(pc) =	sbr.abs _section_cstart, $3  }
0xc0: {  	[dreg:$0x1] =	wrdreg $0xFFFFFFFF  }
0xc1: {  	_ =	task.clear_ibuf [dreg:s6], $0x2FFFF;
	_ =	strace $0x9FFFFFFF  }
0xc2: {  	(tm) =	ssettm $0x7FFFFFFF  }
0xc3: {  	_ =	shalt  }
tec
execute0_lowered:
.L_overlay_start_1:
0x0: {  	(tag) =	ssettag $0x1  }
0x1: {  	s6 =	rddreg [dreg:$0x0]  }
0x2: {  	s2 =	rddreg [dreg:$0x1]  }
0x3: {  	s0 =	rddreg [dreg:$0x2]  }
0x4: {  	s3 =	simm.s32 $0x0;
	s4 =	srdreg.scid;
	s1 =	stileid.u32  }
0x5: {  	s16 =	simm.s32 $0x80;
	s17 =	simm.s32 $0x2800;
	s18 =	simm.s32 $0x6800  }
0x6: {  	s19 =	simm.s32 $0x1;
	s20 =	simm.s32 $0x2;
	s21 =	simm.s32 $0x2700  }
0x7: {  	s22 =	simm.s32 $0x2780;
	s23 =	simm.s32 $0x0;
	[smem:$0x7FF] =	sst s3  }
0x8: {  	s7 =	sand.u32 $0x1, s4;
	s8 =	smul.u32 $0x2780, s1;
	s9 =	sadd.s32 $0xD000, s6  }
0x9: {  	s11 =	sadd.s32 $0x3000, s6;
	s4 =	sadd.s32 $0x3E200, s6;
	s5 =	sadd.s32 $0x17000, s6  }
0xa: {  	s12 =	sshll.u32 s1, $0x1;
	s14 =	smul.u32 $0x4F000, s1;
	s29 =	sshll.u32 s1, $0x6  }
0xb: {  	s10 =	smul.u32 $0x27800, s7;
	s24 =	ssub.s32 $0x2, s7;
	s7 =	sor.u32 s7, s12  }
0xc: {  	_ =	strace $0x8000004A;
	s13 =	sshrl.u32 s24, $0x1;
	s26 =	smul.u32 $0x2800, s7  }
0xd: {  	s28 =	sshrl.u32 s14, $0x2;
	s30 =	smul.u32 $0x500, s7;
	s14 =	simm.s32 $0x3  }
0xe: {  	s8 =	sadd.s32 s8, s10;
	s13 =	ssub.s32 s24, s13;
	s15 =	sadd.s32 s28, s2  }
0xf: {  	s25 =	sadd.s32 s8, s6;
	s6 =	sor.u32 $0x1C03, s29;
	s31 =	sshrl.u32 s26, $0x3  }
0x10: {  	s7 =	sadd.s32 s9, s30;
	s8 =	sadd.s32 s11, s30;
	s12 =	smax.u32 s13, $0x1  }
0x11: {  	s13 =	sshrl.u32 s15, $0x3;
	s15 =	simm.s32 $0x1400;
	s10 =	sadd.s32 $0x280, s31  }
0x12: {  	s9 =	sadd.s32 s9, s10;
	s10 =	sadd.s32 s11, s10;
	s11 =	sadd.s32 $0x40A00, s25  }
.LBB2_1:
0x13: {  	[spmem:s13], [sflag:s6] =	dma.local [hbm:s4], $0x2780  }
0x14: {  	_ =	swait.ge [sflag:s14], $0x2780  }
0x15: {  	[sflag:s14] =	ssyncset.done $0x0  }
0x16: {  	[sflag:s14] =	ssyncadd.s32 $0xFFFFD880  }
0x17: {  	[bflag:$0x0] =	sbarrier.arrive $0xFFFF  }
0x18: {  	[tilespmem:s3], [sflag:$0x3] =	stream.linear.gather [hbm4b:s7+s3], $0x1400, $0x38;
	[tilespmem:$0x1E400] =	vst v63  }
0x19: {  	_ =	swait.ge [sflag:s14], $0x1400  }
0x1a: {  	[sflag:s14] =	ssyncset.done $0x0  }
0x1b: {  	[sflag:s14] =	ssyncadd.s32 $0xFFFFEC00  }
0x1c: {  	[tilespmem:s15], [sflag:$0x3] =	stream.linear.gather [hbm4b:s8+s3], $0x1400, $0x38;
	[tilespmem:$0x1E400] =	vst v63  }
0x1d: {  	_ =	swait.ge [sflag:s14], $0x1400  }
0x1e: {  	[sflag:s14] =	ssyncset.done $0x0  }
0x1f: {  	[sflag:s14] =	ssyncadd.s32 $0xFFFFEC00  }
0x20: {  	[tilespmem:s17], [sflag:$0x1] =	stream.indirect.gather [hbm4b:s5+s16], $0x80, s3, s16, $0xb8;
	[tilespmem:$0x1E400] =	vst v63  }
0x21: {  	_ = 	snop  }
0x22: {  	[tilespmem:s18], [sflag:$0x2] =	stream.indirect.gather [hbm4b:s5+s16], $0x80, s16, s16, $0xb8;
	[tilespmem:$0x1E400] =	vst v63  }
0x23: {  	_ =	swait.ge [sflag:s19], $0x4000  }
0x24: {  	[sflag:s19] =	ssyncset.done $0x0  }
0x25: {  	s24 =	simm.s32 $0x1400;
	[sflag:s19] =	ssyncadd.s32 $0xFFFFC000  }
0x26: {  	[spmem:s2] =	stream.indirect.scatter.add.f32 [tilespmem:s17], [sflag:$0x3], $0x80, s24, s16, $0xb8;
	[tilespmem:$0x1E400] =	vst v63  }
0x27: {  	_ =	swait.ge [sflag:s14], $0x4000  }
0x28: {  	[sflag:s14] =	ssyncset.done $0x0  }
0x29: {  	s30 =	simm.s32 $0x100;
	[sflag:s14] =	ssyncadd.s32 $0xFFFFC000  }
0x2a: {  	[tilespmem:s17], [sflag:$0x1] =	stream.indirect.gather [hbm4b:s5+s16], $0x80, s30, s16, $0xb8;
	[tilespmem:$0x1E400] =	vst v63  }
0x2b: {  	_ =	swait.ge [sflag:s20], $0x4000  }
0x2c: {  	[sflag:s20] =	ssyncset.done $0x0  }
0x2d: {  	s31 =	simm.s32 $0x1480;
	[sflag:s20] =	ssyncadd.s32 $0xFFFFC000  }
0x2e: {  	[spmem:s2] =	stream.indirect.scatter.add.f32 [tilespmem:s18], [sflag:$0x3], $0x80, s31, s16, $0xb8;
	[tilespmem:$0x1E400] =	vst v63  }
0x2f: {  	_ =	swait.ge [sflag:s14], $0x4000  }
0x30: {  	[sflag:s14] =	ssyncset.done $0x0  }
0x31: {  	s25 =	simm.s32 $0x180;
	s24 =	simm.s32 $0x400;
	[sflag:s14] =	ssyncadd.s32 $0xFFFFC000  }
.LBB2_2:
0x32: {  	[tilespmem:s18], [sflag:$0x2] =	stream.indirect.gather [hbm4b:s5+s16], $0x80, s25, s16, $0xb8;
	[tilespmem:$0x1E400] =	vst v63  }
0x33: {  	s25 =	smov.u32 s24  }
0x34: {  	p0 =	sne.s32 s24, $0x4800;
	s24 =	sadd.s32 $0x400, s24;
	_ =	swait.ge [sflag:s19], $0x4000  }
0x35: {  	s25 =	sshra.s32 s25, $0x2;
	[sflag:s19] =	ssyncset.done $0x0  }
0x36: {  	s26 =	sadd.s32 $0x1400, s25;
	[sflag:s19] =	ssyncadd.s32 $0xFFFFC000  }
0x37: {  	[spmem:s2] =	stream.indirect.scatter.add.f32 [tilespmem:s17], [sflag:$0x3], $0x80, s26, s16, $0xb8;
	[tilespmem:$0x1E400] =	vst v63  }
0x38: {  	_ =	swait.ge [sflag:s14], $0x4000  }
0x39: {  	[sflag:s14] =	ssyncset.done $0x0  }
0x3a: {  	s26 =	sadd.s32 $0x100, s25;
	[sflag:s14] =	ssyncadd.s32 $0xFFFFC000  }
0x3b: {  	[tilespmem:s17], [sflag:$0x1] =	stream.indirect.gather [hbm4b:s5+s16], $0x80, s26, s16, $0xb8;
	[tilespmem:$0x1E400] =	vst v63  }
0x3c: {  	_ =	swait.ge [sflag:s20], $0x4000  }
0x3d: {  	[sflag:s20] =	ssyncset.done $0x0  }
.Ltmp0:
0x3e: {  	s26 =	sadd.s32 $0x1480, s25;
	[sflag:s20] =	ssyncadd.s32 $0xFFFFC000;
	(pc) =	sbr.rel @p0 .LBB2_2-.Ltmp0, $4  }
0x3f: {  	[spmem:s2] =	stream.indirect.scatter.add.f32 [tilespmem:s18], [sflag:$0x3], $0x80, s26, s16, $0xb8;
	[tilespmem:$0x1E400] =	vst v63  }
0x40: {  	_ =	swait.ge [sflag:s14], $0x4000  }
0x41: {  	[sflag:s14] =	ssyncset.done $0x0  }
0x42: {  	s25 =	sadd.s32 $0x180, s25;
	[sflag:s14] =	ssyncadd.s32 $0xFFFFC000  }
0x43: {  	[tilespmem:s18], [sflag:$0x2] =	stream.indirect.gather [hbm4b:s5+s16], $0x80, s25, s16, $0xb8;
	[tilespmem:$0x1E400] =	vst v63  }
0x44: {  	_ =	swait.ge [sflag:s19], $0x4000  }
0x45: {  	[sflag:s19] =	ssyncset.done $0x0  }
0x46: {  	[sflag:s19] =	ssyncadd.s32 $0xFFFFC000  }
0x47: {  	[spmem:s2] =	stream.indirect.scatter.add.f32 [tilespmem:s17], [sflag:$0x3], $0x80, s21, s16, $0xb8;
	[tilespmem:$0x1E400] =	vst v63  }
0x48: {  	_ =	swait.ge [sflag:s14], $0x4000  }
0x49: {  	[sflag:s14] =	ssyncset.done $0x0  }
0x4a: {  	[sflag:s14] =	ssyncadd.s32 $0xFFFFC000  }
0x4b: {  	_ =	swait.ge [sflag:s20], $0x4000  }
0x4c: {  	[sflag:s20] =	ssyncset.done $0x0  }
0x4d: {  	[sflag:s20] =	ssyncadd.s32 $0xFFFFC000  }
0x4e: {  	[spmem:s2] =	stream.indirect.scatter.add.f32 [tilespmem:s18], [sflag:$0x3], $0x80, s22, s16, $0xb8;
	[tilespmem:$0x1E400] =	vst v63  }
0x4f: {  	_ =	swait.ge [sflag:s14], $0x4000  }
0x50: {  	[sflag:s14] =	ssyncset.done $0x0  }
0x51: {  	s24 =	simm.s32 $0x0;
	[sflag:s14] =	ssyncadd.s32 $0xFFFFC000  }
0x52: {  	[tilespmem:s24], [sflag:$0x3] =	stream.linear.gather [hbm4b:s9+s24], $0x1400, $0x38;
	[tilespmem:$0x1E400] =	vst v63  }
0x53: {  	_ =	swait.ge [sflag:s14], $0x1400  }
0x54: {  	[sflag:s14] =	ssyncset.done $0x0  }
0x55: {  	[sflag:s14] =	ssyncadd.s32 $0xFFFFEC00  }
0x56: {  	[tilespmem:s15], [sflag:$0x3] =	stream.linear.gather [hbm4b:s10+s24], $0x1400, $0x38;
	[tilespmem:$0x1E400] =	vst v63  }
0x57: {  	_ =	swait.ge [sflag:s14], $0x1400  }
0x58: {  	[sflag:s14] =	ssyncset.done $0x0  }
0x59: {  	[sflag:s14] =	ssyncadd.s32 $0xFFFFEC00  }
0x5a: {  	[tilespmem:s17], [sflag:$0x1] =	stream.indirect.gather [hbm4b:s5+s16], $0x80, s24, s16, $0xb8;
	[tilespmem:$0x1E400] =	vst v63  }
0x5b: {  	_ = 	snop  }
0x5c: {  	[tilespmem:s18], [sflag:$0x2] =	stream.indirect.gather [hbm4b:s5+s16], $0x80, s16, s16, $0xb8;
	[tilespmem:$0x1E400] =	vst v63  }
0x5d: {  	_ =	swait.ge [sflag:s19], $0x4000  }
0x5e: {  	[sflag:s19] =	ssyncset.done $0x0  }
0x5f: {  	s29 =	simm.s32 $0x1400;
	[sflag:s19] =	ssyncadd.s32 $0xFFFFC000  }
0x60: {  	[spmem:s2] =	stream.indirect.scatter.add.f32 [tilespmem:s17], [sflag:$0x3], $0x80, s29, s16, $0xb8;
	[tilespmem:$0x1E400] =	vst v63  }
0x61: {  	_ =	swait.ge [sflag:s14], $0x4000  }
0x62: {  	[sflag:s14] =	ssyncset.done $0x0  }
0x63: {  	s30 =	simm.s32 $0x100;
	[sflag:s14] =	ssyncadd.s32 $0xFFFFC000  }
0x64: {  	[tilespmem:s17], [sflag:$0x1] =	stream.indirect.gather [hbm4b:s5+s16], $0x80, s30, s16, $0xb8;
	[tilespmem:$0x1E400] =	vst v63  }
0x65: {  	_ =	swait.ge [sflag:s20], $0x4000  }
0x66: {  	[sflag:s20] =	ssyncset.done $0x0  }
0x67: {  	s31 =	simm.s32 $0x1480;
	[sflag:s20] =	ssyncadd.s32 $0xFFFFC000  }
0x68: {  	[spmem:s2] =	stream.indirect.scatter.add.f32 [tilespmem:s18], [sflag:$0x3], $0x80, s31, s16, $0xb8;
	[tilespmem:$0x1E400] =	vst v63  }
0x69: {  	_ =	swait.ge [sflag:s14], $0x4000  }
0x6a: {  	[sflag:s14] =	ssyncset.done $0x0  }
0x6b: {  	s25 =	simm.s32 $0x180;
	s24 =	simm.s32 $0x400;
	[sflag:s14] =	ssyncadd.s32 $0xFFFFC000  }
.LBB2_4:
0x6c: {  	[tilespmem:s18], [sflag:$0x2] =	stream.indirect.gather [hbm4b:s5+s16], $0x80, s25, s16, $0xb8;
	[tilespmem:$0x1E400] =	vst v63  }
0x6d: {  	s25 =	smov.u32 s24  }
0x6e: {  	p0 =	sne.s32 s24, $0x4800;
	s24 =	sadd.s32 $0x400, s24;
	_ =	swait.ge [sflag:s19], $0x4000  }
0x6f: {  	s25 =	sshra.s32 s25, $0x2;
	[sflag:s19] =	ssyncset.done $0x0  }
0x70: {  	s26 =	sadd.s32 $0x1400, s25;
	[sflag:s19] =	ssyncadd.s32 $0xFFFFC000  }
0x71: {  	[spmem:s2] =	stream.indirect.scatter.add.f32 [tilespmem:s17], [sflag:$0x3], $0x80, s26, s16, $0xb8;
	[tilespmem:$0x1E400] =	vst v63  }
0x72: {  	_ =	swait.ge [sflag:s14], $0x4000  }
0x73: {  	[sflag:s14] =	ssyncset.done $0x0  }
0x74: {  	s26 =	sadd.s32 $0x100, s25;
	[sflag:s14] =	ssyncadd.s32 $0xFFFFC000  }
0x75: {  	[tilespmem:s17], [sflag:$0x1] =	stream.indirect.gather [hbm4b:s5+s16], $0x80, s26, s16, $0xb8;
	[tilespmem:$0x1E400] =	vst v63  }
0x76: {  	_ =	swait.ge [sflag:s20], $0x4000  }
0x77: {  	[sflag:s20] =	ssyncset.done $0x0  }
.Ltmp1:
0x78: {  	s26 =	sadd.s32 $0x1480, s25;
	[sflag:s20] =	ssyncadd.s32 $0xFFFFC000;
	(pc) =	sbr.rel @p0 .LBB2_4-.Ltmp1, $4  }
0x79: {  	[spmem:s2] =	stream.indirect.scatter.add.f32 [tilespmem:s18], [sflag:$0x3], $0x80, s26, s16, $0xb8;
	[tilespmem:$0x1E400] =	vst v63  }
0x7a: {  	_ =	swait.ge [sflag:s14], $0x4000  }
0x7b: {  	[sflag:s14] =	ssyncset.done $0x0  }
0x7c: {  	s25 =	sadd.s32 $0x180, s25;
	[sflag:s14] =	ssyncadd.s32 $0xFFFFC000  }
0x7d: {  	[tilespmem:s18], [sflag:$0x2] =	stream.indirect.gather [hbm4b:s5+s16], $0x80, s25, s16, $0xb8;
	[tilespmem:$0x1E400] =	vst v63  }
0x7e: {  	_ =	swait.ge [sflag:s19], $0x4000  }
0x7f: {  	[sflag:s19] =	ssyncset.done $0x0  }
0x80: {  	[sflag:s19] =	ssyncadd.s32 $0xFFFFC000  }
0x81: {  	[spmem:s2] =	stream.indirect.scatter.add.f32 [tilespmem:s17], [sflag:$0x3], $0x80, s21, s16, $0xb8;
	[tilespmem:$0x1E400] =	vst v63  }
0x82: {  	_ =	swait.ge [sflag:s14], $0x4000  }
0x83: {  	[sflag:s14] =	ssyncset.done $0x0  }
0x84: {  	[sflag:s14] =	ssyncadd.s32 $0xFFFFC000  }
0x85: {  	_ =	swait.ge [sflag:s20], $0x4000  }
0x86: {  	[sflag:s20] =	ssyncset.done $0x0  }
0x87: {  	[sflag:s20] =	ssyncadd.s32 $0xFFFFC000  }
0x88: {  	[spmem:s2] =	stream.indirect.scatter.add.f32 [tilespmem:s18], [sflag:$0x3], $0x80, s22, s16, $0xb8;
	[tilespmem:$0x1E400] =	vst v63  }
0x89: {  	_ =	swait.ge [sflag:s14], $0x4000  }
0x8a: {  	s23 =	sadd.s32 $0x1, s23;
	[sflag:s14] =	ssyncset.done $0x0  }
0x8b: {  	p0 =	sne.s32 s23, s12;
	[sflag:s14] =	ssyncadd.s32 $0xFFFFC000  }
.Ltmp2:
0x8c: {  	[bflag:$0x0] =	sbarrier.arrive $0xFFFF;
	(pc) =	sbr.rel @p0 .LBB2_1-.Ltmp2, $4  }
0x8d: {  	[hbm:s11], [sflag:s6] =	dma.local [spmem:s13], $0x2780  }
0x8e: {  	_ =	swait.ge [sflag:s14], $0x2780  }
0x8f: {  	[sflag:s14] =	ssyncset.done $0x0  }
0x90: {  	[sflag:s14] =	ssyncadd.s32 $0xFFFFD880  }
0x91: {  	_ =	sfence.sel $0x180000  }
0x92: {  	[bflag:$0x0] =	sbarrier.arrive $0xFFFF  }
0x93: {  	p0 =	sne.s32 s1, $0x0;
	_ =	strace $0x9000004A  }
0x94: {  	s0 =	sadd.s32 @!p0 $0x100000, s0;
	[bflag:$0x2] =	sbarrier.arrive $0xFFFF  }
0x95: {  	[sflag:s0] =	ssyncadd.tile.s32 @!p0 $0x1;
	_ =	shalt  }
.Lfunc_end2:
_tile_overlayer_lowered:
.L_overlay_start_2:
0x96: {  	(tag) =	ssettag $0x2  }
0x97: {  	s0 =	rddreg [dreg:$0x0];
	s2 =	stileid.u32  }
0x98: {  	s1 =	rddreg [dreg:$0x1];
	p0 =	sne.s32 s2, $0x0  }
0x99: {  	s3 =	rddreg [dreg:$0x2];
	[bflag:$0x3] =	sbarrier.arrive $0xFFFF;
	s2 =	simm.s32 @!p0 $0x1C03  }
0x9a: {  	[timem:s3], [sflag:s2] =	dma.local @!p0 [hbm:s0], s1  }
0x9b: {  	s0 =	simm.s32 @!p0 $0x3  }
0x9c: {  	_ =	swait.ge @!p0 [sflag:s0], s1  }
0x9d: {  	s1 =	ssub.s32 @!p0 $0x0, s1;
	[sflag:s0] =	ssyncset.done @!p0 $0x0  }
0x9e: {  	[sflag:s0] =	ssyncadd.s32 @!p0 s1  }
0x9f: {  	[bflag:$0x3] =	sbarrier.arrive $0xFFFF  }
0xa0: {  	_ =	shalt  }

// kernel: kernel.16.cloned.1.call-start
scs
__scs_entry_jumppad:
0x0: {  	(pc) =	sbr.rel $0x88, $3  }
0x1: {  	(tag) =	ssettag $0x0;
	lr =	simm.s32 $0x1  }
0x2: {  	[smem:$0x3F93] =	sst lr;
	_ =	strace $0xD0000000  }
0x3: {  	_ = 	snop  }
0x4: {  	_ = 	snop  }
0x5: {  	_ = 	snop  }
0x6: {  	_ = 	snop  }
0x7: {  	_ = 	snop  }
__scs_overlays_trampoline_lowered:
0x8: {  	[smem:$0x3FA2] =	sst s0  }
0x9: {  	[smem:$0x3FA3] =	sst s1  }
0xa: {  	[smem:$0x3FA4] =	sst s2  }
0xb: {  	[smem:$0x3FA5] =	sst s3  }
0xc: {  	[smem:$0x3FA6] =	sst s4  }
0xd: {  	[smem:$0x3FA7] =	sst s5  }
0xe: {  	[smem:$0x3FA8] =	sst s6  }
0xf: {  	[smem:$0x3FA9] =	sst s7  }
0x10: {  	[smem:$0x3FAA] =	sst s8  }
0x11: {  	[smem:$0x3FAB] =	sst s9;
	s0 =	simm.s32 @!p0 $0x0  }
0x12: {  	s1 =	sld [smem:$0x3F91];
	s0 =	simm.s32 @p0 $0x1  }
0x13: {  	[smem:$0x3FAC] =	sst s0;
	s0 =	simm.s32 @!p1 $0x0  }
0x14: {  	s2 =	sld [smem:$0x3F90];
	s0 =	simm.s32 @p1 $0x1  }
0x15: {  	[smem:$0x3FAD] =	sst s0;
	s0 =	simm.s32 @!p2 $0x0  }
0x16: {  	s3 =	sld [smem:$0x3FDB];
	s0 =	simm.s32 @p2 $0x1  }
0x17: {  	s4 =	simm.s32 $0x1BF5;
	[smem:$0x3FAF] =	sst s0  }
0x18: {  	s0 =	sld [smem:$0x3F92];
	_ =	swait.ge [sflag:s4], $0x0  }
0x19: {  	s7 =	sld [smem:$0x3F93]  }
0x1a: {  	s8 =	sadd.s32 $0xFFFFE003, lr  }
0x1b: {  	s9 =	sadd.s32 $0xFFFFFEF7, lr;
	s5 =	simm.s32 $0xFFFFFFFF;
	p2 =	slt.u32 s8, $0xFFFFF086  }
0x1c: {  	p1 =	slt.u32 s9, $0xF7A;
	s5 =	simm.s32 @!p2 $0x0  }
0x1d: {  	s5 =	simm.s32 @p1 $0x1;
	p0 =	seq.s32 s7, s2  }
0x1e: {  	s7 =	smul.u32 @!p0 $0xF7A, s2;
	p2 =	seq.s32 @!p0 s5, $0x0  }
0x1f: {  	s9 =	smul.u32 $0xF7A, s1;
	s8 =	simm.s32 @!p0 $0x1BF5;
	p2 =	por !p2, p0  }
0x20: {  	[sflag:s8] =	ssyncset.s32 @!p0 $0xFFFFF086;
	s6 =	sadd.s32 @!p0 s3, s7;
	s7 =	simm.s32 @!p0 $0x108  }
0x21: {  	s3 =	sadd.s32 s3, s9;
	s6 =	sadd.s32 @!p0 $0x88, s6;
	s7 =	simm.s32 @p2 $0x1082  }
0x22: {  	[simem:s7], [sflag:s8] =	dma.local @!p0 [hbm:s6], $0xF7A  }
0x23: {  	s9 =	sor.u32 $0xD0000000, s2;
	s6 =	simm.s32 $0x108;
	_ =	swait.ge @!p0 [sflag:s8], $0x0  }
0x24: {  	s3 =	sadd.s32 $0x88, s3;
	s6 =	simm.s32 @!p1 $0x1082;
	[sflag:s4] =	ssyncset.s32 $0xFFFFF086  }
0x25: {  	[simem:s6], [sflag:s4] =	dma.local [hbm:s3], $0xF7A  }
0x26: {  	[smem:$0x3F93] =	sst s1;
	(tag) =	ssettag s2;
	_ =	strace s9  }
0x27: {  	s1 =	sld [smem:$0x3FA3]  }
0x28: {  	s2 =	sld [smem:$0x3FA4]  }
0x29: {  	s4 =	sld [smem:$0x3FA6]  }
0x2a: {  	p0 =	seq.s32 s5, $0x0;
	s5 =	sld [smem:$0x3FA7]  }
0x2b: {  	s6 =	sld [smem:$0x3FA8]  }
0x2c: {  	s7 =	sld [smem:$0x3FA9]  }
0x2d: {  	s3 =	simm.s32 $0x108;
	s8 =	sld [smem:$0x3FAA]  }
0x2e: {  	s3 =	simm.s32 @!p0 $0x1082;
	s9 =	sld [smem:$0x3FAB]  }
0x2f: {  	lr =	sadd.s32 s0, s3;
	s0 =	sld [smem:$0x3FA2]  }
0x30: {  	s3 =	sld [smem:$0x3FA5]  }
0x31: {  	[smem:$0x3FAE] =	sst s10  }
0x32: {  	s10 =	sld [smem:$0x3FAC];
	_ =	sdelay $0x3  }
0x33: {  	p0 =	seq.s32 s10, $0x1;
	s10 =	sld [smem:$0x3FAE];
	_ =	sdelay $0x3  }
0x34: {  	[smem:$0x3FAE] =	sst s10  }
0x35: {  	s10 =	sld [smem:$0x3FAD];
	_ =	sdelay $0x3  }
0x36: {  	p1 =	seq.s32 s10, $0x1;
	s10 =	sld [smem:$0x3FAE];
	_ =	sdelay $0x3  }
0x37: {  	[smem:$0x3FAE] =	sst s10  }
0x38: {  	s10 =	sld [smem:$0x3FAF]  }
0x39: {  	_ = 	snop;
	(pc) =	sbr.ind lr, $3  }
0x3a: {  	_ = 	snop  }
0x3b: {  	_ = 	snop  }
0x3c: {  	p2 =	seq.s32 s10, $0x1;
	s10 =	sld [smem:$0x3FAE]  }
0x3d: {  	_ =	shalt  }
0x3e: {  	_ =	shalt  }
0x3f: {  	_ =	shalt  }
0x40: {  	_ =	shalt  }
0x41: {  	_ =	shalt  }
0x42: {  	_ =	shalt  }
0x43: {  	_ =	shalt  }
0x44: {  	_ =	shalt  }
0x45: {  	_ =	shalt  }
0x46: {  	_ =	shalt  }
0x47: {  	_ =	shalt  }
0x48: {  	_ =	shalt  }
0x49: {  	_ =	shalt  }
0x4a: {  	_ =	shalt  }
0x4b: {  	_ =	shalt  }
0x4c: {  	_ =	shalt  }
0x4d: {  	_ =	shalt  }
0x4e: {  	_ =	shalt  }
0x4f: {  	_ =	shalt  }
0x50: {  	_ =	shalt  }
0x51: {  	_ =	shalt  }
0x52: {  	_ =	shalt  }
0x53: {  	_ =	shalt  }
0x54: {  	_ =	shalt  }
0x55: {  	_ =	shalt  }
0x56: {  	_ =	shalt  }
0x57: {  	_ =	shalt  }
0x58: {  	_ =	shalt  }
0x59: {  	_ =	shalt  }
0x5a: {  	_ =	shalt  }
0x5b: {  	_ =	shalt  }
0x5c: {  	_ =	shalt  }
0x5d: {  	_ =	shalt  }
0x5e: {  	_ =	shalt  }
0x5f: {  	_ =	shalt  }
0x60: {  	_ =	shalt  }
0x61: {  	_ =	shalt  }
0x62: {  	_ =	shalt  }
0x63: {  	_ =	shalt  }
0x64: {  	_ =	shalt  }
0x65: {  	_ =	shalt  }
0x66: {  	_ =	shalt  }
0x67: {  	_ =	shalt  }
0x68: {  	_ =	shalt  }
0x69: {  	_ =	shalt  }
0x6a: {  	_ =	shalt  }
0x6b: {  	_ =	shalt  }
0x6c: {  	_ =	shalt  }
0x6d: {  	_ =	shalt  }
0x6e: {  	_ =	shalt  }
0x6f: {  	_ =	shalt  }
0x70: {  	_ =	shalt  }
0x71: {  	_ =	shalt  }
0x72: {  	_ =	shalt  }
0x73: {  	_ =	shalt  }
0x74: {  	_ =	shalt  }
0x75: {  	_ =	shalt  }
0x76: {  	_ =	shalt  }
0x77: {  	_ =	shalt  }
0x78: {  	_ =	shalt  }
0x79: {  	_ =	shalt  }
0x7a: {  	_ =	shalt  }
0x7b: {  	_ =	shalt  }
0x7c: {  	_ =	shalt  }
0x7d: {  	_ =	shalt  }
0x7e: {  	_ =	shalt  }
0x7f: {  	_ =	shalt  }
0x80: {  	_ =	shalt  }
0x81: {  	_ =	shalt  }
0x82: {  	_ =	shalt  }
0x83: {  	_ =	shalt  }
0x84: {  	_ =	shalt  }
0x85: {  	_ =	shalt  }
0x86: {  	_ =	shalt  }
0x87: {  	_ =	shalt  }
.Lfunc_end0:
.L_simem_size_0:
called_computation.2_lowered:
.L_overlay_start_0:
0x88: {  	s2 =	sld [smem:$0x3FD9]  }
0x89: {  	s3 =	sld [smem:$0x3FFE];
	_ =	sdelay $0x1  }
0x8a: {  	s1 =	srdreg.scid  }
0x8b: {  	s0 =	sand.u32 $0x1, s1  }
0x8c: {  	s16 =	sshll.u32 s0, $0xA;
	s2 =	sadd.s32 s3, s2  }
0x8d: {  	s2 =	sadd.s32 s2, s16  }
0x8e: {  	[smem:$0x3FBA] =	sst s2  }
0x8f: {  	_ = 	snop  }
0x90: {  	(tm) =	ssettm $0x1  }
0x91: {  	s17 =	sld [smem:$0x3FFB];
	_ =	sdelay $0x3  }
0x92: {  	_ =	strace s17  }
0x93: {  	s2 =	sld [smem:$0x3FFC];
	_ =	sdelay $0x3  }
0x94: {  	_ =	strace s2  }
0x95: {  	s2 =	sld [smem:$0x3FFD];
	_ =	sdelay $0x3  }
0x96: {  	_ =	strace s2  }
0x97: {  	_ =	strace $0x8FFFFFFF  }
0x98: {  	s18 =	sld [smem:$0x3FDB];
	_ =	sdelay $0x1  }
0x99: {  	s19 =	simm.s32 $_scs_section_size  }
0x9a: {  	s4 =	simm.s32 $_size__tile_overlayer_lowered;
	s5 =	simm.s32 $_tile_overlayer_lowered  }
0x9b: {  	s22 =	simm.s32 $0x1BFF;
	s21 =	sshll.u32 s5, $0x1;
	s2 =	sadd.s32 s19, s18  }
0x9c: {  	s6 =	simm.s32 $0x0;
	s20 =	sshll.u32 s4, $0x1;
	s4 =	sadd.s32 s21, s2  }
0x9d: {  	[timem:s6], [sflag:s22] =	dma.local [hbm:s4], s20  }
0x9e: {  	_ =	swait.ge [sflag:s22], s20  }
0x9f: {  	s3 =	ssub.s32 $0x0, s20;
	[sflag:s22] =	ssyncset.done $0x0  }
0xa0: {  	[sflag:s22] =	ssyncadd.s32 s3;
	_ =	sdelay $0x1  }
0xa1: {  	s23 =	simm.s32 $0x1B8B  }
0xa2: {  	_ =	swait.ge [sflag:s23], $0x1  }
0xa3: {  	[sflag:s23] =	ssyncset.done $0x0  }
0xa4: {  	s25 =	simm.s32 $0x1B8E;
	s24 =	sld [smem:$0x3FFE];
	[sflag:s23] =	ssyncadd.s32 $0xFFFFFFFF  }
0xa5: {  	s26 =	simm.s32 $execute0_lowered;
	[smem:$0x3FD2] =	sst s25  }
0xa6: {  	s4 =	sshll.u32 s26, $0x1;
	_ =	strace $0x8000004C;
	[dreg:$0x1] =	wrdreg $0xFFFFFFFF  }
0xa7: {  	s28 =	simm.s32 $_size_execute0_lowered;
	s2 =	sadd.s32 s2, s4;
	[dreg:$0x0] =	wrdreg $0x0  }
0xa8: {  	s4 =	sshll.u32 s28, $0x1;
	[dreg:$0x2] =	wrdreg s2  }
0xa9: {  	[dreg:$0x3] =	wrdreg s4  }
0xaa: {  	[dreg:$0x4] =	wrdreg $0xC0  }
0xab: {  	_ =	task [dreg:s6], $0x5FFFF  }
0xac: {  	[dreg:$0x1] =	wrdreg $0xFFFFFFFF  }
0xad: {  	[dreg:$0x0] =	wrdreg $0x60  }
0xae: {  	[dreg:$0x2] =	wrdreg s24  }
0xaf: {  	[dreg:$0x3] =	wrdreg $0xA8000  }
0xb0: {  	[dreg:$0x4] =	wrdreg $0x9  }
0xb1: {  	_ =	task.clear_ibuf [dreg:s6], $0x5FFFF;
	_ =	strace $0x9000004C  }
0xb2: {  	s29 =	simm.s32 $0x9;
	_ =	strace $0x8000004E  }
0xb3: {  	_ =	swait.ge [sflag:s29], $0x1  }
0xb4: {  	[sflag:s29] =	ssyncadd.s32 $0xFFFFFFFF  }
0xb5: {  	_ =	strace $0x9000004E  }
0xb6: {  	_ =	sfence  }
0xb7: {  	s30 =	sld [smem:$0x0];
	_ =	sdelay $0x2  }
0xb8: {  	s31 =	sshll.u32 s1, $0xD;
	s1 =	sshrl.u32 s1, $0x2  }
0xb9: {  	s3 =	sand.u32 $0x4000, s31;
	s1 =	sadd.s32 s1, s30  }
0xba: {  	s0 =	sor.u32 s3, s0;
	s1 =	sshll.u32 s1, $0x11  }
0xbb: {  	s0 =	sor.u32 s1, s0  }
0xbc: {  	s0 =	sadd.s32 $0x8F2B, s0  }
0xbd: {  	[sflag:s0] =	ssyncadd.remote.s32 $0x1  }
0xbe: {  	_ =	sfence.sel $0xFFFF  }
0xbf: {  	[dreg:$0x0] =	wrdreg $0xFFFFFFFF;
	(pc) =	sbr.abs _section_cstart, $3  }
0xc0: {  	[dreg:$0x1] =	wrdreg $0xFFFFFFFF  }
0xc1: {  	_ =	task.clear_ibuf [dreg:s6], $0x2FFFF;
	_ =	strace $0x9FFFFFFF  }
0xc2: {  	(tm) =	ssettm $0x7FFFFFFF  }
0xc3: {  	_ =	shalt  }
tec
execute0_lowered:
.L_overlay_start_1:
0x0: {  	(tag) =	ssettag $0x1  }
0x1: {  	s6 =	rddreg [dreg:$0x0]  }
0x2: {  	s2 =	rddreg [dreg:$0x1]  }
0x3: {  	s0 =	rddreg [dreg:$0x2]  }
0x4: {  	s3 =	simm.s32 $0x0;
	s4 =	srdreg.scid;
	s1 =	stileid.u32  }
0x5: {  	s16 =	simm.s32 $0x80;
	s17 =	simm.s32 $0x2800;
	s18 =	simm.s32 $0x6800  }
0x6: {  	s19 =	simm.s32 $0x1;
	s20 =	simm.s32 $0x2;
	s21 =	simm.s32 $0x2700  }
0x7: {  	s22 =	simm.s32 $0x2780;
	s23 =	simm.s32 $0x0;
	[smem:$0x7FF] =	sst s3  }
0x8: {  	s7 =	sand.u32 $0x1, s4;
	s8 =	smul.u32 $0x2780, s1;
	s9 =	sadd.s32 $0xD000, s6  }
0x9: {  	s11 =	sadd.s32 $0x3000, s6;
	s4 =	sadd.s32 $0x3E200, s6;
	s5 =	sadd.s32 $0x17000, s6  }
0xa: {  	s12 =	sshll.u32 s1, $0x1;
	s14 =	smul.u32 $0x4F000, s1;
	s29 =	sshll.u32 s1, $0x6  }
0xb: {  	s10 =	smul.u32 $0x27800, s7;
	s24 =	ssub.s32 $0x2, s7;
	s7 =	sor.u32 s7, s12  }
0xc: {  	_ =	strace $0x8000004D;
	s13 =	sshrl.u32 s24, $0x1;
	s26 =	smul.u32 $0x2800, s7  }
0xd: {  	s28 =	sshrl.u32 s14, $0x2;
	s30 =	smul.u32 $0x500, s7;
	s14 =	simm.s32 $0x3  }
0xe: {  	s8 =	sadd.s32 s8, s10;
	s13 =	ssub.s32 s24, s13;
	s15 =	sadd.s32 s28, s2  }
0xf: {  	s25 =	sadd.s32 s8, s6;
	s6 =	sor.u32 $0x1C03, s29;
	s31 =	sshrl.u32 s26, $0x3  }
0x10: {  	s7 =	sadd.s32 s9, s30;
	s8 =	sadd.s32 s11, s30;
	s12 =	smax.u32 s13, $0x1  }
0x11: {  	s13 =	sshrl.u32 s15, $0x3;
	s15 =	simm.s32 $0x1400;
	s10 =	sadd.s32 $0x280, s31  }
0x12: {  	s9 =	sadd.s32 s9, s10;
	s10 =	sadd.s32 s11, s10;
	s11 =	sadd.s32 $0x40A00, s25  }
.LBB2_1:
0x13: {  	[spmem:s13], [sflag:s6] =	dma.local [hbm:s4], $0x2780  }
0x14: {  	_ =	swait.ge [sflag:s14], $0x2780  }
0x15: {  	[sflag:s14] =	ssyncset.done $0x0  }
0x16: {  	[sflag:s14] =	ssyncadd.s32 $0xFFFFD880  }
0x17: {  	[bflag:$0x0] =	sbarrier.arrive $0xFFFF  }
0x18: {  	[tilespmem:s3], [sflag:$0x3] =	stream.linear.gather [hbm4b:s7+s3], $0x1400, $0x38;
	[tilespmem:$0x1E400] =	vst v63  }
0x19: {  	_ =	swait.ge [sflag:s14], $0x1400  }
0x1a: {  	[sflag:s14] =	ssyncset.done $0x0  }
0x1b: {  	[sflag:s14] =	ssyncadd.s32 $0xFFFFEC00  }
0x1c: {  	[tilespmem:s15], [sflag:$0x3] =	stream.linear.gather [hbm4b:s8+s3], $0x1400, $0x38;
	[tilespmem:$0x1E400] =	vst v63  }
0x1d: {  	_ =	swait.ge [sflag:s14], $0x1400  }
0x1e: {  	[sflag:s14] =	ssyncset.done $0x0  }
0x1f: {  	[sflag:s14] =	ssyncadd.s32 $0xFFFFEC00  }
0x20: {  	[tilespmem:s17], [sflag:$0x1] =	stream.indirect.gather [hbm4b:s5+s16], $0x80, s3, s16, $0xb8;
	[tilespmem:$0x1E400] =	vst v63  }
0x21: {  	_ = 	snop  }
0x22: {  	[tilespmem:s18], [sflag:$0x2] =	stream.indirect.gather [hbm4b:s5+s16], $0x80, s16, s16, $0xb8;
	[tilespmem:$0x1E400] =	vst v63  }
0x23: {  	_ =	swait.ge [sflag:s19], $0x4000  }
0x24: {  	[sflag:s19] =	ssyncset.done $0x0  }
0x25: {  	s24 =	simm.s32 $0x1400;
	[sflag:s19] =	ssyncadd.s32 $0xFFFFC000  }
0x26: {  	[spmem:s2] =	stream.indirect.scatter.add.f32 [tilespmem:s17], [sflag:$0x3], $0x80, s24, s16, $0xb8;
	[tilespmem:$0x1E400] =	vst v63  }
0x27: {  	_ =	swait.ge [sflag:s14], $0x4000  }
0x28: {  	[sflag:s14] =	ssyncset.done $0x0  }
0x29: {  	s30 =	simm.s32 $0x100;
	[sflag:s14] =	ssyncadd.s32 $0xFFFFC000  }
0x2a: {  	[tilespmem:s17], [sflag:$0x1] =	stream.indirect.gather [hbm4b:s5+s16], $0x80, s30, s16, $0xb8;
	[tilespmem:$0x1E400] =	vst v63  }
0x2b: {  	_ =	swait.ge [sflag:s20], $0x4000  }
0x2c: {  	[sflag:s20] =	ssyncset.done $0x0  }
0x2d: {  	s31 =	simm.s32 $0x1480;
	[sflag:s20] =	ssyncadd.s32 $0xFFFFC000  }
0x2e: {  	[spmem:s2] =	stream.indirect.scatter.add.f32 [tilespmem:s18], [sflag:$0x3], $0x80, s31, s16, $0xb8;
	[tilespmem:$0x1E400] =	vst v63  }
0x2f: {  	_ =	swait.ge [sflag:s14], $0x4000  }
0x30: {  	[sflag:s14] =	ssyncset.done $0x0  }
0x31: {  	s25 =	simm.s32 $0x180;
	s24 =	simm.s32 $0x400;
	[sflag:s14] =	ssyncadd.s32 $0xFFFFC000  }
.LBB2_2:
0x32: {  	[tilespmem:s18], [sflag:$0x2] =	stream.indirect.gather [hbm4b:s5+s16], $0x80, s25, s16, $0xb8;
	[tilespmem:$0x1E400] =	vst v63  }
0x33: {  	s25 =	smov.u32 s24  }
0x34: {  	p0 =	sne.s32 s24, $0x4800;
	s24 =	sadd.s32 $0x400, s24;
	_ =	swait.ge [sflag:s19], $0x4000  }
0x35: {  	s25 =	sshra.s32 s25, $0x2;
	[sflag:s19] =	ssyncset.done $0x0  }
0x36: {  	s26 =	sadd.s32 $0x1400, s25;
	[sflag:s19] =	ssyncadd.s32 $0xFFFFC000  }
0x37: {  	[spmem:s2] =	stream.indirect.scatter.add.f32 [tilespmem:s17], [sflag:$0x3], $0x80, s26, s16, $0xb8;
	[tilespmem:$0x1E400] =	vst v63  }
0x38: {  	_ =	swait.ge [sflag:s14], $0x4000  }
0x39: {  	[sflag:s14] =	ssyncset.done $0x0  }
0x3a: {  	s26 =	sadd.s32 $0x100, s25;
	[sflag:s14] =	ssyncadd.s32 $0xFFFFC000  }
0x3b: {  	[tilespmem:s17], [sflag:$0x1] =	stream.indirect.gather [hbm4b:s5+s16], $0x80, s26, s16, $0xb8;
	[tilespmem:$0x1E400] =	vst v63  }
0x3c: {  	_ =	swait.ge [sflag:s20], $0x4000  }
0x3d: {  	[sflag:s20] =	ssyncset.done $0x0  }
.Ltmp0:
0x3e: {  	s26 =	sadd.s32 $0x1480, s25;
	[sflag:s20] =	ssyncadd.s32 $0xFFFFC000;
	(pc) =	sbr.rel @p0 .LBB2_2-.Ltmp0, $4  }
0x3f: {  	[spmem:s2] =	stream.indirect.scatter.add.f32 [tilespmem:s18], [sflag:$0x3], $0x80, s26, s16, $0xb8;
	[tilespmem:$0x1E400] =	vst v63  }
0x40: {  	_ =	swait.ge [sflag:s14], $0x4000  }
0x41: {  	[sflag:s14] =	ssyncset.done $0x0  }
0x42: {  	s25 =	sadd.s32 $0x180, s25;
	[sflag:s14] =	ssyncadd.s32 $0xFFFFC000  }
0x43: {  	[tilespmem:s18], [sflag:$0x2] =	stream.indirect.gather [hbm4b:s5+s16], $0x80, s25, s16, $0xb8;
	[tilespmem:$0x1E400] =	vst v63  }
0x44: {  	_ =	swait.ge [sflag:s19], $0x4000  }
0x45: {  	[sflag:s19] =	ssyncset.done $0x0  }
0x46: {  	[sflag:s19] =	ssyncadd.s32 $0xFFFFC000  }
0x47: {  	[spmem:s2] =	stream.indirect.scatter.add.f32 [tilespmem:s17], [sflag:$0x3], $0x80, s21, s16, $0xb8;
	[tilespmem:$0x1E400] =	vst v63  }
0x48: {  	_ =	swait.ge [sflag:s14], $0x4000  }
0x49: {  	[sflag:s14] =	ssyncset.done $0x0  }
0x4a: {  	[sflag:s14] =	ssyncadd.s32 $0xFFFFC000  }
0x4b: {  	_ =	swait.ge [sflag:s20], $0x4000  }
0x4c: {  	[sflag:s20] =	ssyncset.done $0x0  }
0x4d: {  	[sflag:s20] =	ssyncadd.s32 $0xFFFFC000  }
0x4e: {  	[spmem:s2] =	stream.indirect.scatter.add.f32 [tilespmem:s18], [sflag:$0x3], $0x80, s22, s16, $0xb8;
	[tilespmem:$0x1E400] =	vst v63  }
0x4f: {  	_ =	swait.ge [sflag:s14], $0x4000  }
0x50: {  	[sflag:s14] =	ssyncset.done $0x0  }
0x51: {  	s24 =	simm.s32 $0x0;
	[sflag:s14] =	ssyncadd.s32 $0xFFFFC000  }
0x52: {  	[tilespmem:s24], [sflag:$0x3] =	stream.linear.gather [hbm4b:s9+s24], $0x1400, $0x38;
	[tilespmem:$0x1E400] =	vst v63  }
0x53: {  	_ =	swait.ge [sflag:s14], $0x1400  }
0x54: {  	[sflag:s14] =	ssyncset.done $0x0  }
0x55: {  	[sflag:s14] =	ssyncadd.s32 $0xFFFFEC00  }
0x56: {  	[tilespmem:s15], [sflag:$0x3] =	stream.linear.gather [hbm4b:s10+s24], $0x1400, $0x38;
	[tilespmem:$0x1E400] =	vst v63  }
0x57: {  	_ =	swait.ge [sflag:s14], $0x1400  }
0x58: {  	[sflag:s14] =	ssyncset.done $0x0  }
0x59: {  	[sflag:s14] =	ssyncadd.s32 $0xFFFFEC00  }
0x5a: {  	[tilespmem:s17], [sflag:$0x1] =	stream.indirect.gather [hbm4b:s5+s16], $0x80, s24, s16, $0xb8;
	[tilespmem:$0x1E400] =	vst v63  }
0x5b: {  	_ = 	snop  }
0x5c: {  	[tilespmem:s18], [sflag:$0x2] =	stream.indirect.gather [hbm4b:s5+s16], $0x80, s16, s16, $0xb8;
	[tilespmem:$0x1E400] =	vst v63  }
0x5d: {  	_ =	swait.ge [sflag:s19], $0x4000  }
0x5e: {  	[sflag:s19] =	ssyncset.done $0x0  }
0x5f: {  	s29 =	simm.s32 $0x1400;
	[sflag:s19] =	ssyncadd.s32 $0xFFFFC000  }
0x60: {  	[spmem:s2] =	stream.indirect.scatter.add.f32 [tilespmem:s17], [sflag:$0x3], $0x80, s29, s16, $0xb8;
	[tilespmem:$0x1E400] =	vst v63  }
0x61: {  	_ =	swait.ge [sflag:s14], $0x4000  }
0x62: {  	[sflag:s14] =	ssyncset.done $0x0  }
0x63: {  	s30 =	simm.s32 $0x100;
	[sflag:s14] =	ssyncadd.s32 $0xFFFFC000  }
0x64: {  	[tilespmem:s17], [sflag:$0x1] =	stream.indirect.gather [hbm4b:s5+s16], $0x80, s30, s16, $0xb8;
	[tilespmem:$0x1E400] =	vst v63  }
0x65: {  	_ =	swait.ge [sflag:s20], $0x4000  }
0x66: {  	[sflag:s20] =	ssyncset.done $0x0  }
0x67: {  	s31 =	simm.s32 $0x1480;
	[sflag:s20] =	ssyncadd.s32 $0xFFFFC000  }
0x68: {  	[spmem:s2] =	stream.indirect.scatter.add.f32 [tilespmem:s18], [sflag:$0x3], $0x80, s31, s16, $0xb8;
	[tilespmem:$0x1E400] =	vst v63  }
0x69: {  	_ =	swait.ge [sflag:s14], $0x4000  }
0x6a: {  	[sflag:s14] =	ssyncset.done $0x0  }
0x6b: {  	s25 =	simm.s32 $0x180;
	s24 =	simm.s32 $0x400;
	[sflag:s14] =	ssyncadd.s32 $0xFFFFC000  }
.LBB2_4:
0x6c: {  	[tilespmem:s18], [sflag:$0x2] =	stream.indirect.gather [hbm4b:s5+s16], $0x80, s25, s16, $0xb8;
	[tilespmem:$0x1E400] =	vst v63  }
0x6d: {  	s25 =	smov.u32 s24  }
0x6e: {  	p0 =	sne.s32 s24, $0x4800;
	s24 =	sadd.s32 $0x400, s24;
	_ =	swait.ge [sflag:s19], $0x4000  }
0x6f: {  	s25 =	sshra.s32 s25, $0x2;
	[sflag:s19] =	ssyncset.done $0x0  }
0x70: {  	s26 =	sadd.s32 $0x1400, s25;
	[sflag:s19] =	ssyncadd.s32 $0xFFFFC000  }
0x71: {  	[spmem:s2] =	stream.indirect.scatter.add.f32 [tilespmem:s17], [sflag:$0x3], $0x80, s26, s16, $0xb8;
	[tilespmem:$0x1E400] =	vst v63  }
0x72: {  	_ =	swait.ge [sflag:s14], $0x4000  }
0x73: {  	[sflag:s14] =	ssyncset.done $0x0  }
0x74: {  	s26 =	sadd.s32 $0x100, s25;
	[sflag:s14] =	ssyncadd.s32 $0xFFFFC000  }
0x75: {  	[tilespmem:s17], [sflag:$0x1] =	stream.indirect.gather [hbm4b:s5+s16], $0x80, s26, s16, $0xb8;
	[tilespmem:$0x1E400] =	vst v63  }
0x76: {  	_ =	swait.ge [sflag:s20], $0x4000  }
0x77: {  	[sflag:s20] =	ssyncset.done $0x0  }
.Ltmp1:
0x78: {  	s26 =	sadd.s32 $0x1480, s25;
	[sflag:s20] =	ssyncadd.s32 $0xFFFFC000;
	(pc) =	sbr.rel @p0 .LBB2_4-.Ltmp1, $4  }
0x79: {  	[spmem:s2] =	stream.indirect.scatter.add.f32 [tilespmem:s18], [sflag:$0x3], $0x80, s26, s16, $0xb8;
	[tilespmem:$0x1E400] =	vst v63  }
0x7a: {  	_ =	swait.ge [sflag:s14], $0x4000  }
0x7b: {  	[sflag:s14] =	ssyncset.done $0x0  }
0x7c: {  	s25 =	sadd.s32 $0x180, s25;
	[sflag:s14] =	ssyncadd.s32 $0xFFFFC000  }
0x7d: {  	[tilespmem:s18], [sflag:$0x2] =	stream.indirect.gather [hbm4b:s5+s16], $0x80, s25, s16, $0xb8;
	[tilespmem:$0x1E400] =	vst v63  }
0x7e: {  	_ =	swait.ge [sflag:s19], $0x4000  }
0x7f: {  	[sflag:s19] =	ssyncset.done $0x0  }
0x80: {  	[sflag:s19] =	ssyncadd.s32 $0xFFFFC000  }
0x81: {  	[spmem:s2] =	stream.indirect.scatter.add.f32 [tilespmem:s17], [sflag:$0x3], $0x80, s21, s16, $0xb8;
	[tilespmem:$0x1E400] =	vst v63  }
0x82: {  	_ =	swait.ge [sflag:s14], $0x4000  }
0x83: {  	[sflag:s14] =	ssyncset.done $0x0  }
0x84: {  	[sflag:s14] =	ssyncadd.s32 $0xFFFFC000  }
0x85: {  	_ =	swait.ge [sflag:s20], $0x4000  }
0x86: {  	[sflag:s20] =	ssyncset.done $0x0  }
0x87: {  	[sflag:s20] =	ssyncadd.s32 $0xFFFFC000  }
0x88: {  	[spmem:s2] =	stream.indirect.scatter.add.f32 [tilespmem:s18], [sflag:$0x3], $0x80, s22, s16, $0xb8;
	[tilespmem:$0x1E400] =	vst v63  }
0x89: {  	_ =	swait.ge [sflag:s14], $0x4000  }
0x8a: {  	s23 =	sadd.s32 $0x1, s23;
	[sflag:s14] =	ssyncset.done $0x0  }
0x8b: {  	p0 =	sne.s32 s23, s12;
	[sflag:s14] =	ssyncadd.s32 $0xFFFFC000  }
.Ltmp2:
0x8c: {  	[bflag:$0x0] =	sbarrier.arrive $0xFFFF;
	(pc) =	sbr.rel @p0 .LBB2_1-.Ltmp2, $4  }
0x8d: {  	[hbm:s11], [sflag:s6] =	dma.local [spmem:s13], $0x2780  }
0x8e: {  	_ =	swait.ge [sflag:s14], $0x2780  }
0x8f: {  	[sflag:s14] =	ssyncset.done $0x0  }
0x90: {  	[sflag:s14] =	ssyncadd.s32 $0xFFFFD880  }
0x91: {  	_ =	sfence.sel $0x180000  }
0x92: {  	[bflag:$0x0] =	sbarrier.arrive $0xFFFF  }
0x93: {  	p0 =	sne.s32 s1, $0x0;
	_ =	strace $0x9000004D  }
0x94: {  	s0 =	sadd.s32 @!p0 $0x100000, s0;
	[bflag:$0x2] =	sbarrier.arrive $0xFFFF  }
0x95: {  	[sflag:s0] =	ssyncadd.tile.s32 @!p0 $0x1;
	_ =	shalt  }
.Lfunc_end2:
_tile_overlayer_lowered:
.L_overlay_start_2:
0x96: {  	(tag) =	ssettag $0x2  }
0x97: {  	s0 =	rddreg [dreg:$0x0];
	s2 =	stileid.u32  }
0x98: {  	s1 =	rddreg [dreg:$0x1];
	p0 =	sne.s32 s2, $0x0  }
0x99: {  	s3 =	rddreg [dreg:$0x2];
	[bflag:$0x3] =	sbarrier.arrive $0xFFFF;
	s2 =	simm.s32 @!p0 $0x1C03  }
0x9a: {  	[timem:s3], [sflag:s2] =	dma.local @!p0 [hbm:s0], s1  }
0x9b: {  	s0 =	simm.s32 @!p0 $0x3  }
0x9c: {  	_ =	swait.ge @!p0 [sflag:s0], s1  }
0x9d: {  	s1 =	ssub.s32 @!p0 $0x0, s1;
	[sflag:s0] =	ssyncset.done @!p0 $0x0  }
0x9e: {  	[sflag:s0] =	ssyncadd.s32 @!p0 s1  }
0x9f: {  	[bflag:$0x3] =	sbarrier.arrive $0xFFFF  }
0xa0: {  	_ =	shalt  }

</sc_bundles>
